<compile_context>
chip_gen: v7x
topology: tpu7x:2x2x1
jax: 0.10.2.dev20260603
libtpu: 0.0.44.dev20260713+nightly
codegen_flags: <defaults>
</compile_context>

<pallas_src>
import functools

import jax
import jax.numpy as jnp
from jax import lax
from jax.experimental import pallas as pl
from jax.experimental.pallas import tpu as pltpu
from jax.experimental.pallas import tpu_sc as plsc

K = 16
B, C, W = 4, 1024, 8192
NUM_WORKERS = 32
C_PER_WORKER = C // (NUM_WORKERS // B)
RC = 2
N_CHUNKS = C_PER_WORKER // RC
N_PAIRS = N_CHUNKS // 2
WINDOWS_PER_ROW = W // K
UNROLL = 16

_mesh = plsc.VectorSubcoreMesh(core_axis_name="c", subcore_axis_name="s")


@functools.partial(
    pl.kernel,
    out_type=jax.ShapeDtypeStruct((B, C, W), jnp.float32),
    mesh=_mesh,
    compiler_params=pltpu.CompilerParams(needs_layout_passes=False),
    scratch_types=[
        pltpu.VMEM((RC, W), jnp.float32),
        pltpu.VMEM((RC, W), jnp.float32),
        pltpu.VMEM((RC, W), jnp.float32),
        pltpu.VMEM((RC, W), jnp.float32),
        pltpu.SemaphoreType.DMA,
        pltpu.SemaphoreType.DMA,
        pltpu.SemaphoreType.DMA,
        pltpu.SemaphoreType.DMA,
    ],
)
def _extrema_pool_sc(x_hbm, out_hbm, in0, in1, ot0, ot1,
                     sin0, sin1, sot0, sot1):
    wid = lax.axis_index("s") * 2 + lax.axis_index("c")
    b = wid // (NUM_WORKERS // B)
    c_base = (wid % (NUM_WORKERS // B)) * C_PER_WORKER
    lane = lax.iota(jnp.int32, K)

    def start_in(g, buf, sem):
        pltpu.make_async_copy(
            x_hbm.at[b, pl.ds(c_base + g * RC, RC), :], buf, sem).start()

    def wait_in(g, buf, sem):
        pltpu.make_async_copy(
            x_hbm.at[b, pl.ds(c_base + g * RC, RC), :], buf, sem).wait()

    def start_out(g, buf, sem):
        pltpu.make_async_copy(
            buf, out_hbm.at[b, pl.ds(c_base + g * RC, RC), :], sem).start()

    def wait_out(g, buf, sem):
        pltpu.make_async_copy(
            buf, out_hbm.at[b, pl.ds(c_base + g * RC, RC), :], sem).wait()

    def compute(inb, outb):
        for r in range(RC):
            def win_body(i, carry):
                off = i * (K * UNROLL)
                for u in range(UNROLL):
                    o = off + u * K
                    xv = inb[r, pl.ds(o, K)]
                    a = jnp.abs(xv)
                    _, sidx = plsc.sort_key_val(a, lane, descending=True)
                    outb[r, pl.ds(o, K)] = jnp.where(lane == sidx[0], xv, 0.0)
                return carry

            lax.fori_loop(0, WINDOWS_PER_ROW // UNROLL, win_body, 0)

    start_in(0, in0, sin0)
    start_in(1, in1, sin1)

    def pair_body(i, carry):
        g0 = 2 * i

        @pl.when(i > 0)
        def _():
            wait_out(g0 - 2, ot0, sot0)

        wait_in(g0, in0, sin0)
        compute(in0, ot0)
        start_out(g0, ot0, sot0)

        @pl.when(i < N_PAIRS - 1)
        def _():
            start_in(g0 + 2, in0, sin0)

        @pl.when(i > 0)
        def _():
            wait_out(g0 - 1, ot1, sot1)

        wait_in(g0 + 1, in1, sin1)
        compute(in1, ot1)
        start_out(g0 + 1, ot1, sot1)

        @pl.when(i < N_PAIRS - 1)
        def _():
            start_in(g0 + 3, in1, sin1)

        return carry

    lax.fori_loop(0, N_PAIRS, pair_body, 0)
    wait_out(N_CHUNKS - 2, ot0, sot0)
    wait_out(N_CHUNKS - 1, ot1, sot1)


def kernel(input):
    return _extrema_pool_sc(input)

# --- scband reference (transcript-rebuilt; emitter-appended) ---
"""Pipeline reference for scband-extrema-pool-indices1-d-33938831573314 (READ-ONLY COPY).

The authoritative reference and input builder live on the scoring server;
editing this copy changes nothing except your own understanding.
"""

import jax, jax.numpy as jnp
import numpy as np

K = 16

def setup_inputs(seed: int = 0) -> dict:
    key = jax.random.key(seed)
    x = jax.random.normal(key, (4, 1024, 8192), dtype=jnp.float32)
    return {"input": x}

def reference(input):
    # ExtremaPoolIndices1D: max_pool1d_with_indices on |x| (kernel=stride=K),
    # then scatter the original x values at the extrema indices into zeros.
    k = K
    B, C, W = input.shape
    nw = (W - k) // k + 1  # number of pooling windows (stride == kernel_size)
    xr = jnp.abs(input)[:, :, : nw * k].reshape(B, C, nw, k)
    local = jnp.argmax(xr, axis=-1)  # first-max tie-break, same as torch
    idx = local + jnp.arange(nw)[None, None, :] * k  # global indices [B, C, nw]
    vals = jnp.take_along_axis(input, idx, axis=-1)  # gather original (signed) values
    b = jnp.arange(B)[:, None, None]
    c = jnp.arange(C)[None, :, None]
    # indices within a row are distinct (non-overlapping windows), so .set is exact
    out = jnp.zeros_like(input).at[b, c, idx].set(vals)
    return out

if __name__ == "__main__":
    import jax
    _d = setup_inputs()
    print(jax.jit(kernel)(*tuple(_d.values())))

</pallas_src>

<mosaic_0001>
#map = affine_map<(d0, d1) -> (0, 0, 0)>
module attributes {stable_mosaic.version = 14 : i64} {
  func.func @_extrema_pool_sc(%arg0: i32, %arg1: i32, %arg2: memref<4x1024x8192xf32, #tpu.memory_space<hbm>>, %arg3: memref<4x1024x8192xf32, #tpu.memory_space<hbm>>, %arg4: memref<2x8192xf32, #tpu.memory_space<vmem>>, %arg5: memref<2x8192xf32, #tpu.memory_space<vmem>>, %arg6: memref<2x8192xf32, #tpu.memory_space<vmem>>, %arg7: memref<2x8192xf32, #tpu.memory_space<vmem>>, %arg8: memref<!tpu.dma_semaphore, #tpu.memory_space<semaphore_mem>>, %arg9: memref<!tpu.dma_semaphore, #tpu.memory_space<semaphore_mem>>, %arg10: memref<!tpu.dma_semaphore, #tpu.memory_space<semaphore_mem>>, %arg11: memref<!tpu.dma_semaphore, #tpu.memory_space<semaphore_mem>>) attributes {dimension_semantics = [#tpu.dimension_semantics<core_parallel>, #tpu.dimension_semantics<subcore_parallel>], iteration_bounds = array<i64: 2, 16>, scalar_prefetch = 0 : i64, scratch_operands = 8 : i64, tpu.core_type = #tpu.core_type<sc_vector_subcore>, window_params = [{transform_indices = #map}, {transform_indices = #map}]} {
    %mul3A = arith.constant 2 : i32
    %mul3A_0 = arith.muli %arg1, %mul3A : i32
    %add3A = arith.addi %mul3A_0, %arg0 : i32
    %jit3A = arith.constant 8 : i32
    %div3A = arith.divsi %add3A, %jit3A : i32
    %sign3A = arith.constant 0 : i32
    %sign3A_1 = arith.cmpi sgt, %add3A, %sign3A : i32
    %sign3A_2 = arith.extui %sign3A_1 : i1 to i32
    %sign3A_3 = arith.constant 0 : i32
    %sign3A_4 = arith.cmpi slt, %add3A, %sign3A_3 : i32
    %sign3A_5 = arith.extui %sign3A_4 : i1 to i32
    %sign3A_6 = arith.subi %sign3A_2, %sign3A_5 : i32
    %sign3A_7 = arith.constant 0 : i32
    %sign3A_8 = arith.cmpi sgt, %jit3A, %sign3A_7 : i32
    %sign3A_9 = arith.extui %sign3A_8 : i1 to i32
    %sign3A_10 = arith.constant 0 : i32
    %sign3A_11 = arith.cmpi slt, %jit3A, %sign3A_10 : i32
    %sign3A_12 = arith.extui %sign3A_11 : i1 to i32
    %sign3A_13 = arith.subi %sign3A_9, %sign3A_12 : i32
    %ne3A = arith.cmpi ne, %sign3A_6, %sign3A_13 : i32
    %rem3A = arith.remsi %add3A, %jit3A : i32
    %ne3A_14 = arith.constant 0 : i32
    %ne3A_15 = arith.cmpi ne, %rem3A, %ne3A_14 : i32
    %and3A = arith.andi %ne3A, %ne3A_15 : i1
    %sub3A = arith.constant 1 : i32
    %sub3A_16 = arith.subi %div3A, %sub3A : i32
    %select_n3A = arith.select %and3A, %sub3A_16, %div3A : i32
    %jit3A_17 = arith.constant 8 : i32
    %eq3A = arith.constant 0 : i32
    %eq3A_18 = arith.cmpi eq, %jit3A_17, %eq3A : i32
    %jit3A_19 = arith.constant 1 : i32
    %select_n3A_20 = arith.select %eq3A_18, %jit3A_19, %jit3A_17 : i32
    %rem3A_21 = arith.remsi %add3A, %select_n3A_20 : i32
    %ne3A_22 = arith.constant 0 : i32
    %ne3A_23 = arith.cmpi ne, %rem3A_21, %ne3A_22 : i32
    %lt3A = arith.constant 0 : i32
    %lt3A_24 = arith.cmpi slt, %rem3A_21, %lt3A : i32
    %lt3A_25 = arith.constant 0 : i32
    %lt3A_26 = arith.cmpi slt, %select_n3A_20, %lt3A_25 : i32
    %ne3A_27 = arith.xori %lt3A_24, %lt3A_26 : i1
    %and3A_28 = arith.andi %ne3A_27, %ne3A_23 : i1
    %add3A_29 = arith.addi %rem3A_21, %select_n3A_20 : i32
    %select_n3A_30 = arith.select %and3A_28, %add3A_29, %rem3A_21 : i32
    %mul3A_31 = arith.constant 128 : i32
    %mul3A_32 = arith.muli %select_n3A_30, %mul3A_31 : i32
    %iota3A = tpu.iota {dimensions = array<i32: 0>} : vector<16xi32>
    %add3A_33 = arith.constant 0 : i32
    %add3A_34 = arith.addi %mul3A_32, %add3A_33 : i32
    %dma_start3A = arith.constant 0 : i32
    %dma_start3A_35 = tpu.memref_slice %arg2[%select_n3A, %add3A_34, %dma_start3A] : memref<4x1024x8192xf32, #tpu.memory_space<hbm>> -> memref<1x2x8192xf32, #tpu.memory_space<hbm>>
    %dma_start3A_36 = tpu.memref_squeeze %dma_start3A_35 : memref<1x2x8192xf32, #tpu.memory_space<hbm>> -> memref<2x8192xf32, #tpu.memory_space<hbm>>
    %dma_start3A_37 = arith.constant 0 : i32
    %dma_start3A_38 = tpu.memref_slice %arg2[%select_n3A, %add3A_34, %dma_start3A_37] : memref<4x1024x8192xf32, #tpu.memory_space<hbm>> -> memref<1x2x8192xf32, #tpu.memory_space<hbm>>
    %dma_start3A_39 = tpu.memref_squeeze %dma_start3A_38 : memref<1x2x8192xf32, #tpu.memory_space<hbm>> -> memref<2x8192xf32, #tpu.memory_space<hbm>>
    tpu.enqueue_dma source(%dma_start3A_39 : memref<2x8192xf32, #tpu.memory_space<hbm>>) target(%arg4 : memref<2x8192xf32, #tpu.memory_space<vmem>>) target_semaphore(%arg8 : memref<!tpu.dma_semaphore, #tpu.memory_space<semaphore_mem>>)
    %add3A_40 = arith.constant 2 : i32
    %add3A_41 = arith.addi %mul3A_32, %add3A_40 : i32
    %dma_start3A_42 = arith.constant 0 : i32
    %dma_start3A_43 = tpu.memref_slice %arg2[%select_n3A, %add3A_41, %dma_start3A_42] : memref<4x1024x8192xf32, #tpu.memory_space<hbm>> -> memref<1x2x8192xf32, #tpu.memory_space<hbm>>
    %dma_start3A_44 = tpu.memref_squeeze %dma_start3A_43 : memref<1x2x8192xf32, #tpu.memory_space<hbm>> -> memref<2x8192xf32, #tpu.memory_space<hbm>>
    %dma_start3A_45 = arith.constant 0 : i32
    %dma_start3A_46 = tpu.memref_slice %arg2[%select_n3A, %add3A_41, %dma_start3A_45] : memref<4x1024x8192xf32, #tpu.memory_space<hbm>> -> memref<1x2x8192xf32, #tpu.memory_space<hbm>>
    %dma_start3A_47 = tpu.memref_squeeze %dma_start3A_46 : memref<1x2x8192xf32, #tpu.memory_space<hbm>> -> memref<2x8192xf32, #tpu.memory_space<hbm>>
    tpu.enqueue_dma source(%dma_start3A_47 : memref<2x8192xf32, #tpu.memory_space<hbm>>) target(%arg5 : memref<2x8192xf32, #tpu.memory_space<vmem>>) target_semaphore(%arg9 : memref<!tpu.dma_semaphore, #tpu.memory_space<semaphore_mem>>)
    %scan3A = arith.constant 0 : i32
    %scan3A_48 = arith.constant 0 : i32
    %scan3A_49 = arith.constant 32 : i32
    %scan3A_50 = arith.addi %scan3A_48, %scan3A_49 : i32
    %scan3A_51 = arith.constant 1 : i32
    scf.for %scan3A_68 = %scan3A_48 to %scan3A_50 step %scan3A_51  : i32 {
      %mul3A_69 = arith.constant 2 : i32
      %mul3A_70 = arith.muli %mul3A_69, %scan3A_68 : i32
      %gt3A = arith.constant 0 : i32
      %gt3A_71 = arith.cmpi sgt, %scan3A_68, %gt3A : i32
      %convert_element_type3A = arith.extui %gt3A_71 : i1 to i32
      %cond3A = arith.constant 0 : i32
      %cond3A_72 = arith.cmpi ne, %convert_element_type3A, %cond3A : i32
      scf.if %cond3A_72 {
        %sub3A_152 = arith.constant 2 : i32
        %sub3A_153 = arith.subi %mul3A_70, %sub3A_152 : i32
        %mul3A_154 = arith.constant 2 : i32
        %mul3A_155 = arith.muli %sub3A_153, %mul3A_154 : i32
        %add3A_156 = arith.addi %mul3A_32, %mul3A_155 : i32
        %dma_wait3A_157 = arith.constant 0 : i32
        %dma_wait3A_158 = tpu.memref_slice %arg3[%select_n3A, %add3A_156, %dma_wait3A_157] : memref<4x1024x8192xf32, #tpu.memory_space<hbm>> -> memref<1x2x8192xf32, #tpu.memory_space<hbm>>
        %dma_wait3A_159 = tpu.memref_squeeze %dma_wait3A_158 : memref<1x2x8192xf32, #tpu.memory_space<hbm>> -> memref<2x8192xf32, #tpu.memory_space<hbm>>
        %dma_wait3A_160 = arith.constant 0 : i32
        %dma_wait3A_161 = tpu.memref_slice %arg3[%select_n3A, %add3A_156, %dma_wait3A_160] : memref<4x1024x8192xf32, #tpu.memory_space<hbm>> -> memref<1x2x8192xf32, #tpu.memory_space<hbm>>
        %dma_wait3A_162 = tpu.memref_squeeze %dma_wait3A_161 : memref<1x2x8192xf32, #tpu.memory_space<hbm>> -> memref<2x8192xf32, #tpu.memory_space<hbm>>
        tpu.wait_dma2 semaphore(%arg10 : memref<!tpu.dma_semaphore, #tpu.memory_space<semaphore_mem>>) src(%arg6 : memref<2x8192xf32, #tpu.memory_space<vmem>>) dst(%dma_wait3A_162 : memref<2x8192xf32, #tpu.memory_space<hbm>>)
      } else {
      }
      %mul3A_73 = arith.constant 2 : i32
      %mul3A_74 = arith.muli %mul3A_70, %mul3A_73 : i32
      %add3A_75 = arith.addi %mul3A_32, %mul3A_74 : i32
      %dma_wait3A_76 = arith.constant 0 : i32
      %dma_wait3A_77 = tpu.memref_slice %arg2[%select_n3A, %add3A_75, %dma_wait3A_76] : memref<4x1024x8192xf32, #tpu.memory_space<hbm>> -> memref<1x2x8192xf32, #tpu.memory_space<hbm>>
      %dma_wait3A_78 = tpu.memref_squeeze %dma_wait3A_77 : memref<1x2x8192xf32, #tpu.memory_space<hbm>> -> memref<2x8192xf32, #tpu.memory_space<hbm>>
      %dma_wait3A_79 = arith.constant 0 : i32
      %dma_wait3A_80 = tpu.memref_slice %arg2[%select_n3A, %add3A_75, %dma_wait3A_79] : memref<4x1024x8192xf32, #tpu.memory_space<hbm>> -> memref<1x2x8192xf32, #tpu.memory_space<hbm>>
      %dma_wait3A_81 = tpu.memref_squeeze %dma_wait3A_80 : memref<1x2x8192xf32, #tpu.memory_space<hbm>> -> memref<2x8192xf32, #tpu.memory_space<hbm>>
      tpu.wait_dma2 semaphore(%arg8 : memref<!tpu.dma_semaphore, #tpu.memory_space<semaphore_mem>>) src(%dma_wait3A_81 : memref<2x8192xf32, #tpu.memory_space<hbm>>) dst(%arg4 : memref<2x8192xf32, #tpu.memory_space<vmem>>)
      %scan3A_82 = arith.constant 0 : i32
      %scan3A_83 = arith.constant 0 : i32
      %scan3A_84 = arith.constant 32 : i32
      %scan3A_85 = arith.addi %scan3A_83, %scan3A_84 : i32
      %scan3A_86 = arith.constant 1 : i32
      scf.for %scan3A_152 = %scan3A_83 to %scan3A_85 step %scan3A_86  : i32 {
        %mul3A_153 = arith.constant 256 : i32
        %mul3A_154 = arith.muli %scan3A_152, %mul3A_153 : i32
        %add3A_155 = arith.constant 0 : i32
        %add3A_156 = arith.addi %mul3A_154, %add3A_155 : i32
        %get3A = arith.constant 0 : i32
        %get3A_157 = arith.index_cast %get3A : i32 to index
        %get3A_158 = arith.index_cast %add3A_156 : i32 to index
        %get3A_159 = tpu.vector_load %arg4[%get3A_157, %get3A_158] {strides = array<i32>} : memref<2x8192xf32, #tpu.memory_space<vmem>>, vector<16xf32>,
        %abs3A = math.absf %get3A_159 : vector<16xf32>
        %masked_sort3A = arith.constant dense<true> : vector<16xi1>
        %masked_sort3A_160, %masked_sort3A_161, %masked_sort3A_162 = tpu.sort %abs3A, %iota3A masked %masked_sort3A {descending = true} : (vector<16xf32>, vector<16xi32>, vector<16xi1>) -> (vector<16xi1>, vector<16xf32>, vector<16xi32>)
        %slice3A = vector.extract_strided_slice %masked_sort3A_162 {offsets = [0], sizes = [1], strides = [1]} : vector<16xi32> to vector<1xi32>
        %squeeze3A = vector.extract %slice3A[0] : i32 from vector<1xi32>
        %eq3A_163 = vector.broadcast %squeeze3A : i32 to vector<16xi32>
        %eq3A_164 = arith.cmpi eq, %iota3A, %eq3A_163 : vector<16xi32>
        %jit3A_165 = arith.constant 0.000000e+00 : f32
        %broadcast_in_dim3A = vector.broadcast %jit3A_165 : f32 to vector<16xf32>
        %select_n3A_166 = arith.select %eq3A_164, %get3A_159, %broadcast_in_dim3A : vector<16xi1>, vector<16xf32>
        %swap3A = arith.constant 0 : i32
        %swap3A_167 = arith.index_cast %swap3A : i32 to index
        %swap3A_168 = arith.index_cast %add3A_156 : i32 to index
        %swap3A_169 = tpu.vector_load %arg6[%swap3A_167, %swap3A_168] {strides = array<i32>} : memref<2x8192xf32, #tpu.memory_space<vmem>>, vector<16xf32>,
        tpu.vector_store %arg6[%swap3A_167, %swap3A_168], %select_n3A_166 {strides = array<i32>} : memref<2x8192xf32, #tpu.memory_space<vmem>>, vector<16xf32>,
        %add3A_170 = arith.constant 16 : i32
        %add3A_171 = arith.addi %mul3A_154, %add3A_170 : i32
        %get3A_172 = arith.constant 0 : i32
        %get3A_173 = arith.index_cast %get3A_172 : i32 to index
        %get3A_174 = arith.index_cast %add3A_171 : i32 to index
        %get3A_175 = tpu.vector_load %arg4[%get3A_173, %get3A_174] {strides = array<i32>} : memref<2x8192xf32, #tpu.memory_space<vmem>>, vector<16xf32>,
        %abs3A_176 = math.absf %get3A_175 : vector<16xf32>
        %masked_sort3A_177 = arith.constant dense<true> : vector<16xi1>
        %masked_sort3A_178, %masked_sort3A_179, %masked_sort3A_180 = tpu.sort %abs3A_176, %iota3A masked %masked_sort3A_177 {descending = true} : (vector<16xf32>, vector<16xi32>, vector<16xi1>) -> (vector<16xi1>, vector<16xf32>, vector<16xi32>)
        %slice3A_181 = vector.extract_strided_slice %masked_sort3A_180 {offsets = [0], sizes = [1], strides = [1]} : vector<16xi32> to vector<1xi32>
        %squeeze3A_182 = vector.extract %slice3A_181[0] : i32 from vector<1xi32>
        %eq3A_183 = vector.broadcast %squeeze3A_182 : i32 to vector<16xi32>
        %eq3A_184 = arith.cmpi eq, %iota3A, %eq3A_183 : vector<16xi32>
        %jit3A_185 = arith.constant 0.000000e+00 : f32
        %broadcast_in_dim3A_186 = vector.broadcast %jit3A_185 : f32 to vector<16xf32>
        %select_n3A_187 = arith.select %eq3A_184, %get3A_175, %broadcast_in_dim3A_186 : vector<16xi1>, vector<16xf32>
        %swap3A_188 = arith.constant 0 : i32
        %swap3A_189 = arith.index_cast %swap3A_188 : i32 to index
        %swap3A_190 = arith.index_cast %add3A_171 : i32 to index
        %swap3A_191 = tpu.vector_load %arg6[%swap3A_189, %swap3A_190] {strides = array<i32>} : memref<2x8192xf32, #tpu.memory_space<vmem>>, vector<16xf32>,
        tpu.vector_store %arg6[%swap3A_189, %swap3A_190], %select_n3A_187 {strides = array<i32>} : memref<2x8192xf32, #tpu.memory_space<vmem>>, vector<16xf32>,
        %add3A_192 = arith.constant 32 : i32
        %add3A_193 = arith.addi %mul3A_154, %add3A_192 : i32
        %get3A_194 = arith.constant 0 : i32
        %get3A_195 = arith.index_cast %get3A_194 : i32 to index
        %get3A_196 = arith.index_cast %add3A_193 : i32 to index
        %get3A_197 = tpu.vector_load %arg4[%get3A_195, %get3A_196] {strides = array<i32>} : memref<2x8192xf32, #tpu.memory_space<vmem>>, vector<16xf32>,
        %abs3A_198 = math.absf %get3A_197 : vector<16xf32>
        %masked_sort3A_199 = arith.constant dense<true> : vector<16xi1>
        %masked_sort3A_200, %masked_sort3A_201, %masked_sort3A_202 = tpu.sort %abs3A_198, %iota3A masked %masked_sort3A_199 {descending = true} : (vector<16xf32>, vector<16xi32>, vector<16xi1>) -> (vector<16xi1>, vector<16xf32>, vector<16xi32>)
        %slice3A_203 = vector.extract_strided_slice %masked_sort3A_202 {offsets = [0], sizes = [1], strides = [1]} : vector<16xi32> to vector<1xi32>
        %squeeze3A_204 = vector.extract %slice3A_203[0] : i32 from vector<1xi32>
        %eq3A_205 = vector.broadcast %squeeze3A_204 : i32 to vector<16xi32>
        %eq3A_206 = arith.cmpi eq, %iota3A, %eq3A_205 : vector<16xi32>
        %jit3A_207 = arith.constant 0.000000e+00 : f32
        %broadcast_in_dim3A_208 = vector.broadcast %jit3A_207 : f32 to vector<16xf32>
        %select_n3A_209 = arith.select %eq3A_206, %get3A_197, %broadcast_in_dim3A_208 : vector<16xi1>, vector<16xf32>
        %swap3A_210 = arith.constant 0 : i32
        %swap3A_211 = arith.index_cast %swap3A_210 : i32 to index
        %swap3A_212 = arith.index_cast %add3A_193 : i32 to index
        %swap3A_213 = tpu.vector_load %arg6[%swap3A_211, %swap3A_212] {strides = array<i32>} : memref<2x8192xf32, #tpu.memory_space<vmem>>, vector<16xf32>,
        tpu.vector_store %arg6[%swap3A_211, %swap3A_212], %select_n3A_209 {strides = array<i32>} : memref<2x8192xf32, #tpu.memory_space<vmem>>, vector<16xf32>,
        %add3A_214 = arith.constant 48 : i32
        %add3A_215 = arith.addi %mul3A_154, %add3A_214 : i32
        %get3A_216 = arith.constant 0 : i32
        %get3A_217 = arith.index_cast %get3A_216 : i32 to index
        %get3A_218 = arith.index_cast %add3A_215 : i32 to index
        %get3A_219 = tpu.vector_load %arg4[%get3A_217, %get3A_218] {strides = array<i32>} : memref<2x8192xf32, #tpu.memory_space<vmem>>, vector<16xf32>,
        %abs3A_220 = math.absf %get3A_219 : vector<16xf32>
        %masked_sort3A_221 = arith.constant dense<true> : vector<16xi1>
        %masked_sort3A_222, %masked_sort3A_223, %masked_sort3A_224 = tpu.sort %abs3A_220, %iota3A masked %masked_sort3A_221 {descending = true} : (vector<16xf32>, vector<16xi32>, vector<16xi1>) -> (vector<16xi1>, vector<16xf32>, vector<16xi32>)
        %slice3A_225 = vector.extract_strided_slice %masked_sort3A_224 {offsets = [0], sizes = [1], strides = [1]} : vector<16xi32> to vector<1xi32>
        %squeeze3A_226 = vector.extract %slice3A_225[0] : i32 from vector<1xi32>
        %eq3A_227 = vector.broadcast %squeeze3A_226 : i32 to vector<16xi32>
        %eq3A_228 = arith.cmpi eq, %iota3A, %eq3A_227 : vector<16xi32>
        %jit3A_229 = arith.constant 0.000000e+00 : f32
        %broadcast_in_dim3A_230 = vector.broadcast %jit3A_229 : f32 to vector<16xf32>
        %select_n3A_231 = arith.select %eq3A_228, %get3A_219, %broadcast_in_dim3A_230 : vector<16xi1>, vector<16xf32>
        %swap3A_232 = arith.constant 0 : i32
        %swap3A_233 = arith.index_cast %swap3A_232 : i32 to index
        %swap3A_234 = arith.index_cast %add3A_215 : i32 to index
        %swap3A_235 = tpu.vector_load %arg6[%swap3A_233, %swap3A_234] {strides = array<i32>} : memref<2x8192xf32, #tpu.memory_space<vmem>>, vector<16xf32>,
        tpu.vector_store %arg6[%swap3A_233, %swap3A_234], %select_n3A_231 {strides = array<i32>} : memref<2x8192xf32, #tpu.memory_space<vmem>>, vector<16xf32>,
        %add3A_236 = arith.constant 64 : i32
        %add3A_237 = arith.addi %mul3A_154, %add3A_236 : i32
        %get3A_238 = arith.constant 0 : i32
        %get3A_239 = arith.index_cast %get3A_238 : i32 to index
        %get3A_240 = arith.index_cast %add3A_237 : i32 to index
        %get3A_241 = tpu.vector_load %arg4[%get3A_239, %get3A_240] {strides = array<i32>} : memref<2x8192xf32, #tpu.memory_space<vmem>>, vector<16xf32>,
        %abs3A_242 = math.absf %get3A_241 : vector<16xf32>
        %masked_sort3A_243 = arith.constant dense<true> : vector<16xi1>
        %masked_sort3A_244, %masked_sort3A_245, %masked_sort3A_246 = tpu.sort %abs3A_242, %iota3A masked %masked_sort3A_243 {descending = true} : (vector<16xf32>, vector<16xi32>, vector<16xi1>) -> (vector<16xi1>, vector<16xf32>, vector<16xi32>)
        %slice3A_247 = vector.extract_strided_slice %masked_sort3A_246 {offsets = [0], sizes = [1], strides = [1]} : vector<16xi32> to vector<1xi32>
        %squeeze3A_248 = vector.extract %slice3A_247[0] : i32 from vector<1xi32>
        %eq3A_249 = vector.broadcast %squeeze3A_248 : i32 to vector<16xi32>
        %eq3A_250 = arith.cmpi eq, %iota3A, %eq3A_249 : vector<16xi32>
        %jit3A_251 = arith.constant 0.000000e+00 : f32
        %broadcast_in_dim3A_252 = vector.broadcast %jit3A_251 : f32 to vector<16xf32>
        %select_n3A_253 = arith.select %eq3A_250, %get3A_241, %broadcast_in_dim3A_252 : vector<16xi1>, vector<16xf32>
        %swap3A_254 = arith.constant 0 : i32
        %swap3A_255 = arith.index_cast %swap3A_254 : i32 to index
        %swap3A_256 = arith.index_cast %add3A_237 : i32 to index
        %swap3A_257 = tpu.vector_load %arg6[%swap3A_255, %swap3A_256] {strides = array<i32>} : memref<2x8192xf32, #tpu.memory_space<vmem>>, vector<16xf32>,
        tpu.vector_store %arg6[%swap3A_255, %swap3A_256], %select_n3A_253 {strides = array<i32>} : memref<2x8192xf32, #tpu.memory_space<vmem>>, vector<16xf32>,
        %add3A_258 = arith.constant 80 : i32
        %add3A_259 = arith.addi %mul3A_154, %add3A_258 : i32
        %get3A_260 = arith.constant 0 : i32
        %get3A_261 = arith.index_cast %get3A_260 : i32 to index
        %get3A_262 = arith.index_cast %add3A_259 : i32 to index
        %get3A_263 = tpu.vector_load %arg4[%get3A_261, %get3A_262] {strides = array<i32>} : memref<2x8192xf32, #tpu.memory_space<vmem>>, vector<16xf32>,
        %abs3A_264 = math.absf %get3A_263 : vector<16xf32>
        %masked_sort3A_265 = arith.constant dense<true> : vector<16xi1>
        %masked_sort3A_266, %masked_sort3A_267, %masked_sort3A_268 = tpu.sort %abs3A_264, %iota3A masked %masked_sort3A_265 {descending = true} : (vector<16xf32>, vector<16xi32>, vector<16xi1>) -> (vector<16xi1>, vector<16xf32>, vector<16xi32>)
        %slice3A_269 = vector.extract_strided_slice %masked_sort3A_268 {offsets = [0], sizes = [1], strides = [1]} : vector<16xi32> to vector<1xi32>
        %squeeze3A_270 = vector.extract %slice3A_269[0] : i32 from vector<1xi32>
        %eq3A_271 = vector.broadcast %squeeze3A_270 : i32 to vector<16xi32>
        %eq3A_272 = arith.cmpi eq, %iota3A, %eq3A_271 : vector<16xi32>
        %jit3A_273 = arith.constant 0.000000e+00 : f32
        %broadcast_in_dim3A_274 = vector.broadcast %jit3A_273 : f32 to vector<16xf32>
        %select_n3A_275 = arith.select %eq3A_272, %get3A_263, %broadcast_in_dim3A_274 : vector<16xi1>, vector<16xf32>
        %swap3A_276 = arith.constant 0 : i32
        %swap3A_277 = arith.index_cast %swap3A_276 : i32 to index
        %swap3A_278 = arith.index_cast %add3A_259 : i32 to index
        %swap3A_279 = tpu.vector_load %arg6[%swap3A_277, %swap3A_278] {strides = array<i32>} : memref<2x8192xf32, #tpu.memory_space<vmem>>, vector<16xf32>,
        tpu.vector_store %arg6[%swap3A_277, %swap3A_278], %select_n3A_275 {strides = array<i32>} : memref<2x8192xf32, #tpu.memory_space<vmem>>, vector<16xf32>,
        %add3A_280 = arith.constant 96 : i32
        %add3A_281 = arith.addi %mul3A_154, %add3A_280 : i32
        %get3A_282 = arith.constant 0 : i32
        %get3A_283 = arith.index_cast %get3A_282 : i32 to index
        %get3A_284 = arith.index_cast %add3A_281 : i32 to index
        %get3A_285 = tpu.vector_load %arg4[%get3A_283, %get3A_284] {strides = array<i32>} : memref<2x8192xf32, #tpu.memory_space<vmem>>, vector<16xf32>,
        %abs3A_286 = math.absf %get3A_285 : vector<16xf32>
        %masked_sort3A_287 = arith.constant dense<true> : vector<16xi1>
        %masked_sort3A_288, %masked_sort3A_289, %masked_sort3A_290 = tpu.sort %abs3A_286, %iota3A masked %masked_sort3A_287 {descending = true} : (vector<16xf32>, vector<16xi32>, vector<16xi1>) -> (vector<16xi1>, vector<16xf32>, vector<16xi32>)
        %slice3A_291 = vector.extract_strided_slice %masked_sort3A_290 {offsets = [0], sizes = [1], strides = [1]} : vector<16xi32> to vector<1xi32>
        %squeeze3A_292 = vector.extract %slice3A_291[0] : i32 from vector<1xi32>
        %eq3A_293 = vector.broadcast %squeeze3A_292 : i32 to vector<16xi32>
        %eq3A_294 = arith.cmpi eq, %iota3A, %eq3A_293 : vector<16xi32>
        %jit3A_295 = arith.constant 0.000000e+00 : f32
        %broadcast_in_dim3A_296 = vector.broadcast %jit3A_295 : f32 to vector<16xf32>
        %select_n3A_297 = arith.select %eq3A_294, %get3A_285, %broadcast_in_dim3A_296 : vector<16xi1>, vector<16xf32>
        %swap3A_298 = arith.constant 0 : i32
        %swap3A_299 = arith.index_cast %swap3A_298 : i32 to index
        %swap3A_300 = arith.index_cast %add3A_281 : i32 to index
        %swap3A_301 = tpu.vector_load %arg6[%swap3A_299, %swap3A_300] {strides = array<i32>} : memref<2x8192xf32, #tpu.memory_space<vmem>>, vector<16xf32>,
        tpu.vector_store %arg6[%swap3A_299, %swap3A_300], %select_n3A_297 {strides = array<i32>} : memref<2x8192xf32, #tpu.memory_space<vmem>>, vector<16xf32>,
        %add3A_302 = arith.constant 112 : i32
        %add3A_303 = arith.addi %mul3A_154, %add3A_302 : i32
        %get3A_304 = arith.constant 0 : i32
        %get3A_305 = arith.index_cast %get3A_304 : i32 to index
        %get3A_306 = arith.index_cast %add3A_303 : i32 to index
        %get3A_307 = tpu.vector_load %arg4[%get3A_305, %get3A_306] {strides = array<i32>} : memref<2x8192xf32, #tpu.memory_space<vmem>>, vector<16xf32>,
        %abs3A_308 = math.absf %get3A_307 : vector<16xf32>
        %masked_sort3A_309 = arith.constant dense<true> : vector<16xi1>
        %masked_sort3A_310, %masked_sort3A_311, %masked_sort3A_312 = tpu.sort %abs3A_308, %iota3A masked %masked_sort3A_309 {descending = true} : (vector<16xf32>, vector<16xi32>, vector<16xi1>) -> (vector<16xi1>, vector<16xf32>, vector<16xi32>)
        %slice3A_313 = vector.extract_strided_slice %masked_sort3A_312 {offsets = [0], sizes = [1], strides = [1]} : vector<16xi32> to vector<1xi32>
        %squeeze3A_314 = vector.extract %slice3A_313[0] : i32 from vector<1xi32>
        %eq3A_315 = vector.broadcast %squeeze3A_314 : i32 to vector<16xi32>
        %eq3A_316 = arith.cmpi eq, %iota3A, %eq3A_315 : vector<16xi32>
        %jit3A_317 = arith.constant 0.000000e+00 : f32
        %broadcast_in_dim3A_318 = vector.broadcast %jit3A_317 : f32 to vector<16xf32>
        %select_n3A_319 = arith.select %eq3A_316, %get3A_307, %broadcast_in_dim3A_318 : vector<16xi1>, vector<16xf32>
        %swap3A_320 = arith.constant 0 : i32
        %swap3A_321 = arith.index_cast %swap3A_320 : i32 to index
        %swap3A_322 = arith.index_cast %add3A_303 : i32 to index
        %swap3A_323 = tpu.vector_load %arg6[%swap3A_321, %swap3A_322] {strides = array<i32>} : memref<2x8192xf32, #tpu.memory_space<vmem>>, vector<16xf32>,
        tpu.vector_store %arg6[%swap3A_321, %swap3A_322], %select_n3A_319 {strides = array<i32>} : memref<2x8192xf32, #tpu.memory_space<vmem>>, vector<16xf32>,
        %add3A_324 = arith.constant 128 : i32
        %add3A_325 = arith.addi %mul3A_154, %add3A_324 : i32
        %get3A_326 = arith.constant 0 : i32
        %get3A_327 = arith.index_cast %get3A_326 : i32 to index
        %get3A_328 = arith.index_cast %add3A_325 : i32 to index
        %get3A_329 = tpu.vector_load %arg4[%get3A_327, %get3A_328] {strides = array<i32>} : memref<2x8192xf32, #tpu.memory_space<vmem>>, vector<16xf32>,
        %abs3A_330 = math.absf %get3A_329 : vector<16xf32>
        %masked_sort3A_331 = arith.constant dense<true> : vector<16xi1>
        %masked_sort3A_332, %masked_sort3A_333, %masked_sort3A_334 = tpu.sort %abs3A_330, %iota3A masked %masked_sort3A_331 {descending = true} : (vector<16xf32>, vector<16xi32>, vector<16xi1>) -> (vector<16xi1>, vector<16xf32>, vector<16xi32>)
        %slice3A_335 = vector.extract_strided_slice %masked_sort3A_334 {offsets = [0], sizes = [1], strides = [1]} : vector<16xi32> to vector<1xi32>
        %squeeze3A_336 = vector.extract %slice3A_335[0] : i32 from vector<1xi32>
        %eq3A_337 = vector.broadcast %squeeze3A_336 : i32 to vector<16xi32>
        %eq3A_338 = arith.cmpi eq, %iota3A, %eq3A_337 : vector<16xi32>
        %jit3A_339 = arith.constant 0.000000e+00 : f32
        %broadcast_in_dim3A_340 = vector.broadcast %jit3A_339 : f32 to vector<16xf32>
        %select_n3A_341 = arith.select %eq3A_338, %get3A_329, %broadcast_in_dim3A_340 : vector<16xi1>, vector<16xf32>
        %swap3A_342 = arith.constant 0 : i32
        %swap3A_343 = arith.index_cast %swap3A_342 : i32 to index
        %swap3A_344 = arith.index_cast %add3A_325 : i32 to index
        %swap3A_345 = tpu.vector_load %arg6[%swap3A_343, %swap3A_344] {strides = array<i32>} : memref<2x8192xf32, #tpu.memory_space<vmem>>, vector<16xf32>,
        tpu.vector_store %arg6[%swap3A_343, %swap3A_344], %select_n3A_341 {strides = array<i32>} : memref<2x8192xf32, #tpu.memory_space<vmem>>, vector<16xf32>,
        %add3A_346 = arith.constant 144 : i32
        %add3A_347 = arith.addi %mul3A_154, %add3A_346 : i32
        %get3A_348 = arith.constant 0 : i32
        %get3A_349 = arith.index_cast %get3A_348 : i32 to index
        %get3A_350 = arith.index_cast %add3A_347 : i32 to index
        %get3A_351 = tpu.vector_load %arg4[%get3A_349, %get3A_350] {strides = array<i32>} : memref<2x8192xf32, #tpu.memory_space<vmem>>, vector<16xf32>,
        %abs3A_352 = math.absf %get3A_351 : vector<16xf32>
        %masked_sort3A_353 = arith.constant dense<true> : vector<16xi1>
        %masked_sort3A_354, %masked_sort3A_355, %masked_sort3A_356 = tpu.sort %abs3A_352, %iota3A masked %masked_sort3A_353 {descending = true} : (vector<16xf32>, vector<16xi32>, vector<16xi1>) -> (vector<16xi1>, vector<16xf32>, vector<16xi32>)
        %slice3A_357 = vector.extract_strided_slice %masked_sort3A_356 {offsets = [0], sizes = [1], strides = [1]} : vector<16xi32> to vector<1xi32>
        %squeeze3A_358 = vector.extract %slice3A_357[0] : i32 from vector<1xi32>
        %eq3A_359 = vector.broadcast %squeeze3A_358 : i32 to vector<16xi32>
        %eq3A_360 = arith.cmpi eq, %iota3A, %eq3A_359 : vector<16xi32>
        %jit3A_361 = arith.constant 0.000000e+00 : f32
        %broadcast_in_dim3A_362 = vector.broadcast %jit3A_361 : f32 to vector<16xf32>
        %select_n3A_363 = arith.select %eq3A_360, %get3A_351, %broadcast_in_dim3A_362 : vector<16xi1>, vector<16xf32>
        %swap3A_364 = arith.constant 0 : i32
        %swap3A_365 = arith.index_cast %swap3A_364 : i32 to index
        %swap3A_366 = arith.index_cast %add3A_347 : i32 to index
        %swap3A_367 = tpu.vector_load %arg6[%swap3A_365, %swap3A_366] {strides = array<i32>} : memref<2x8192xf32, #tpu.memory_space<vmem>>, vector<16xf32>,
        tpu.vector_store %arg6[%swap3A_365, %swap3A_366], %select_n3A_363 {strides = array<i32>} : memref<2x8192xf32, #tpu.memory_space<vmem>>, vector<16xf32>,
        %add3A_368 = arith.constant 160 : i32
        %add3A_369 = arith.addi %mul3A_154, %add3A_368 : i32
        %get3A_370 = arith.constant 0 : i32
        %get3A_371 = arith.index_cast %get3A_370 : i32 to index
        %get3A_372 = arith.index_cast %add3A_369 : i32 to index
        %get3A_373 = tpu.vector_load %arg4[%get3A_371, %get3A_372] {strides = array<i32>} : memref<2x8192xf32, #tpu.memory_space<vmem>>, vector<16xf32>,
        %abs3A_374 = math.absf %get3A_373 : vector<16xf32>
        %masked_sort3A_375 = arith.constant dense<true> : vector<16xi1>
        %masked_sort3A_376, %masked_sort3A_377, %masked_sort3A_378 = tpu.sort %abs3A_374, %iota3A masked %masked_sort3A_375 {descending = true} : (vector<16xf32>, vector<16xi32>, vector<16xi1>) -> (vector<16xi1>, vector<16xf32>, vector<16xi32>)
        %slice3A_379 = vector.extract_strided_slice %masked_sort3A_378 {offsets = [0], sizes = [1], strides = [1]} : vector<16xi32> to vector<1xi32>
        %squeeze3A_380 = vector.extract %slice3A_379[0] : i32 from vector<1xi32>
        %eq3A_381 = vector.broadcast %squeeze3A_380 : i32 to vector<16xi32>
        %eq3A_382 = arith.cmpi eq, %iota3A, %eq3A_381 : vector<16xi32>
        %jit3A_383 = arith.constant 0.000000e+00 : f32
        %broadcast_in_dim3A_384 = vector.broadcast %jit3A_383 : f32 to vector<16xf32>
        %select_n3A_385 = arith.select %eq3A_382, %get3A_373, %broadcast_in_dim3A_384 : vector<16xi1>, vector<16xf32>
        %swap3A_386 = arith.constant 0 : i32
        %swap3A_387 = arith.index_cast %swap3A_386 : i32 to index
        %swap3A_388 = arith.index_cast %add3A_369 : i32 to index
        %swap3A_389 = tpu.vector_load %arg6[%swap3A_387, %swap3A_388] {strides = array<i32>} : memref<2x8192xf32, #tpu.memory_space<vmem>>, vector<16xf32>,
        tpu.vector_store %arg6[%swap3A_387, %swap3A_388], %select_n3A_385 {strides = array<i32>} : memref<2x8192xf32, #tpu.memory_space<vmem>>, vector<16xf32>,
        %add3A_390 = arith.constant 176 : i32
        %add3A_391 = arith.addi %mul3A_154, %add3A_390 : i32
        %get3A_392 = arith.constant 0 : i32
        %get3A_393 = arith.index_cast %get3A_392 : i32 to index
        %get3A_394 = arith.index_cast %add3A_391 : i32 to index
        %get3A_395 = tpu.vector_load %arg4[%get3A_393, %get3A_394] {strides = array<i32>} : memref<2x8192xf32, #tpu.memory_space<vmem>>, vector<16xf32>,
        %abs3A_396 = math.absf %get3A_395 : vector<16xf32>
        %masked_sort3A_397 = arith.constant dense<true> : vector<16xi1>
        %masked_sort3A_398, %masked_sort3A_399, %masked_sort3A_400 = tpu.sort %abs3A_396, %iota3A masked %masked_sort3A_397 {descending = true} : (vector<16xf32>, vector<16xi32>, vector<16xi1>) -> (vector<16xi1>, vector<16xf32>, vector<16xi32>)
        %slice3A_401 = vector.extract_strided_slice %masked_sort3A_400 {offsets = [0], sizes = [1], strides = [1]} : vector<16xi32> to vector<1xi32>
        %squeeze3A_402 = vector.extract %slice3A_401[0] : i32 from vector<1xi32>
        %eq3A_403 = vector.broadcast %squeeze3A_402 : i32 to vector<16xi32>
        %eq3A_404 = arith.cmpi eq, %iota3A, %eq3A_403 : vector<16xi32>
        %jit3A_405 = arith.constant 0.000000e+00 : f32
        %broadcast_in_dim3A_406 = vector.broadcast %jit3A_405 : f32 to vector<16xf32>
        %select_n3A_407 = arith.select %eq3A_404, %get3A_395, %broadcast_in_dim3A_406 : vector<16xi1>, vector<16xf32>
        %swap3A_408 = arith.constant 0 : i32
        %swap3A_409 = arith.index_cast %swap3A_408 : i32 to index
        %swap3A_410 = arith.index_cast %add3A_391 : i32 to index
        %swap3A_411 = tpu.vector_load %arg6[%swap3A_409, %swap3A_410] {strides = array<i32>} : memref<2x8192xf32, #tpu.memory_space<vmem>>, vector<16xf32>,
        tpu.vector_store %arg6[%swap3A_409, %swap3A_410], %select_n3A_407 {strides = array<i32>} : memref<2x8192xf32, #tpu.memory_space<vmem>>, vector<16xf32>,
        %add3A_412 = arith.constant 192 : i32
        %add3A_413 = arith.addi %mul3A_154, %add3A_412 : i32
        %get3A_414 = arith.constant 0 : i32
        %get3A_415 = arith.index_cast %get3A_414 : i32 to index
        %get3A_416 = arith.index_cast %add3A_413 : i32 to index
        %get3A_417 = tpu.vector_load %arg4[%get3A_415, %get3A_416] {strides = array<i32>} : memref<2x8192xf32, #tpu.memory_space<vmem>>, vector<16xf32>,
        %abs3A_418 = math.absf %get3A_417 : vector<16xf32>
        %masked_sort3A_419 = arith.constant dense<true> : vector<16xi1>
        %masked_sort3A_420, %masked_sort3A_421, %masked_sort3A_422 = tpu.sort %abs3A_418, %iota3A masked %masked_sort3A_419 {descending = true} : (vector<16xf32>, vector<16xi32>, vector<16xi1>) -> (vector<16xi1>, vector<16xf32>, vector<16xi32>)
        %slice3A_423 = vector.extract_strided_slice %masked_sort3A_422 {offsets = [0], sizes = [1], strides = [1]} : vector<16xi32> to vector<1xi32>
        %squeeze3A_424 = vector.extract %slice3A_423[0] : i32 from vector<1xi32>
        %eq3A_425 = vector.broadcast %squeeze3A_424 : i32 to vector<16xi32>
        %eq3A_426 = arith.cmpi eq, %iota3A, %eq3A_425 : vector<16xi32>
        %jit3A_427 = arith.constant 0.000000e+00 : f32
        %broadcast_in_dim3A_428 = vector.broadcast %jit3A_427 : f32 to vector<16xf32>
        %select_n3A_429 = arith.select %eq3A_426, %get3A_417, %broadcast_in_dim3A_428 : vector<16xi1>, vector<16xf32>
        %swap3A_430 = arith.constant 0 : i32
        %swap3A_431 = arith.index_cast %swap3A_430 : i32 to index
        %swap3A_432 = arith.index_cast %add3A_413 : i32 to index
        %swap3A_433 = tpu.vector_load %arg6[%swap3A_431, %swap3A_432] {strides = array<i32>} : memref<2x8192xf32, #tpu.memory_space<vmem>>, vector<16xf32>,
        tpu.vector_store %arg6[%swap3A_431, %swap3A_432], %select_n3A_429 {strides = array<i32>} : memref<2x8192xf32, #tpu.memory_space<vmem>>, vector<16xf32>,
        %add3A_434 = arith.constant 208 : i32
        %add3A_435 = arith.addi %mul3A_154, %add3A_434 : i32
        %get3A_436 = arith.constant 0 : i32
        %get3A_437 = arith.index_cast %get3A_436 : i32 to index
        %get3A_438 = arith.index_cast %add3A_435 : i32 to index
        %get3A_439 = tpu.vector_load %arg4[%get3A_437, %get3A_438] {strides = array<i32>} : memref<2x8192xf32, #tpu.memory_space<vmem>>, vector<16xf32>,
        %abs3A_440 = math.absf %get3A_439 : vector<16xf32>
        %masked_sort3A_441 = arith.constant dense<true> : vector<16xi1>
        %masked_sort3A_442, %masked_sort3A_443, %masked_sort3A_444 = tpu.sort %abs3A_440, %iota3A masked %masked_sort3A_441 {descending = true} : (vector<16xf32>, vector<16xi32>, vector<16xi1>) -> (vector<16xi1>, vector<16xf32>, vector<16xi32>)
        %slice3A_445 = vector.extract_strided_slice %masked_sort3A_444 {offsets = [0], sizes = [1], strides = [1]} : vector<16xi32> to vector<1xi32>
        %squeeze3A_446 = vector.extract %slice3A_445[0] : i32 from vector<1xi32>
        %eq3A_447 = vector.broadcast %squeeze3A_446 : i32 to vector<16xi32>
        %eq3A_448 = arith.cmpi eq, %iota3A, %eq3A_447 : vector<16xi32>
        %jit3A_449 = arith.constant 0.000000e+00 : f32
        %broadcast_in_dim3A_450 = vector.broadcast %jit3A_449 : f32 to vector<16xf32>
        %select_n3A_451 = arith.select %eq3A_448, %get3A_439, %broadcast_in_dim3A_450 : vector<16xi1>, vector<16xf32>
        %swap3A_452 = arith.constant 0 : i32
        %swap3A_453 = arith.index_cast %swap3A_452 : i32 to index
        %swap3A_454 = arith.index_cast %add3A_435 : i32 to index
        %swap3A_455 = tpu.vector_load %arg6[%swap3A_453, %swap3A_454] {strides = array<i32>} : memref<2x8192xf32, #tpu.memory_space<vmem>>, vector<16xf32>,
        tpu.vector_store %arg6[%swap3A_453, %swap3A_454], %select_n3A_451 {strides = array<i32>} : memref<2x8192xf32, #tpu.memory_space<vmem>>, vector<16xf32>,
        %add3A_456 = arith.constant 224 : i32
        %add3A_457 = arith.addi %mul3A_154, %add3A_456 : i32
        %get3A_458 = arith.constant 0 : i32
        %get3A_459 = arith.index_cast %get3A_458 : i32 to index
        %get3A_460 = arith.index_cast %add3A_457 : i32 to index
        %get3A_461 = tpu.vector_load %arg4[%get3A_459, %get3A_460] {strides = array<i32>} : memref<2x8192xf32, #tpu.memory_space<vmem>>, vector<16xf32>,
        %abs3A_462 = math.absf %get3A_461 : vector<16xf32>
        %masked_sort3A_463 = arith.constant dense<true> : vector<16xi1>
        %masked_sort3A_464, %masked_sort3A_465, %masked_sort3A_466 = tpu.sort %abs3A_462, %iota3A masked %masked_sort3A_463 {descending = true} : (vector<16xf32>, vector<16xi32>, vector<16xi1>) -> (vector<16xi1>, vector<16xf32>, vector<16xi32>)
        %slice3A_467 = vector.extract_strided_slice %masked_sort3A_466 {offsets = [0], sizes = [1], strides = [1]} : vector<16xi32> to vector<1xi32>
        %squeeze3A_468 = vector.extract %slice3A_467[0] : i32 from vector<1xi32>
        %eq3A_469 = vector.broadcast %squeeze3A_468 : i32 to vector<16xi32>
        %eq3A_470 = arith.cmpi eq, %iota3A, %eq3A_469 : vector<16xi32>
        %jit3A_471 = arith.constant 0.000000e+00 : f32
        %broadcast_in_dim3A_472 = vector.broadcast %jit3A_471 : f32 to vector<16xf32>
        %select_n3A_473 = arith.select %eq3A_470, %get3A_461, %broadcast_in_dim3A_472 : vector<16xi1>, vector<16xf32>
        %swap3A_474 = arith.constant 0 : i32
        %swap3A_475 = arith.index_cast %swap3A_474 : i32 to index
        %swap3A_476 = arith.index_cast %add3A_457 : i32 to index
        %swap3A_477 = tpu.vector_load %arg6[%swap3A_475, %swap3A_476] {strides = array<i32>} : memref<2x8192xf32, #tpu.memory_space<vmem>>, vector<16xf32>,
        tpu.vector_store %arg6[%swap3A_475, %swap3A_476], %select_n3A_473 {strides = array<i32>} : memref<2x8192xf32, #tpu.memory_space<vmem>>, vector<16xf32>,
        %add3A_478 = arith.constant 240 : i32
        %add3A_479 = arith.addi %mul3A_154, %add3A_478 : i32
        %get3A_480 = arith.constant 0 : i32
        %get3A_481 = arith.index_cast %get3A_480 : i32 to index
        %get3A_482 = arith.index_cast %add3A_479 : i32 to index
        %get3A_483 = tpu.vector_load %arg4[%get3A_481, %get3A_482] {strides = array<i32>} : memref<2x8192xf32, #tpu.memory_space<vmem>>, vector<16xf32>,
        %abs3A_484 = math.absf %get3A_483 : vector<16xf32>
        %masked_sort3A_485 = arith.constant dense<true> : vector<16xi1>
        %masked_sort3A_486, %masked_sort3A_487, %masked_sort3A_488 = tpu.sort %abs3A_484, %iota3A masked %masked_sort3A_485 {descending = true} : (vector<16xf32>, vector<16xi32>, vector<16xi1>) -> (vector<16xi1>, vector<16xf32>, vector<16xi32>)
        %slice3A_489 = vector.extract_strided_slice %masked_sort3A_488 {offsets = [0], sizes = [1], strides = [1]} : vector<16xi32> to vector<1xi32>
        %squeeze3A_490 = vector.extract %slice3A_489[0] : i32 from vector<1xi32>
        %eq3A_491 = vector.broadcast %squeeze3A_490 : i32 to vector<16xi32>
        %eq3A_492 = arith.cmpi eq, %iota3A, %eq3A_491 : vector<16xi32>
        %jit3A_493 = arith.constant 0.000000e+00 : f32
        %broadcast_in_dim3A_494 = vector.broadcast %jit3A_493 : f32 to vector<16xf32>
        %select_n3A_495 = arith.select %eq3A_492, %get3A_483, %broadcast_in_dim3A_494 : vector<16xi1>, vector<16xf32>
        %swap3A_496 = arith.constant 0 : i32
        %swap3A_497 = arith.index_cast %swap3A_496 : i32 to index
        %swap3A_498 = arith.index_cast %add3A_479 : i32 to index
        %swap3A_499 = tpu.vector_load %arg6[%swap3A_497, %swap3A_498] {strides = array<i32>} : memref<2x8192xf32, #tpu.memory_space<vmem>>, vector<16xf32>,
        tpu.vector_store %arg6[%swap3A_497, %swap3A_498], %select_n3A_495 {strides = array<i32>} : memref<2x8192xf32, #tpu.memory_space<vmem>>, vector<16xf32>,
      }
      %scan3A_87 = arith.constant 32 : i32
      %scan3A_88 = arith.constant 0 : i32
      %scan3A_89 = arith.constant 0 : i32
      %scan3A_90 = arith.constant 32 : i32
      %scan3A_91 = arith.addi %scan3A_89, %scan3A_90 : i32
      %scan3A_92 = arith.constant 1 : i32
      scf.for %scan3A_152 = %scan3A_89 to %scan3A_91 step %scan3A_92  : i32 {
        %mul3A_153 = arith.constant 256 : i32
        %mul3A_154 = arith.muli %scan3A_152, %mul3A_153 : i32
        %add3A_155 = arith.constant 0 : i32
        %add3A_156 = arith.addi %mul3A_154, %add3A_155 : i32
        %get3A = arith.constant 1 : i32
        %get3A_157 = arith.index_cast %get3A : i32 to index
        %get3A_158 = arith.index_cast %add3A_156 : i32 to index
        %get3A_159 = tpu.vector_load %arg4[%get3A_157, %get3A_158] {strides = array<i32>} : memref<2x8192xf32, #tpu.memory_space<vmem>>, vector<16xf32>,
        %abs3A = math.absf %get3A_159 : vector<16xf32>
        %masked_sort3A = arith.constant dense<true> : vector<16xi1>
        %masked_sort3A_160, %masked_sort3A_161, %masked_sort3A_162 = tpu.sort %abs3A, %iota3A masked %masked_sort3A {descending = true} : (vector<16xf32>, vector<16xi32>, vector<16xi1>) -> (vector<16xi1>, vector<16xf32>, vector<16xi32>)
        %slice3A = vector.extract_strided_slice %masked_sort3A_162 {offsets = [0], sizes = [1], strides = [1]} : vector<16xi32> to vector<1xi32>
        %squeeze3A = vector.extract %slice3A[0] : i32 from vector<1xi32>
        %eq3A_163 = vector.broadcast %squeeze3A : i32 to vector<16xi32>
        %eq3A_164 = arith.cmpi eq, %iota3A, %eq3A_163 : vector<16xi32>
        %jit3A_165 = arith.constant 0.000000e+00 : f32
        %broadcast_in_dim3A = vector.broadcast %jit3A_165 : f32 to vector<16xf32>
        %select_n3A_166 = arith.select %eq3A_164, %get3A_159, %broadcast_in_dim3A : vector<16xi1>, vector<16xf32>
        %swap3A = arith.constant 1 : i32
        %swap3A_167 = arith.index_cast %swap3A : i32 to index
        %swap3A_168 = arith.index_cast %add3A_156 : i32 to index
        %swap3A_169 = tpu.vector_load %arg6[%swap3A_167, %swap3A_168] {strides = array<i32>} : memref<2x8192xf32, #tpu.memory_space<vmem>>, vector<16xf32>,
        tpu.vector_store %arg6[%swap3A_167, %swap3A_168], %select_n3A_166 {strides = array<i32>} : memref<2x8192xf32, #tpu.memory_space<vmem>>, vector<16xf32>,
        %add3A_170 = arith.constant 16 : i32
        %add3A_171 = arith.addi %mul3A_154, %add3A_170 : i32
        %get3A_172 = arith.constant 1 : i32
        %get3A_173 = arith.index_cast %get3A_172 : i32 to index
        %get3A_174 = arith.index_cast %add3A_171 : i32 to index
        %get3A_175 = tpu.vector_load %arg4[%get3A_173, %get3A_174] {strides = array<i32>} : memref<2x8192xf32, #tpu.memory_space<vmem>>, vector<16xf32>,
        %abs3A_176 = math.absf %get3A_175 : vector<16xf32>
        %masked_sort3A_177 = arith.constant dense<true> : vector<16xi1>
        %masked_sort3A_178, %masked_sort3A_179, %masked_sort3A_180 = tpu.sort %abs3A_176, %iota3A masked %masked_sort3A_177 {descending = true} : (vector<16xf32>, vector<16xi32>, vector<16xi1>) -> (vector<16xi1>, vector<16xf32>, vector<16xi32>)
        %slice3A_181 = vector.extract_strided_slice %masked_sort3A_180 {offsets = [0], sizes = [1], strides = [1]} : vector<16xi32> to vector<1xi32>
        %squeeze3A_182 = vector.extract %slice3A_181[0] : i32 from vector<1xi32>
        %eq3A_183 = vector.broadcast %squeeze3A_182 : i32 to vector<16xi32>
        %eq3A_184 = arith.cmpi eq, %iota3A, %eq3A_183 : vector<16xi32>
        %jit3A_185 = arith.constant 0.000000e+00 : f32
        %broadcast_in_dim3A_186 = vector.broadcast %jit3A_185 : f32 to vector<16xf32>
        %select_n3A_187 = arith.select %eq3A_184, %get3A_175, %broadcast_in_dim3A_186 : vector<16xi1>, vector<16xf32>
        %swap3A_188 = arith.constant 1 : i32
        %swap3A_189 = arith.index_cast %swap3A_188 : i32 to index
        %swap3A_190 = arith.index_cast %add3A_171 : i32 to index
        %swap3A_191 = tpu.vector_load %arg6[%swap3A_189, %swap3A_190] {strides = array<i32>} : memref<2x8192xf32, #tpu.memory_space<vmem>>, vector<16xf32>,
        tpu.vector_store %arg6[%swap3A_189, %swap3A_190], %select_n3A_187 {strides = array<i32>} : memref<2x8192xf32, #tpu.memory_space<vmem>>, vector<16xf32>,
        %add3A_192 = arith.constant 32 : i32
        %add3A_193 = arith.addi %mul3A_154, %add3A_192 : i32
        %get3A_194 = arith.constant 1 : i32
        %get3A_195 = arith.index_cast %get3A_194 : i32 to index
        %get3A_196 = arith.index_cast %add3A_193 : i32 to index
        %get3A_197 = tpu.vector_load %arg4[%get3A_195, %get3A_196] {strides = array<i32>} : memref<2x8192xf32, #tpu.memory_space<vmem>>, vector<16xf32>,
        %abs3A_198 = math.absf %get3A_197 : vector<16xf32>
        %masked_sort3A_199 = arith.constant dense<true> : vector<16xi1>
        %masked_sort3A_200, %masked_sort3A_201, %masked_sort3A_202 = tpu.sort %abs3A_198, %iota3A masked %masked_sort3A_199 {descending = true} : (vector<16xf32>, vector<16xi32>, vector<16xi1>) -> (vector<16xi1>, vector<16xf32>, vector<16xi32>)
        %slice3A_203 = vector.extract_strided_slice %masked_sort3A_202 {offsets = [0], sizes = [1], strides = [1]} : vector<16xi32> to vector<1xi32>
        %squeeze3A_204 = vector.extract %slice3A_203[0] : i32 from vector<1xi32>
        %eq3A_205 = vector.broadcast %squeeze3A_204 : i32 to vector<16xi32>
        %eq3A_206 = arith.cmpi eq, %iota3A, %eq3A_205 : vector<16xi32>
        %jit3A_207 = arith.constant 0.000000e+00 : f32
        %broadcast_in_dim3A_208 = vector.broadcast %jit3A_207 : f32 to vector<16xf32>
        %select_n3A_209 = arith.select %eq3A_206, %get3A_197, %broadcast_in_dim3A_208 : vector<16xi1>, vector<16xf32>
        %swap3A_210 = arith.constant 1 : i32
        %swap3A_211 = arith.index_cast %swap3A_210 : i32 to index
        %swap3A_212 = arith.index_cast %add3A_193 : i32 to index
        %swap3A_213 = tpu.vector_load %arg6[%swap3A_211, %swap3A_212] {strides = array<i32>} : memref<2x8192xf32, #tpu.memory_space<vmem>>, vector<16xf32>,
        tpu.vector_store %arg6[%swap3A_211, %swap3A_212], %select_n3A_209 {strides = array<i32>} : memref<2x8192xf32, #tpu.memory_space<vmem>>, vector<16xf32>,
        %add3A_214 = arith.constant 48 : i32
        %add3A_215 = arith.addi %mul3A_154, %add3A_214 : i32
        %get3A_216 = arith.constant 1 : i32
        %get3A_217 = arith.index_cast %get3A_216 : i32 to index
        %get3A_218 = arith.index_cast %add3A_215 : i32 to index
        %get3A_219 = tpu.vector_load %arg4[%get3A_217, %get3A_218] {strides = array<i32>} : memref<2x8192xf32, #tpu.memory_space<vmem>>, vector<16xf32>,
        %abs3A_220 = math.absf %get3A_219 : vector<16xf32>
        %masked_sort3A_221 = arith.constant dense<true> : vector<16xi1>
        %masked_sort3A_222, %masked_sort3A_223, %masked_sort3A_224 = tpu.sort %abs3A_220, %iota3A masked %masked_sort3A_221 {descending = true} : (vector<16xf32>, vector<16xi32>, vector<16xi1>) -> (vector<16xi1>, vector<16xf32>, vector<16xi32>)
        %slice3A_225 = vector.extract_strided_slice %masked_sort3A_224 {offsets = [0], sizes = [1], strides = [1]} : vector<16xi32> to vector<1xi32>
        %squeeze3A_226 = vector.extract %slice3A_225[0] : i32 from vector<1xi32>
        %eq3A_227 = vector.broadcast %squeeze3A_226 : i32 to vector<16xi32>
        %eq3A_228 = arith.cmpi eq, %iota3A, %eq3A_227 : vector<16xi32>
        %jit3A_229 = arith.constant 0.000000e+00 : f32
        %broadcast_in_dim3A_230 = vector.broadcast %jit3A_229 : f32 to vector<16xf32>
        %select_n3A_231 = arith.select %eq3A_228, %get3A_219, %broadcast_in_dim3A_230 : vector<16xi1>, vector<16xf32>
        %swap3A_232 = arith.constant 1 : i32
        %swap3A_233 = arith.index_cast %swap3A_232 : i32 to index
        %swap3A_234 = arith.index_cast %add3A_215 : i32 to index
        %swap3A_235 = tpu.vector_load %arg6[%swap3A_233, %swap3A_234] {strides = array<i32>} : memref<2x8192xf32, #tpu.memory_space<vmem>>, vector<16xf32>,
        tpu.vector_store %arg6[%swap3A_233, %swap3A_234], %select_n3A_231 {strides = array<i32>} : memref<2x8192xf32, #tpu.memory_space<vmem>>, vector<16xf32>,
        %add3A_236 = arith.constant 64 : i32
        %add3A_237 = arith.addi %mul3A_154, %add3A_236 : i32
        %get3A_238 = arith.constant 1 : i32
        %get3A_239 = arith.index_cast %get3A_238 : i32 to index
        %get3A_240 = arith.index_cast %add3A_237 : i32 to index
        %get3A_241 = tpu.vector_load %arg4[%get3A_239, %get3A_240] {strides = array<i32>} : memref<2x8192xf32, #tpu.memory_space<vmem>>, vector<16xf32>,
        %abs3A_242 = math.absf %get3A_241 : vector<16xf32>
        %masked_sort3A_243 = arith.constant dense<true> : vector<16xi1>
        %masked_sort3A_244, %masked_sort3A_245, %masked_sort3A_246 = tpu.sort %abs3A_242, %iota3A masked %masked_sort3A_243 {descending = true} : (vector<16xf32>, vector<16xi32>, vector<16xi1>) -> (vector<16xi1>, vector<16xf32>, vector<16xi32>)
        %slice3A_247 = vector.extract_strided_slice %masked_sort3A_246 {offsets = [0], sizes = [1], strides = [1]} : vector<16xi32> to vector<1xi32>
        %squeeze3A_248 = vector.extract %slice3A_247[0] : i32 from vector<1xi32>
        %eq3A_249 = vector.broadcast %squeeze3A_248 : i32 to vector<16xi32>
        %eq3A_250 = arith.cmpi eq, %iota3A, %eq3A_249 : vector<16xi32>
        %jit3A_251 = arith.constant 0.000000e+00 : f32
        %broadcast_in_dim3A_252 = vector.broadcast %jit3A_251 : f32 to vector<16xf32>
        %select_n3A_253 = arith.select %eq3A_250, %get3A_241, %broadcast_in_dim3A_252 : vector<16xi1>, vector<16xf32>
        %swap3A_254 = arith.constant 1 : i32
        %swap3A_255 = arith.index_cast %swap3A_254 : i32 to index
        %swap3A_256 = arith.index_cast %add3A_237 : i32 to index
        %swap3A_257 = tpu.vector_load %arg6[%swap3A_255, %swap3A_256] {strides = array<i32>} : memref<2x8192xf32, #tpu.memory_space<vmem>>, vector<16xf32>,
        tpu.vector_store %arg6[%swap3A_255, %swap3A_256], %select_n3A_253 {strides = array<i32>} : memref<2x8192xf32, #tpu.memory_space<vmem>>, vector<16xf32>,
        %add3A_258 = arith.constant 80 : i32
        %add3A_259 = arith.addi %mul3A_154, %add3A_258 : i32
        %get3A_260 = arith.constant 1 : i32
        %get3A_261 = arith.index_cast %get3A_260 : i32 to index
        %get3A_262 = arith.index_cast %add3A_259 : i32 to index
        %get3A_263 = tpu.vector_load %arg4[%get3A_261, %get3A_262] {strides = array<i32>} : memref<2x8192xf32, #tpu.memory_space<vmem>>, vector<16xf32>,
        %abs3A_264 = math.absf %get3A_263 : vector<16xf32>
        %masked_sort3A_265 = arith.constant dense<true> : vector<16xi1>
        %masked_sort3A_266, %masked_sort3A_267, %masked_sort3A_268 = tpu.sort %abs3A_264, %iota3A masked %masked_sort3A_265 {descending = true} : (vector<16xf32>, vector<16xi32>, vector<16xi1>) -> (vector<16xi1>, vector<16xf32>, vector<16xi32>)
        %slice3A_269 = vector.extract_strided_slice %masked_sort3A_268 {offsets = [0], sizes = [1], strides = [1]} : vector<16xi32> to vector<1xi32>
        %squeeze3A_270 = vector.extract %slice3A_269[0] : i32 from vector<1xi32>
        %eq3A_271 = vector.broadcast %squeeze3A_270 : i32 to vector<16xi32>
        %eq3A_272 = arith.cmpi eq, %iota3A, %eq3A_271 : vector<16xi32>
        %jit3A_273 = arith.constant 0.000000e+00 : f32
        %broadcast_in_dim3A_274 = vector.broadcast %jit3A_273 : f32 to vector<16xf32>
        %select_n3A_275 = arith.select %eq3A_272, %get3A_263, %broadcast_in_dim3A_274 : vector<16xi1>, vector<16xf32>
        %swap3A_276 = arith.constant 1 : i32
        %swap3A_277 = arith.index_cast %swap3A_276 : i32 to index
        %swap3A_278 = arith.index_cast %add3A_259 : i32 to index
        %swap3A_279 = tpu.vector_load %arg6[%swap3A_277, %swap3A_278] {strides = array<i32>} : memref<2x8192xf32, #tpu.memory_space<vmem>>, vector<16xf32>,
        tpu.vector_store %arg6[%swap3A_277, %swap3A_278], %select_n3A_275 {strides = array<i32>} : memref<2x8192xf32, #tpu.memory_space<vmem>>, vector<16xf32>,
        %add3A_280 = arith.constant 96 : i32
        %add3A_281 = arith.addi %mul3A_154, %add3A_280 : i32
        %get3A_282 = arith.constant 1 : i32
        %get3A_283 = arith.index_cast %get3A_282 : i32 to index
        %get3A_284 = arith.index_cast %add3A_281 : i32 to index
        %get3A_285 = tpu.vector_load %arg4[%get3A_283, %get3A_284] {strides = array<i32>} : memref<2x8192xf32, #tpu.memory_space<vmem>>, vector<16xf32>,
        %abs3A_286 = math.absf %get3A_285 : vector<16xf32>
        %masked_sort3A_287 = arith.constant dense<true> : vector<16xi1>
        %masked_sort3A_288, %masked_sort3A_289, %masked_sort3A_290 = tpu.sort %abs3A_286, %iota3A masked %masked_sort3A_287 {descending = true} : (vector<16xf32>, vector<16xi32>, vector<16xi1>) -> (vector<16xi1>, vector<16xf32>, vector<16xi32>)
        %slice3A_291 = vector.extract_strided_slice %masked_sort3A_290 {offsets = [0], sizes = [1], strides = [1]} : vector<16xi32> to vector<1xi32>
        %squeeze3A_292 = vector.extract %slice3A_291[0] : i32 from vector<1xi32>
        %eq3A_293 = vector.broadcast %squeeze3A_292 : i32 to vector<16xi32>
        %eq3A_294 = arith.cmpi eq, %iota3A, %eq3A_293 : vector<16xi32>
        %jit3A_295 = arith.constant 0.000000e+00 : f32
        %broadcast_in_dim3A_296 = vector.broadcast %jit3A_295 : f32 to vector<16xf32>
        %select_n3A_297 = arith.select %eq3A_294, %get3A_285, %broadcast_in_dim3A_296 : vector<16xi1>, vector<16xf32>
        %swap3A_298 = arith.constant 1 : i32
        %swap3A_299 = arith.index_cast %swap3A_298 : i32 to index
        %swap3A_300 = arith.index_cast %add3A_281 : i32 to index
        %swap3A_301 = tpu.vector_load %arg6[%swap3A_299, %swap3A_300] {strides = array<i32>} : memref<2x8192xf32, #tpu.memory_space<vmem>>, vector<16xf32>,
        tpu.vector_store %arg6[%swap3A_299, %swap3A_300], %select_n3A_297 {strides = array<i32>} : memref<2x8192xf32, #tpu.memory_space<vmem>>, vector<16xf32>,
        %add3A_302 = arith.constant 112 : i32
        %add3A_303 = arith.addi %mul3A_154, %add3A_302 : i32
        %get3A_304 = arith.constant 1 : i32
        %get3A_305 = arith.index_cast %get3A_304 : i32 to index
        %get3A_306 = arith.index_cast %add3A_303 : i32 to index
        %get3A_307 = tpu.vector_load %arg4[%get3A_305, %get3A_306] {strides = array<i32>} : memref<2x8192xf32, #tpu.memory_space<vmem>>, vector<16xf32>,
        %abs3A_308 = math.absf %get3A_307 : vector<16xf32>
        %masked_sort3A_309 = arith.constant dense<true> : vector<16xi1>
        %masked_sort3A_310, %masked_sort3A_311, %masked_sort3A_312 = tpu.sort %abs3A_308, %iota3A masked %masked_sort3A_309 {descending = true} : (vector<16xf32>, vector<16xi32>, vector<16xi1>) -> (vector<16xi1>, vector<16xf32>, vector<16xi32>)
        %slice3A_313 = vector.extract_strided_slice %masked_sort3A_312 {offsets = [0], sizes = [1], strides = [1]} : vector<16xi32> to vector<1xi32>
        %squeeze3A_314 = vector.extract %slice3A_313[0] : i32 from vector<1xi32>
        %eq3A_315 = vector.broadcast %squeeze3A_314 : i32 to vector<16xi32>
        %eq3A_316 = arith.cmpi eq, %iota3A, %eq3A_315 : vector<16xi32>
        %jit3A_317 = arith.constant 0.000000e+00 : f32
        %broadcast_in_dim3A_318 = vector.broadcast %jit3A_317 : f32 to vector<16xf32>
        %select_n3A_319 = arith.select %eq3A_316, %get3A_307, %broadcast_in_dim3A_318 : vector<16xi1>, vector<16xf32>
        %swap3A_320 = arith.constant 1 : i32
        %swap3A_321 = arith.index_cast %swap3A_320 : i32 to index
        %swap3A_322 = arith.index_cast %add3A_303 : i32 to index
        %swap3A_323 = tpu.vector_load %arg6[%swap3A_321, %swap3A_322] {strides = array<i32>} : memref<2x8192xf32, #tpu.memory_space<vmem>>, vector<16xf32>,
        tpu.vector_store %arg6[%swap3A_321, %swap3A_322], %select_n3A_319 {strides = array<i32>} : memref<2x8192xf32, #tpu.memory_space<vmem>>, vector<16xf32>,
        %add3A_324 = arith.constant 128 : i32
        %add3A_325 = arith.addi %mul3A_154, %add3A_324 : i32
        %get3A_326 = arith.constant 1 : i32
        %get3A_327 = arith.index_cast %get3A_326 : i32 to index
        %get3A_328 = arith.index_cast %add3A_325 : i32 to index
        %get3A_329 = tpu.vector_load %arg4[%get3A_327, %get3A_328] {strides = array<i32>} : memref<2x8192xf32, #tpu.memory_space<vmem>>, vector<16xf32>,
        %abs3A_330 = math.absf %get3A_329 : vector<16xf32>
        %masked_sort3A_331 = arith.constant dense<true> : vector<16xi1>
        %masked_sort3A_332, %masked_sort3A_333, %masked_sort3A_334 = tpu.sort %abs3A_330, %iota3A masked %masked_sort3A_331 {descending = true} : (vector<16xf32>, vector<16xi32>, vector<16xi1>) -> (vector<16xi1>, vector<16xf32>, vector<16xi32>)
        %slice3A_335 = vector.extract_strided_slice %masked_sort3A_334 {offsets = [0], sizes = [1], strides = [1]} : vector<16xi32> to vector<1xi32>
        %squeeze3A_336 = vector.extract %slice3A_335[0] : i32 from vector<1xi32>
        %eq3A_337 = vector.broadcast %squeeze3A_336 : i32 to vector<16xi32>
        %eq3A_338 = arith.cmpi eq, %iota3A, %eq3A_337 : vector<16xi32>
        %jit3A_339 = arith.constant 0.000000e+00 : f32
        %broadcast_in_dim3A_340 = vector.broadcast %jit3A_339 : f32 to vector<16xf32>
        %select_n3A_341 = arith.select %eq3A_338, %get3A_329, %broadcast_in_dim3A_340 : vector<16xi1>, vector<16xf32>
        %swap3A_342 = arith.constant 1 : i32
        %swap3A_343 = arith.index_cast %swap3A_342 : i32 to index
        %swap3A_344 = arith.index_cast %add3A_325 : i32 to index
        %swap3A_345 = tpu.vector_load %arg6[%swap3A_343, %swap3A_344] {strides = array<i32>} : memref<2x8192xf32, #tpu.memory_space<vmem>>, vector<16xf32>,
        tpu.vector_store %arg6[%swap3A_343, %swap3A_344], %select_n3A_341 {strides = array<i32>} : memref<2x8192xf32, #tpu.memory_space<vmem>>, vector<16xf32>,
        %add3A_346 = arith.constant 144 : i32
        %add3A_347 = arith.addi %mul3A_154, %add3A_346 : i32
        %get3A_348 = arith.constant 1 : i32
        %get3A_349 = arith.index_cast %get3A_348 : i32 to index
        %get3A_350 = arith.index_cast %add3A_347 : i32 to index
        %get3A_351 = tpu.vector_load %arg4[%get3A_349, %get3A_350] {strides = array<i32>} : memref<2x8192xf32, #tpu.memory_space<vmem>>, vector<16xf32>,
        %abs3A_352 = math.absf %get3A_351 : vector<16xf32>
        %masked_sort3A_353 = arith.constant dense<true> : vector<16xi1>
        %masked_sort3A_354, %masked_sort3A_355, %masked_sort3A_356 = tpu.sort %abs3A_352, %iota3A masked %masked_sort3A_353 {descending = true} : (vector<16xf32>, vector<16xi32>, vector<16xi1>) -> (vector<16xi1>, vector<16xf32>, vector<16xi32>)
        %slice3A_357 = vector.extract_strided_slice %masked_sort3A_356 {offsets = [0], sizes = [1], strides = [1]} : vector<16xi32> to vector<1xi32>
        %squeeze3A_358 = vector.extract %slice3A_357[0] : i32 from vector<1xi32>
        %eq3A_359 = vector.broadcast %squeeze3A_358 : i32 to vector<16xi32>
        %eq3A_360 = arith.cmpi eq, %iota3A, %eq3A_359 : vector<16xi32>
        %jit3A_361 = arith.constant 0.000000e+00 : f32
        %broadcast_in_dim3A_362 = vector.broadcast %jit3A_361 : f32 to vector<16xf32>
        %select_n3A_363 = arith.select %eq3A_360, %get3A_351, %broadcast_in_dim3A_362 : vector<16xi1>, vector<16xf32>
        %swap3A_364 = arith.constant 1 : i32
        %swap3A_365 = arith.index_cast %swap3A_364 : i32 to index
        %swap3A_366 = arith.index_cast %add3A_347 : i32 to index
        %swap3A_367 = tpu.vector_load %arg6[%swap3A_365, %swap3A_366] {strides = array<i32>} : memref<2x8192xf32, #tpu.memory_space<vmem>>, vector<16xf32>,
        tpu.vector_store %arg6[%swap3A_365, %swap3A_366], %select_n3A_363 {strides = array<i32>} : memref<2x8192xf32, #tpu.memory_space<vmem>>, vector<16xf32>,
        %add3A_368 = arith.constant 160 : i32
        %add3A_369 = arith.addi %mul3A_154, %add3A_368 : i32
        %get3A_370 = arith.constant 1 : i32
        %get3A_371 = arith.index_cast %get3A_370 : i32 to index
        %get3A_372 = arith.index_cast %add3A_369 : i32 to index
        %get3A_373 = tpu.vector_load %arg4[%get3A_371, %get3A_372] {strides = array<i32>} : memref<2x8192xf32, #tpu.memory_space<vmem>>, vector<16xf32>,
        %abs3A_374 = math.absf %get3A_373 : vector<16xf32>
        %masked_sort3A_375 = arith.constant dense<true> : vector<16xi1>
        %masked_sort3A_376, %masked_sort3A_377, %masked_sort3A_378 = tpu.sort %abs3A_374, %iota3A masked %masked_sort3A_375 {descending = true} : (vector<16xf32>, vector<16xi32>, vector<16xi1>) -> (vector<16xi1>, vector<16xf32>, vector<16xi32>)
        %slice3A_379 = vector.extract_strided_slice %masked_sort3A_378 {offsets = [0], sizes = [1], strides = [1]} : vector<16xi32> to vector<1xi32>
        %squeeze3A_380 = vector.extract %slice3A_379[0] : i32 from vector<1xi32>
        %eq3A_381 = vector.broadcast %squeeze3A_380 : i32 to vector<16xi32>
        %eq3A_382 = arith.cmpi eq, %iota3A, %eq3A_381 : vector<16xi32>
        %jit3A_383 = arith.constant 0.000000e+00 : f32
        %broadcast_in_dim3A_384 = vector.broadcast %jit3A_383 : f32 to vector<16xf32>
        %select_n3A_385 = arith.select %eq3A_382, %get3A_373, %broadcast_in_dim3A_384 : vector<16xi1>, vector<16xf32>
        %swap3A_386 = arith.constant 1 : i32
        %swap3A_387 = arith.index_cast %swap3A_386 : i32 to index
        %swap3A_388 = arith.index_cast %add3A_369 : i32 to index
        %swap3A_389 = tpu.vector_load %arg6[%swap3A_387, %swap3A_388] {strides = array<i32>} : memref<2x8192xf32, #tpu.memory_space<vmem>>, vector<16xf32>,
        tpu.vector_store %arg6[%swap3A_387, %swap3A_388], %select_n3A_385 {strides = array<i32>} : memref<2x8192xf32, #tpu.memory_space<vmem>>, vector<16xf32>,
        %add3A_390 = arith.constant 176 : i32
        %add3A_391 = arith.addi %mul3A_154, %add3A_390 : i32
        %get3A_392 = arith.constant 1 : i32
        %get3A_393 = arith.index_cast %get3A_392 : i32 to index
        %get3A_394 = arith.index_cast %add3A_391 : i32 to index
        %get3A_395 = tpu.vector_load %arg4[%get3A_393, %get3A_394] {strides = array<i32>} : memref<2x8192xf32, #tpu.memory_space<vmem>>, vector<16xf32>,
        %abs3A_396 = math.absf %get3A_395 : vector<16xf32>
        %masked_sort3A_397 = arith.constant dense<true> : vector<16xi1>
        %masked_sort3A_398, %masked_sort3A_399, %masked_sort3A_400 = tpu.sort %abs3A_396, %iota3A masked %masked_sort3A_397 {descending = true} : (vector<16xf32>, vector<16xi32>, vector<16xi1>) -> (vector<16xi1>, vector<16xf32>, vector<16xi32>)
        %slice3A_401 = vector.extract_strided_slice %masked_sort3A_400 {offsets = [0], sizes = [1], strides = [1]} : vector<16xi32> to vector<1xi32>
        %squeeze3A_402 = vector.extract %slice3A_401[0] : i32 from vector<1xi32>
        %eq3A_403 = vector.broadcast %squeeze3A_402 : i32 to vector<16xi32>
        %eq3A_404 = arith.cmpi eq, %iota3A, %eq3A_403 : vector<16xi32>
        %jit3A_405 = arith.constant 0.000000e+00 : f32
        %broadcast_in_dim3A_406 = vector.broadcast %jit3A_405 : f32 to vector<16xf32>
        %select_n3A_407 = arith.select %eq3A_404, %get3A_395, %broadcast_in_dim3A_406 : vector<16xi1>, vector<16xf32>
        %swap3A_408 = arith.constant 1 : i32
        %swap3A_409 = arith.index_cast %swap3A_408 : i32 to index
        %swap3A_410 = arith.index_cast %add3A_391 : i32 to index
        %swap3A_411 = tpu.vector_load %arg6[%swap3A_409, %swap3A_410] {strides = array<i32>} : memref<2x8192xf32, #tpu.memory_space<vmem>>, vector<16xf32>,
        tpu.vector_store %arg6[%swap3A_409, %swap3A_410], %select_n3A_407 {strides = array<i32>} : memref<2x8192xf32, #tpu.memory_space<vmem>>, vector<16xf32>,
        %add3A_412 = arith.constant 192 : i32
        %add3A_413 = arith.addi %mul3A_154, %add3A_412 : i32
        %get3A_414 = arith.constant 1 : i32
        %get3A_415 = arith.index_cast %get3A_414 : i32 to index
        %get3A_416 = arith.index_cast %add3A_413 : i32 to index
        %get3A_417 = tpu.vector_load %arg4[%get3A_415, %get3A_416] {strides = array<i32>} : memref<2x8192xf32, #tpu.memory_space<vmem>>, vector<16xf32>,
        %abs3A_418 = math.absf %get3A_417 : vector<16xf32>
        %masked_sort3A_419 = arith.constant dense<true> : vector<16xi1>
        %masked_sort3A_420, %masked_sort3A_421, %masked_sort3A_422 = tpu.sort %abs3A_418, %iota3A masked %masked_sort3A_419 {descending = true} : (vector<16xf32>, vector<16xi32>, vector<16xi1>) -> (vector<16xi1>, vector<16xf32>, vector<16xi32>)
        %slice3A_423 = vector.extract_strided_slice %masked_sort3A_422 {offsets = [0], sizes = [1], strides = [1]} : vector<16xi32> to vector<1xi32>
        %squeeze3A_424 = vector.extract %slice3A_423[0] : i32 from vector<1xi32>
        %eq3A_425 = vector.broadcast %squeeze3A_424 : i32 to vector<16xi32>
        %eq3A_426 = arith.cmpi eq, %iota3A, %eq3A_425 : vector<16xi32>
        %jit3A_427 = arith.constant 0.000000e+00 : f32
        %broadcast_in_dim3A_428 = vector.broadcast %jit3A_427 : f32 to vector<16xf32>
        %select_n3A_429 = arith.select %eq3A_426, %get3A_417, %broadcast_in_dim3A_428 : vector<16xi1>, vector<16xf32>
        %swap3A_430 = arith.constant 1 : i32
        %swap3A_431 = arith.index_cast %swap3A_430 : i32 to index
        %swap3A_432 = arith.index_cast %add3A_413 : i32 to index
        %swap3A_433 = tpu.vector_load %arg6[%swap3A_431, %swap3A_432] {strides = array<i32>} : memref<2x8192xf32, #tpu.memory_space<vmem>>, vector<16xf32>,
        tpu.vector_store %arg6[%swap3A_431, %swap3A_432], %select_n3A_429 {strides = array<i32>} : memref<2x8192xf32, #tpu.memory_space<vmem>>, vector<16xf32>,
        %add3A_434 = arith.constant 208 : i32
        %add3A_435 = arith.addi %mul3A_154, %add3A_434 : i32
        %get3A_436 = arith.constant 1 : i32
        %get3A_437 = arith.index_cast %get3A_436 : i32 to index
        %get3A_438 = arith.index_cast %add3A_435 : i32 to index
        %get3A_439 = tpu.vector_load %arg4[%get3A_437, %get3A_438] {strides = array<i32>} : memref<2x8192xf32, #tpu.memory_space<vmem>>, vector<16xf32>,
        %abs3A_440 = math.absf %get3A_439 : vector<16xf32>
        %masked_sort3A_441 = arith.constant dense<true> : vector<16xi1>
        %masked_sort3A_442, %masked_sort3A_443, %masked_sort3A_444 = tpu.sort %abs3A_440, %iota3A masked %masked_sort3A_441 {descending = true} : (vector<16xf32>, vector<16xi32>, vector<16xi1>) -> (vector<16xi1>, vector<16xf32>, vector<16xi32>)
        %slice3A_445 = vector.extract_strided_slice %masked_sort3A_444 {offsets = [0], sizes = [1], strides = [1]} : vector<16xi32> to vector<1xi32>
        %squeeze3A_446 = vector.extract %slice3A_445[0] : i32 from vector<1xi32>
        %eq3A_447 = vector.broadcast %squeeze3A_446 : i32 to vector<16xi32>
        %eq3A_448 = arith.cmpi eq, %iota3A, %eq3A_447 : vector<16xi32>
        %jit3A_449 = arith.constant 0.000000e+00 : f32
        %broadcast_in_dim3A_450 = vector.broadcast %jit3A_449 : f32 to vector<16xf32>
        %select_n3A_451 = arith.select %eq3A_448, %get3A_439, %broadcast_in_dim3A_450 : vector<16xi1>, vector<16xf32>
        %swap3A_452 = arith.constant 1 : i32
        %swap3A_453 = arith.index_cast %swap3A_452 : i32 to index
        %swap3A_454 = arith.index_cast %add3A_435 : i32 to index
        %swap3A_455 = tpu.vector_load %arg6[%swap3A_453, %swap3A_454] {strides = array<i32>} : memref<2x8192xf32, #tpu.memory_space<vmem>>, vector<16xf32>,
        tpu.vector_store %arg6[%swap3A_453, %swap3A_454], %select_n3A_451 {strides = array<i32>} : memref<2x8192xf32, #tpu.memory_space<vmem>>, vector<16xf32>,
        %add3A_456 = arith.constant 224 : i32
        %add3A_457 = arith.addi %mul3A_154, %add3A_456 : i32
        %get3A_458 = arith.constant 1 : i32
        %get3A_459 = arith.index_cast %get3A_458 : i32 to index
        %get3A_460 = arith.index_cast %add3A_457 : i32 to index
        %get3A_461 = tpu.vector_load %arg4[%get3A_459, %get3A_460] {strides = array<i32>} : memref<2x8192xf32, #tpu.memory_space<vmem>>, vector<16xf32>,
        %abs3A_462 = math.absf %get3A_461 : vector<16xf32>
        %masked_sort3A_463 = arith.constant dense<true> : vector<16xi1>
        %masked_sort3A_464, %masked_sort3A_465, %masked_sort3A_466 = tpu.sort %abs3A_462, %iota3A masked %masked_sort3A_463 {descending = true} : (vector<16xf32>, vector<16xi32>, vector<16xi1>) -> (vector<16xi1>, vector<16xf32>, vector<16xi32>)
        %slice3A_467 = vector.extract_strided_slice %masked_sort3A_466 {offsets = [0], sizes = [1], strides = [1]} : vector<16xi32> to vector<1xi32>
        %squeeze3A_468 = vector.extract %slice3A_467[0] : i32 from vector<1xi32>
        %eq3A_469 = vector.broadcast %squeeze3A_468 : i32 to vector<16xi32>
        %eq3A_470 = arith.cmpi eq, %iota3A, %eq3A_469 : vector<16xi32>
        %jit3A_471 = arith.constant 0.000000e+00 : f32
        %broadcast_in_dim3A_472 = vector.broadcast %jit3A_471 : f32 to vector<16xf32>
        %select_n3A_473 = arith.select %eq3A_470, %get3A_461, %broadcast_in_dim3A_472 : vector<16xi1>, vector<16xf32>
        %swap3A_474 = arith.constant 1 : i32
        %swap3A_475 = arith.index_cast %swap3A_474 : i32 to index
        %swap3A_476 = arith.index_cast %add3A_457 : i32 to index
        %swap3A_477 = tpu.vector_load %arg6[%swap3A_475, %swap3A_476] {strides = array<i32>} : memref<2x8192xf32, #tpu.memory_space<vmem>>, vector<16xf32>,
        tpu.vector_store %arg6[%swap3A_475, %swap3A_476], %select_n3A_473 {strides = array<i32>} : memref<2x8192xf32, #tpu.memory_space<vmem>>, vector<16xf32>,
        %add3A_478 = arith.constant 240 : i32
        %add3A_479 = arith.addi %mul3A_154, %add3A_478 : i32
        %get3A_480 = arith.constant 1 : i32
        %get3A_481 = arith.index_cast %get3A_480 : i32 to index
        %get3A_482 = arith.index_cast %add3A_479 : i32 to index
        %get3A_483 = tpu.vector_load %arg4[%get3A_481, %get3A_482] {strides = array<i32>} : memref<2x8192xf32, #tpu.memory_space<vmem>>, vector<16xf32>,
        %abs3A_484 = math.absf %get3A_483 : vector<16xf32>
        %masked_sort3A_485 = arith.constant dense<true> : vector<16xi1>
        %masked_sort3A_486, %masked_sort3A_487, %masked_sort3A_488 = tpu.sort %abs3A_484, %iota3A masked %masked_sort3A_485 {descending = true} : (vector<16xf32>, vector<16xi32>, vector<16xi1>) -> (vector<16xi1>, vector<16xf32>, vector<16xi32>)
        %slice3A_489 = vector.extract_strided_slice %masked_sort3A_488 {offsets = [0], sizes = [1], strides = [1]} : vector<16xi32> to vector<1xi32>
        %squeeze3A_490 = vector.extract %slice3A_489[0] : i32 from vector<1xi32>
        %eq3A_491 = vector.broadcast %squeeze3A_490 : i32 to vector<16xi32>
        %eq3A_492 = arith.cmpi eq, %iota3A, %eq3A_491 : vector<16xi32>
        %jit3A_493 = arith.constant 0.000000e+00 : f32
        %broadcast_in_dim3A_494 = vector.broadcast %jit3A_493 : f32 to vector<16xf32>
        %select_n3A_495 = arith.select %eq3A_492, %get3A_483, %broadcast_in_dim3A_494 : vector<16xi1>, vector<16xf32>
        %swap3A_496 = arith.constant 1 : i32
        %swap3A_497 = arith.index_cast %swap3A_496 : i32 to index
        %swap3A_498 = arith.index_cast %add3A_479 : i32 to index
        %swap3A_499 = tpu.vector_load %arg6[%swap3A_497, %swap3A_498] {strides = array<i32>} : memref<2x8192xf32, #tpu.memory_space<vmem>>, vector<16xf32>,
        tpu.vector_store %arg6[%swap3A_497, %swap3A_498], %select_n3A_495 {strides = array<i32>} : memref<2x8192xf32, #tpu.memory_space<vmem>>, vector<16xf32>,
      }
      %scan3A_93 = arith.constant 32 : i32
      %mul3A_94 = arith.constant 2 : i32
      %mul3A_95 = arith.muli %mul3A_70, %mul3A_94 : i32
      %add3A_96 = arith.addi %mul3A_32, %mul3A_95 : i32
      %dma_start3A_97 = arith.constant 0 : i32
      %dma_start3A_98 = tpu.memref_slice %arg3[%select_n3A, %add3A_96, %dma_start3A_97] : memref<4x1024x8192xf32, #tpu.memory_space<hbm>> -> memref<1x2x8192xf32, #tpu.memory_space<hbm>>
      %dma_start3A_99 = tpu.memref_squeeze %dma_start3A_98 : memref<1x2x8192xf32, #tpu.memory_space<hbm>> -> memref<2x8192xf32, #tpu.memory_space<hbm>>
      %dma_start3A_100 = arith.constant 0 : i32
      %dma_start3A_101 = tpu.memref_slice %arg3[%select_n3A, %add3A_96, %dma_start3A_100] : memref<4x1024x8192xf32, #tpu.memory_space<hbm>> -> memref<1x2x8192xf32, #tpu.memory_space<hbm>>
      %dma_start3A_102 = tpu.memref_squeeze %dma_start3A_101 : memref<1x2x8192xf32, #tpu.memory_space<hbm>> -> memref<2x8192xf32, #tpu.memory_space<hbm>>
      tpu.enqueue_dma source(%arg6 : memref<2x8192xf32, #tpu.memory_space<vmem>>) target(%dma_start3A_102 : memref<2x8192xf32, #tpu.memory_space<hbm>>) target_semaphore(%arg10 : memref<!tpu.dma_semaphore, #tpu.memory_space<semaphore_mem>>)
      %lt3A_103 = arith.constant 31 : i32
      %lt3A_104 = arith.cmpi slt, %scan3A_68, %lt3A_103 : i32
      %convert_element_type3A_105 = arith.extui %lt3A_104 : i1 to i32
      %cond3A_106 = arith.constant 0 : i32
      %cond3A_107 = arith.cmpi ne, %convert_element_type3A_105, %cond3A_106 : i32
      scf.if %cond3A_107 {
        %add3A_152 = arith.constant 2 : i32
        %add3A_153 = arith.addi %mul3A_70, %add3A_152 : i32
        %mul3A_154 = arith.constant 2 : i32
        %mul3A_155 = arith.muli %add3A_153, %mul3A_154 : i32
        %add3A_156 = arith.addi %mul3A_32, %mul3A_155 : i32
        %dma_start3A_157 = arith.constant 0 : i32
        %dma_start3A_158 = tpu.memref_slice %arg2[%select_n3A, %add3A_156, %dma_start3A_157] : memref<4x1024x8192xf32, #tpu.memory_space<hbm>> -> memref<1x2x8192xf32, #tpu.memory_space<hbm>>
        %dma_start3A_159 = tpu.memref_squeeze %dma_start3A_158 : memref<1x2x8192xf32, #tpu.memory_space<hbm>> -> memref<2x8192xf32, #tpu.memory_space<hbm>>
        %dma_start3A_160 = arith.constant 0 : i32
        %dma_start3A_161 = tpu.memref_slice %arg2[%select_n3A, %add3A_156, %dma_start3A_160] : memref<4x1024x8192xf32, #tpu.memory_space<hbm>> -> memref<1x2x8192xf32, #tpu.memory_space<hbm>>
        %dma_start3A_162 = tpu.memref_squeeze %dma_start3A_161 : memref<1x2x8192xf32, #tpu.memory_space<hbm>> -> memref<2x8192xf32, #tpu.memory_space<hbm>>
        tpu.enqueue_dma source(%dma_start3A_162 : memref<2x8192xf32, #tpu.memory_space<hbm>>) target(%arg4 : memref<2x8192xf32, #tpu.memory_space<vmem>>) target_semaphore(%arg8 : memref<!tpu.dma_semaphore, #tpu.memory_space<semaphore_mem>>)
      } else {
      }
      %gt3A_108 = arith.constant 0 : i32
      %gt3A_109 = arith.cmpi sgt, %scan3A_68, %gt3A_108 : i32
      %convert_element_type3A_110 = arith.extui %gt3A_109 : i1 to i32
      %cond3A_111 = arith.constant 0 : i32
      %cond3A_112 = arith.cmpi ne, %convert_element_type3A_110, %cond3A_111 : i32
      scf.if %cond3A_112 {
        %sub3A_152 = arith.constant 1 : i32
        %sub3A_153 = arith.subi %mul3A_70, %sub3A_152 : i32
        %mul3A_154 = arith.constant 2 : i32
        %mul3A_155 = arith.muli %sub3A_153, %mul3A_154 : i32
        %add3A_156 = arith.addi %mul3A_32, %mul3A_155 : i32
        %dma_wait3A_157 = arith.constant 0 : i32
        %dma_wait3A_158 = tpu.memref_slice %arg3[%select_n3A, %add3A_156, %dma_wait3A_157] : memref<4x1024x8192xf32, #tpu.memory_space<hbm>> -> memref<1x2x8192xf32, #tpu.memory_space<hbm>>
        %dma_wait3A_159 = tpu.memref_squeeze %dma_wait3A_158 : memref<1x2x8192xf32, #tpu.memory_space<hbm>> -> memref<2x8192xf32, #tpu.memory_space<hbm>>
        %dma_wait3A_160 = arith.constant 0 : i32
        %dma_wait3A_161 = tpu.memref_slice %arg3[%select_n3A, %add3A_156, %dma_wait3A_160] : memref<4x1024x8192xf32, #tpu.memory_space<hbm>> -> memref<1x2x8192xf32, #tpu.memory_space<hbm>>
        %dma_wait3A_162 = tpu.memref_squeeze %dma_wait3A_161 : memref<1x2x8192xf32, #tpu.memory_space<hbm>> -> memref<2x8192xf32, #tpu.memory_space<hbm>>
        tpu.wait_dma2 semaphore(%arg11 : memref<!tpu.dma_semaphore, #tpu.memory_space<semaphore_mem>>) src(%arg7 : memref<2x8192xf32, #tpu.memory_space<vmem>>) dst(%dma_wait3A_162 : memref<2x8192xf32, #tpu.memory_space<hbm>>)
      } else {
      }
      %add3A_113 = arith.constant 1 : i32
      %add3A_114 = arith.addi %mul3A_70, %add3A_113 : i32
      %mul3A_115 = arith.constant 2 : i32
      %mul3A_116 = arith.muli %add3A_114, %mul3A_115 : i32
      %add3A_117 = arith.addi %mul3A_32, %mul3A_116 : i32
      %dma_wait3A_118 = arith.constant 0 : i32
      %dma_wait3A_119 = tpu.memref_slice %arg2[%select_n3A, %add3A_117, %dma_wait3A_118] : memref<4x1024x8192xf32, #tpu.memory_space<hbm>> -> memref<1x2x8192xf32, #tpu.memory_space<hbm>>
      %dma_wait3A_120 = tpu.memref_squeeze %dma_wait3A_119 : memref<1x2x8192xf32, #tpu.memory_space<hbm>> -> memref<2x8192xf32, #tpu.memory_space<hbm>>
      %dma_wait3A_121 = arith.constant 0 : i32
      %dma_wait3A_122 = tpu.memref_slice %arg2[%select_n3A, %add3A_117, %dma_wait3A_121] : memref<4x1024x8192xf32, #tpu.memory_space<hbm>> -> memref<1x2x8192xf32, #tpu.memory_space<hbm>>
      %dma_wait3A_123 = tpu.memref_squeeze %dma_wait3A_122 : memref<1x2x8192xf32, #tpu.memory_space<hbm>> -> memref<2x8192xf32, #tpu.memory_space<hbm>>
      tpu.wait_dma2 semaphore(%arg9 : memref<!tpu.dma_semaphore, #tpu.memory_space<semaphore_mem>>) src(%dma_wait3A_123 : memref<2x8192xf32, #tpu.memory_space<hbm>>) dst(%arg5 : memref<2x8192xf32, #tpu.memory_space<vmem>>)
      %scan3A_124 = arith.constant 0 : i32
      %scan3A_125 = arith.constant 0 : i32
      %scan3A_126 = arith.constant 32 : i32
      %scan3A_127 = arith.addi %scan3A_125, %scan3A_126 : i32
      %scan3A_128 = arith.constant 1 : i32
      scf.for %scan3A_152 = %scan3A_125 to %scan3A_127 step %scan3A_128  : i32 {
        %mul3A_153 = arith.constant 256 : i32
        %mul3A_154 = arith.muli %scan3A_152, %mul3A_153 : i32
        %add3A_155 = arith.constant 0 : i32
        %add3A_156 = arith.addi %mul3A_154, %add3A_155 : i32
        %get3A = arith.constant 0 : i32
        %get3A_157 = arith.index_cast %get3A : i32 to index
        %get3A_158 = arith.index_cast %add3A_156 : i32 to index
        %get3A_159 = tpu.vector_load %arg5[%get3A_157, %get3A_158] {strides = array<i32>} : memref<2x8192xf32, #tpu.memory_space<vmem>>, vector<16xf32>,
        %abs3A = math.absf %get3A_159 : vector<16xf32>
        %masked_sort3A = arith.constant dense<true> : vector<16xi1>
        %masked_sort3A_160, %masked_sort3A_161, %masked_sort3A_162 = tpu.sort %abs3A, %iota3A masked %masked_sort3A {descending = true} : (vector<16xf32>, vector<16xi32>, vector<16xi1>) -> (vector<16xi1>, vector<16xf32>, vector<16xi32>)
        %slice3A = vector.extract_strided_slice %masked_sort3A_162 {offsets = [0], sizes = [1], strides = [1]} : vector<16xi32> to vector<1xi32>
        %squeeze3A = vector.extract %slice3A[0] : i32 from vector<1xi32>
        %eq3A_163 = vector.broadcast %squeeze3A : i32 to vector<16xi32>
        %eq3A_164 = arith.cmpi eq, %iota3A, %eq3A_163 : vector<16xi32>
        %jit3A_165 = arith.constant 0.000000e+00 : f32
        %broadcast_in_dim3A = vector.broadcast %jit3A_165 : f32 to vector<16xf32>
        %select_n3A_166 = arith.select %eq3A_164, %get3A_159, %broadcast_in_dim3A : vector<16xi1>, vector<16xf32>
        %swap3A = arith.constant 0 : i32
        %swap3A_167 = arith.index_cast %swap3A : i32 to index
        %swap3A_168 = arith.index_cast %add3A_156 : i32 to index
        %swap3A_169 = tpu.vector_load %arg7[%swap3A_167, %swap3A_168] {strides = array<i32>} : memref<2x8192xf32, #tpu.memory_space<vmem>>, vector<16xf32>,
        tpu.vector_store %arg7[%swap3A_167, %swap3A_168], %select_n3A_166 {strides = array<i32>} : memref<2x8192xf32, #tpu.memory_space<vmem>>, vector<16xf32>,
        %add3A_170 = arith.constant 16 : i32
        %add3A_171 = arith.addi %mul3A_154, %add3A_170 : i32
        %get3A_172 = arith.constant 0 : i32
        %get3A_173 = arith.index_cast %get3A_172 : i32 to index
        %get3A_174 = arith.index_cast %add3A_171 : i32 to index
        %get3A_175 = tpu.vector_load %arg5[%get3A_173, %get3A_174] {strides = array<i32>} : memref<2x8192xf32, #tpu.memory_space<vmem>>, vector<16xf32>,
        %abs3A_176 = math.absf %get3A_175 : vector<16xf32>
        %masked_sort3A_177 = arith.constant dense<true> : vector<16xi1>
        %masked_sort3A_178, %masked_sort3A_179, %masked_sort3A_180 = tpu.sort %abs3A_176, %iota3A masked %masked_sort3A_177 {descending = true} : (vector<16xf32>, vector<16xi32>, vector<16xi1>) -> (vector<16xi1>, vector<16xf32>, vector<16xi32>)
        %slice3A_181 = vector.extract_strided_slice %masked_sort3A_180 {offsets = [0], sizes = [1], strides = [1]} : vector<16xi32> to vector<1xi32>
        %squeeze3A_182 = vector.extract %slice3A_181[0] : i32 from vector<1xi32>
        %eq3A_183 = vector.broadcast %squeeze3A_182 : i32 to vector<16xi32>
        %eq3A_184 = arith.cmpi eq, %iota3A, %eq3A_183 : vector<16xi32>
        %jit3A_185 = arith.constant 0.000000e+00 : f32
        %broadcast_in_dim3A_186 = vector.broadcast %jit3A_185 : f32 to vector<16xf32>
        %select_n3A_187 = arith.select %eq3A_184, %get3A_175, %broadcast_in_dim3A_186 : vector<16xi1>, vector<16xf32>
        %swap3A_188 = arith.constant 0 : i32
        %swap3A_189 = arith.index_cast %swap3A_188 : i32 to index
        %swap3A_190 = arith.index_cast %add3A_171 : i32 to index
        %swap3A_191 = tpu.vector_load %arg7[%swap3A_189, %swap3A_190] {strides = array<i32>} : memref<2x8192xf32, #tpu.memory_space<vmem>>, vector<16xf32>,
        tpu.vector_store %arg7[%swap3A_189, %swap3A_190], %select_n3A_187 {strides = array<i32>} : memref<2x8192xf32, #tpu.memory_space<vmem>>, vector<16xf32>,
        %add3A_192 = arith.constant 32 : i32
        %add3A_193 = arith.addi %mul3A_154, %add3A_192 : i32
        %get3A_194 = arith.constant 0 : i32
        %get3A_195 = arith.index_cast %get3A_194 : i32 to index
        %get3A_196 = arith.index_cast %add3A_193 : i32 to index
        %get3A_197 = tpu.vector_load %arg5[%get3A_195, %get3A_196] {strides = array<i32>} : memref<2x8192xf32, #tpu.memory_space<vmem>>, vector<16xf32>,
        %abs3A_198 = math.absf %get3A_197 : vector<16xf32>
        %masked_sort3A_199 = arith.constant dense<true> : vector<16xi1>
        %masked_sort3A_200, %masked_sort3A_201, %masked_sort3A_202 = tpu.sort %abs3A_198, %iota3A masked %masked_sort3A_199 {descending = true} : (vector<16xf32>, vector<16xi32>, vector<16xi1>) -> (vector<16xi1>, vector<16xf32>, vector<16xi32>)
        %slice3A_203 = vector.extract_strided_slice %masked_sort3A_202 {offsets = [0], sizes = [1], strides = [1]} : vector<16xi32> to vector<1xi32>
        %squeeze3A_204 = vector.extract %slice3A_203[0] : i32 from vector<1xi32>
        %eq3A_205 = vector.broadcast %squeeze3A_204 : i32 to vector<16xi32>
        %eq3A_206 = arith.cmpi eq, %iota3A, %eq3A_205 : vector<16xi32>
        %jit3A_207 = arith.constant 0.000000e+00 : f32
        %broadcast_in_dim3A_208 = vector.broadcast %jit3A_207 : f32 to vector<16xf32>
        %select_n3A_209 = arith.select %eq3A_206, %get3A_197, %broadcast_in_dim3A_208 : vector<16xi1>, vector<16xf32>
        %swap3A_210 = arith.constant 0 : i32
        %swap3A_211 = arith.index_cast %swap3A_210 : i32 to index
        %swap3A_212 = arith.index_cast %add3A_193 : i32 to index
        %swap3A_213 = tpu.vector_load %arg7[%swap3A_211, %swap3A_212] {strides = array<i32>} : memref<2x8192xf32, #tpu.memory_space<vmem>>, vector<16xf32>,
        tpu.vector_store %arg7[%swap3A_211, %swap3A_212], %select_n3A_209 {strides = array<i32>} : memref<2x8192xf32, #tpu.memory_space<vmem>>, vector<16xf32>,
        %add3A_214 = arith.constant 48 : i32
        %add3A_215 = arith.addi %mul3A_154, %add3A_214 : i32
        %get3A_216 = arith.constant 0 : i32
        %get3A_217 = arith.index_cast %get3A_216 : i32 to index
        %get3A_218 = arith.index_cast %add3A_215 : i32 to index
        %get3A_219 = tpu.vector_load %arg5[%get3A_217, %get3A_218] {strides = array<i32>} : memref<2x8192xf32, #tpu.memory_space<vmem>>, vector<16xf32>,
        %abs3A_220 = math.absf %get3A_219 : vector<16xf32>
        %masked_sort3A_221 = arith.constant dense<true> : vector<16xi1>
        %masked_sort3A_222, %masked_sort3A_223, %masked_sort3A_224 = tpu.sort %abs3A_220, %iota3A masked %masked_sort3A_221 {descending = true} : (vector<16xf32>, vector<16xi32>, vector<16xi1>) -> (vector<16xi1>, vector<16xf32>, vector<16xi32>)
        %slice3A_225 = vector.extract_strided_slice %masked_sort3A_224 {offsets = [0], sizes = [1], strides = [1]} : vector<16xi32> to vector<1xi32>
        %squeeze3A_226 = vector.extract %slice3A_225[0] : i32 from vector<1xi32>
        %eq3A_227 = vector.broadcast %squeeze3A_226 : i32 to vector<16xi32>
        %eq3A_228 = arith.cmpi eq, %iota3A, %eq3A_227 : vector<16xi32>
        %jit3A_229 = arith.constant 0.000000e+00 : f32
        %broadcast_in_dim3A_230 = vector.broadcast %jit3A_229 : f32 to vector<16xf32>
        %select_n3A_231 = arith.select %eq3A_228, %get3A_219, %broadcast_in_dim3A_230 : vector<16xi1>, vector<16xf32>
        %swap3A_232 = arith.constant 0 : i32
        %swap3A_233 = arith.index_cast %swap3A_232 : i32 to index
        %swap3A_234 = arith.index_cast %add3A_215 : i32 to index
        %swap3A_235 = tpu.vector_load %arg7[%swap3A_233, %swap3A_234] {strides = array<i32>} : memref<2x8192xf32, #tpu.memory_space<vmem>>, vector<16xf32>,
        tpu.vector_store %arg7[%swap3A_233, %swap3A_234], %select_n3A_231 {strides = array<i32>} : memref<2x8192xf32, #tpu.memory_space<vmem>>, vector<16xf32>,
        %add3A_236 = arith.constant 64 : i32
        %add3A_237 = arith.addi %mul3A_154, %add3A_236 : i32
        %get3A_238 = arith.constant 0 : i32
        %get3A_239 = arith.index_cast %get3A_238 : i32 to index
        %get3A_240 = arith.index_cast %add3A_237 : i32 to index
        %get3A_241 = tpu.vector_load %arg5[%get3A_239, %get3A_240] {strides = array<i32>} : memref<2x8192xf32, #tpu.memory_space<vmem>>, vector<16xf32>,
        %abs3A_242 = math.absf %get3A_241 : vector<16xf32>
        %masked_sort3A_243 = arith.constant dense<true> : vector<16xi1>
        %masked_sort3A_244, %masked_sort3A_245, %masked_sort3A_246 = tpu.sort %abs3A_242, %iota3A masked %masked_sort3A_243 {descending = true} : (vector<16xf32>, vector<16xi32>, vector<16xi1>) -> (vector<16xi1>, vector<16xf32>, vector<16xi32>)
        %slice3A_247 = vector.extract_strided_slice %masked_sort3A_246 {offsets = [0], sizes = [1], strides = [1]} : vector<16xi32> to vector<1xi32>
        %squeeze3A_248 = vector.extract %slice3A_247[0] : i32 from vector<1xi32>
        %eq3A_249 = vector.broadcast %squeeze3A_248 : i32 to vector<16xi32>
        %eq3A_250 = arith.cmpi eq, %iota3A, %eq3A_249 : vector<16xi32>
        %jit3A_251 = arith.constant 0.000000e+00 : f32
        %broadcast_in_dim3A_252 = vector.broadcast %jit3A_251 : f32 to vector<16xf32>
        %select_n3A_253 = arith.select %eq3A_250, %get3A_241, %broadcast_in_dim3A_252 : vector<16xi1>, vector<16xf32>
        %swap3A_254 = arith.constant 0 : i32
        %swap3A_255 = arith.index_cast %swap3A_254 : i32 to index
        %swap3A_256 = arith.index_cast %add3A_237 : i32 to index
        %swap3A_257 = tpu.vector_load %arg7[%swap3A_255, %swap3A_256] {strides = array<i32>} : memref<2x8192xf32, #tpu.memory_space<vmem>>, vector<16xf32>,
        tpu.vector_store %arg7[%swap3A_255, %swap3A_256], %select_n3A_253 {strides = array<i32>} : memref<2x8192xf32, #tpu.memory_space<vmem>>, vector<16xf32>,
        %add3A_258 = arith.constant 80 : i32
        %add3A_259 = arith.addi %mul3A_154, %add3A_258 : i32
        %get3A_260 = arith.constant 0 : i32
        %get3A_261 = arith.index_cast %get3A_260 : i32 to index
        %get3A_262 = arith.index_cast %add3A_259 : i32 to index
        %get3A_263 = tpu.vector_load %arg5[%get3A_261, %get3A_262] {strides = array<i32>} : memref<2x8192xf32, #tpu.memory_space<vmem>>, vector<16xf32>,
        %abs3A_264 = math.absf %get3A_263 : vector<16xf32>
        %masked_sort3A_265 = arith.constant dense<true> : vector<16xi1>
        %masked_sort3A_266, %masked_sort3A_267, %masked_sort3A_268 = tpu.sort %abs3A_264, %iota3A masked %masked_sort3A_265 {descending = true} : (vector<16xf32>, vector<16xi32>, vector<16xi1>) -> (vector<16xi1>, vector<16xf32>, vector<16xi32>)
        %slice3A_269 = vector.extract_strided_slice %masked_sort3A_268 {offsets = [0], sizes = [1], strides = [1]} : vector<16xi32> to vector<1xi32>
        %squeeze3A_270 = vector.extract %slice3A_269[0] : i32 from vector<1xi32>
        %eq3A_271 = vector.broadcast %squeeze3A_270 : i32 to vector<16xi32>
        %eq3A_272 = arith.cmpi eq, %iota3A, %eq3A_271 : vector<16xi32>
        %jit3A_273 = arith.constant 0.000000e+00 : f32
        %broadcast_in_dim3A_274 = vector.broadcast %jit3A_273 : f32 to vector<16xf32>
        %select_n3A_275 = arith.select %eq3A_272, %get3A_263, %broadcast_in_dim3A_274 : vector<16xi1>, vector<16xf32>
        %swap3A_276 = arith.constant 0 : i32
        %swap3A_277 = arith.index_cast %swap3A_276 : i32 to index
        %swap3A_278 = arith.index_cast %add3A_259 : i32 to index
        %swap3A_279 = tpu.vector_load %arg7[%swap3A_277, %swap3A_278] {strides = array<i32>} : memref<2x8192xf32, #tpu.memory_space<vmem>>, vector<16xf32>,
        tpu.vector_store %arg7[%swap3A_277, %swap3A_278], %select_n3A_275 {strides = array<i32>} : memref<2x8192xf32, #tpu.memory_space<vmem>>, vector<16xf32>,
        %add3A_280 = arith.constant 96 : i32
        %add3A_281 = arith.addi %mul3A_154, %add3A_280 : i32
        %get3A_282 = arith.constant 0 : i32
        %get3A_283 = arith.index_cast %get3A_282 : i32 to index
        %get3A_284 = arith.index_cast %add3A_281 : i32 to index
        %get3A_285 = tpu.vector_load %arg5[%get3A_283, %get3A_284] {strides = array<i32>} : memref<2x8192xf32, #tpu.memory_space<vmem>>, vector<16xf32>,
        %abs3A_286 = math.absf %get3A_285 : vector<16xf32>
        %masked_sort3A_287 = arith.constant dense<true> : vector<16xi1>
        %masked_sort3A_288, %masked_sort3A_289, %masked_sort3A_290 = tpu.sort %abs3A_286, %iota3A masked %masked_sort3A_287 {descending = true} : (vector<16xf32>, vector<16xi32>, vector<16xi1>) -> (vector<16xi1>, vector<16xf32>, vector<16xi32>)
        %slice3A_291 = vector.extract_strided_slice %masked_sort3A_290 {offsets = [0], sizes = [1], strides = [1]} : vector<16xi32> to vector<1xi32>
        %squeeze3A_292 = vector.extract %slice3A_291[0] : i32 from vector<1xi32>
        %eq3A_293 = vector.broadcast %squeeze3A_292 : i32 to vector<16xi32>
        %eq3A_294 = arith.cmpi eq, %iota3A, %eq3A_293 : vector<16xi32>
        %jit3A_295 = arith.constant 0.000000e+00 : f32
        %broadcast_in_dim3A_296 = vector.broadcast %jit3A_295 : f32 to vector<16xf32>
        %select_n3A_297 = arith.select %eq3A_294, %get3A_285, %broadcast_in_dim3A_296 : vector<16xi1>, vector<16xf32>
        %swap3A_298 = arith.constant 0 : i32
        %swap3A_299 = arith.index_cast %swap3A_298 : i32 to index
        %swap3A_300 = arith.index_cast %add3A_281 : i32 to index
        %swap3A_301 = tpu.vector_load %arg7[%swap3A_299, %swap3A_300] {strides = array<i32>} : memref<2x8192xf32, #tpu.memory_space<vmem>>, vector<16xf32>,
        tpu.vector_store %arg7[%swap3A_299, %swap3A_300], %select_n3A_297 {strides = array<i32>} : memref<2x8192xf32, #tpu.memory_space<vmem>>, vector<16xf32>,
        %add3A_302 = arith.constant 112 : i32
        %add3A_303 = arith.addi %mul3A_154, %add3A_302 : i32
        %get3A_304 = arith.constant 0 : i32
        %get3A_305 = arith.index_cast %get3A_304 : i32 to index
        %get3A_306 = arith.index_cast %add3A_303 : i32 to index
        %get3A_307 = tpu.vector_load %arg5[%get3A_305, %get3A_306] {strides = array<i32>} : memref<2x8192xf32, #tpu.memory_space<vmem>>, vector<16xf32>,
        %abs3A_308 = math.absf %get3A_307 : vector<16xf32>
        %masked_sort3A_309 = arith.constant dense<true> : vector<16xi1>
        %masked_sort3A_310, %masked_sort3A_311, %masked_sort3A_312 = tpu.sort %abs3A_308, %iota3A masked %masked_sort3A_309 {descending = true} : (vector<16xf32>, vector<16xi32>, vector<16xi1>) -> (vector<16xi1>, vector<16xf32>, vector<16xi32>)
        %slice3A_313 = vector.extract_strided_slice %masked_sort3A_312 {offsets = [0], sizes = [1], strides = [1]} : vector<16xi32> to vector<1xi32>
        %squeeze3A_314 = vector.extract %slice3A_313[0] : i32 from vector<1xi32>
        %eq3A_315 = vector.broadcast %squeeze3A_314 : i32 to vector<16xi32>
        %eq3A_316 = arith.cmpi eq, %iota3A, %eq3A_315 : vector<16xi32>
        %jit3A_317 = arith.constant 0.000000e+00 : f32
        %broadcast_in_dim3A_318 = vector.broadcast %jit3A_317 : f32 to vector<16xf32>
        %select_n3A_319 = arith.select %eq3A_316, %get3A_307, %broadcast_in_dim3A_318 : vector<16xi1>, vector<16xf32>
        %swap3A_320 = arith.constant 0 : i32
        %swap3A_321 = arith.index_cast %swap3A_320 : i32 to index
        %swap3A_322 = arith.index_cast %add3A_303 : i32 to index
        %swap3A_323 = tpu.vector_load %arg7[%swap3A_321, %swap3A_322] {strides = array<i32>} : memref<2x8192xf32, #tpu.memory_space<vmem>>, vector<16xf32>,
        tpu.vector_store %arg7[%swap3A_321, %swap3A_322], %select_n3A_319 {strides = array<i32>} : memref<2x8192xf32, #tpu.memory_space<vmem>>, vector<16xf32>,
        %add3A_324 = arith.constant 128 : i32
        %add3A_325 = arith.addi %mul3A_154, %add3A_324 : i32
        %get3A_326 = arith.constant 0 : i32
        %get3A_327 = arith.index_cast %get3A_326 : i32 to index
        %get3A_328 = arith.index_cast %add3A_325 : i32 to index
        %get3A_329 = tpu.vector_load %arg5[%get3A_327, %get3A_328] {strides = array<i32>} : memref<2x8192xf32, #tpu.memory_space<vmem>>, vector<16xf32>,
        %abs3A_330 = math.absf %get3A_329 : vector<16xf32>
        %masked_sort3A_331 = arith.constant dense<true> : vector<16xi1>
        %masked_sort3A_332, %masked_sort3A_333, %masked_sort3A_334 = tpu.sort %abs3A_330, %iota3A masked %masked_sort3A_331 {descending = true} : (vector<16xf32>, vector<16xi32>, vector<16xi1>) -> (vector<16xi1>, vector<16xf32>, vector<16xi32>)
        %slice3A_335 = vector.extract_strided_slice %masked_sort3A_334 {offsets = [0], sizes = [1], strides = [1]} : vector<16xi32> to vector<1xi32>
        %squeeze3A_336 = vector.extract %slice3A_335[0] : i32 from vector<1xi32>
        %eq3A_337 = vector.broadcast %squeeze3A_336 : i32 to vector<16xi32>
        %eq3A_338 = arith.cmpi eq, %iota3A, %eq3A_337 : vector<16xi32>
        %jit3A_339 = arith.constant 0.000000e+00 : f32
        %broadcast_in_dim3A_340 = vector.broadcast %jit3A_339 : f32 to vector<16xf32>
        %select_n3A_341 = arith.select %eq3A_338, %get3A_329, %broadcast_in_dim3A_340 : vector<16xi1>, vector<16xf32>
        %swap3A_342 = arith.constant 0 : i32
        %swap3A_343 = arith.index_cast %swap3A_342 : i32 to index
        %swap3A_344 = arith.index_cast %add3A_325 : i32 to index
        %swap3A_345 = tpu.vector_load %arg7[%swap3A_343, %swap3A_344] {strides = array<i32>} : memref<2x8192xf32, #tpu.memory_space<vmem>>, vector<16xf32>,
        tpu.vector_store %arg7[%swap3A_343, %swap3A_344], %select_n3A_341 {strides = array<i32>} : memref<2x8192xf32, #tpu.memory_space<vmem>>, vector<16xf32>,
        %add3A_346 = arith.constant 144 : i32
        %add3A_347 = arith.addi %mul3A_154, %add3A_346 : i32
        %get3A_348 = arith.constant 0 : i32
        %get3A_349 = arith.index_cast %get3A_348 : i32 to index
        %get3A_350 = arith.index_cast %add3A_347 : i32 to index
        %get3A_351 = tpu.vector_load %arg5[%get3A_349, %get3A_350] {strides = array<i32>} : memref<2x8192xf32, #tpu.memory_space<vmem>>, vector<16xf32>,
        %abs3A_352 = math.absf %get3A_351 : vector<16xf32>
        %masked_sort3A_353 = arith.constant dense<true> : vector<16xi1>
        %masked_sort3A_354, %masked_sort3A_355, %masked_sort3A_356 = tpu.sort %abs3A_352, %iota3A masked %masked_sort3A_353 {descending = true} : (vector<16xf32>, vector<16xi32>, vector<16xi1>) -> (vector<16xi1>, vector<16xf32>, vector<16xi32>)
        %slice3A_357 = vector.extract_strided_slice %masked_sort3A_356 {offsets = [0], sizes = [1], strides = [1]} : vector<16xi32> to vector<1xi32>
        %squeeze3A_358 = vector.extract %slice3A_357[0] : i32 from vector<1xi32>
        %eq3A_359 = vector.broadcast %squeeze3A_358 : i32 to vector<16xi32>
        %eq3A_360 = arith.cmpi eq, %iota3A, %eq3A_359 : vector<16xi32>
        %jit3A_361 = arith.constant 0.000000e+00 : f32
        %broadcast_in_dim3A_362 = vector.broadcast %jit3A_361 : f32 to vector<16xf32>
        %select_n3A_363 = arith.select %eq3A_360, %get3A_351, %broadcast_in_dim3A_362 : vector<16xi1>, vector<16xf32>
        %swap3A_364 = arith.constant 0 : i32
        %swap3A_365 = arith.index_cast %swap3A_364 : i32 to index
        %swap3A_366 = arith.index_cast %add3A_347 : i32 to index
        %swap3A_367 = tpu.vector_load %arg7[%swap3A_365, %swap3A_366] {strides = array<i32>} : memref<2x8192xf32, #tpu.memory_space<vmem>>, vector<16xf32>,
        tpu.vector_store %arg7[%swap3A_365, %swap3A_366], %select_n3A_363 {strides = array<i32>} : memref<2x8192xf32, #tpu.memory_space<vmem>>, vector<16xf32>,
        %add3A_368 = arith.constant 160 : i32
        %add3A_369 = arith.addi %mul3A_154, %add3A_368 : i32
        %get3A_370 = arith.constant 0 : i32
        %get3A_371 = arith.index_cast %get3A_370 : i32 to index
        %get3A_372 = arith.index_cast %add3A_369 : i32 to index
        %get3A_373 = tpu.vector_load %arg5[%get3A_371, %get3A_372] {strides = array<i32>} : memref<2x8192xf32, #tpu.memory_space<vmem>>, vector<16xf32>,
        %abs3A_374 = math.absf %get3A_373 : vector<16xf32>
        %masked_sort3A_375 = arith.constant dense<true> : vector<16xi1>
        %masked_sort3A_376, %masked_sort3A_377, %masked_sort3A_378 = tpu.sort %abs3A_374, %iota3A masked %masked_sort3A_375 {descending = true} : (vector<16xf32>, vector<16xi32>, vector<16xi1>) -> (vector<16xi1>, vector<16xf32>, vector<16xi32>)
        %slice3A_379 = vector.extract_strided_slice %masked_sort3A_378 {offsets = [0], sizes = [1], strides = [1]} : vector<16xi32> to vector<1xi32>
        %squeeze3A_380 = vector.extract %slice3A_379[0] : i32 from vector<1xi32>
        %eq3A_381 = vector.broadcast %squeeze3A_380 : i32 to vector<16xi32>
        %eq3A_382 = arith.cmpi eq, %iota3A, %eq3A_381 : vector<16xi32>
        %jit3A_383 = arith.constant 0.000000e+00 : f32
        %broadcast_in_dim3A_384 = vector.broadcast %jit3A_383 : f32 to vector<16xf32>
        %select_n3A_385 = arith.select %eq3A_382, %get3A_373, %broadcast_in_dim3A_384 : vector<16xi1>, vector<16xf32>
        %swap3A_386 = arith.constant 0 : i32
        %swap3A_387 = arith.index_cast %swap3A_386 : i32 to index
        %swap3A_388 = arith.index_cast %add3A_369 : i32 to index
        %swap3A_389 = tpu.vector_load %arg7[%swap3A_387, %swap3A_388] {strides = array<i32>} : memref<2x8192xf32, #tpu.memory_space<vmem>>, vector<16xf32>,
        tpu.vector_store %arg7[%swap3A_387, %swap3A_388], %select_n3A_385 {strides = array<i32>} : memref<2x8192xf32, #tpu.memory_space<vmem>>, vector<16xf32>,
        %add3A_390 = arith.constant 176 : i32
        %add3A_391 = arith.addi %mul3A_154, %add3A_390 : i32
        %get3A_392 = arith.constant 0 : i32
        %get3A_393 = arith.index_cast %get3A_392 : i32 to index
        %get3A_394 = arith.index_cast %add3A_391 : i32 to index
        %get3A_395 = tpu.vector_load %arg5[%get3A_393, %get3A_394] {strides = array<i32>} : memref<2x8192xf32, #tpu.memory_space<vmem>>, vector<16xf32>,
        %abs3A_396 = math.absf %get3A_395 : vector<16xf32>
        %masked_sort3A_397 = arith.constant dense<true> : vector<16xi1>
        %masked_sort3A_398, %masked_sort3A_399, %masked_sort3A_400 = tpu.sort %abs3A_396, %iota3A masked %masked_sort3A_397 {descending = true} : (vector<16xf32>, vector<16xi32>, vector<16xi1>) -> (vector<16xi1>, vector<16xf32>, vector<16xi32>)
        %slice3A_401 = vector.extract_strided_slice %masked_sort3A_400 {offsets = [0], sizes = [1], strides = [1]} : vector<16xi32> to vector<1xi32>
        %squeeze3A_402 = vector.extract %slice3A_401[0] : i32 from vector<1xi32>
        %eq3A_403 = vector.broadcast %squeeze3A_402 : i32 to vector<16xi32>
        %eq3A_404 = arith.cmpi eq, %iota3A, %eq3A_403 : vector<16xi32>
        %jit3A_405 = arith.constant 0.000000e+00 : f32
        %broadcast_in_dim3A_406 = vector.broadcast %jit3A_405 : f32 to vector<16xf32>
        %select_n3A_407 = arith.select %eq3A_404, %get3A_395, %broadcast_in_dim3A_406 : vector<16xi1>, vector<16xf32>
        %swap3A_408 = arith.constant 0 : i32
        %swap3A_409 = arith.index_cast %swap3A_408 : i32 to index
        %swap3A_410 = arith.index_cast %add3A_391 : i32 to index
        %swap3A_411 = tpu.vector_load %arg7[%swap3A_409, %swap3A_410] {strides = array<i32>} : memref<2x8192xf32, #tpu.memory_space<vmem>>, vector<16xf32>,
        tpu.vector_store %arg7[%swap3A_409, %swap3A_410], %select_n3A_407 {strides = array<i32>} : memref<2x8192xf32, #tpu.memory_space<vmem>>, vector<16xf32>,
        %add3A_412 = arith.constant 192 : i32
        %add3A_413 = arith.addi %mul3A_154, %add3A_412 : i32
        %get3A_414 = arith.constant 0 : i32
        %get3A_415 = arith.index_cast %get3A_414 : i32 to index
        %get3A_416 = arith.index_cast %add3A_413 : i32 to index
        %get3A_417 = tpu.vector_load %arg5[%get3A_415, %get3A_416] {strides = array<i32>} : memref<2x8192xf32, #tpu.memory_space<vmem>>, vector<16xf32>,
        %abs3A_418 = math.absf %get3A_417 : vector<16xf32>
        %masked_sort3A_419 = arith.constant dense<true> : vector<16xi1>
        %masked_sort3A_420, %masked_sort3A_421, %masked_sort3A_422 = tpu.sort %abs3A_418, %iota3A masked %masked_sort3A_419 {descending = true} : (vector<16xf32>, vector<16xi32>, vector<16xi1>) -> (vector<16xi1>, vector<16xf32>, vector<16xi32>)
        %slice3A_423 = vector.extract_strided_slice %masked_sort3A_422 {offsets = [0], sizes = [1], strides = [1]} : vector<16xi32> to vector<1xi32>
        %squeeze3A_424 = vector.extract %slice3A_423[0] : i32 from vector<1xi32>
        %eq3A_425 = vector.broadcast %squeeze3A_424 : i32 to vector<16xi32>
        %eq3A_426 = arith.cmpi eq, %iota3A, %eq3A_425 : vector<16xi32>
        %jit3A_427 = arith.constant 0.000000e+00 : f32
        %broadcast_in_dim3A_428 = vector.broadcast %jit3A_427 : f32 to vector<16xf32>
        %select_n3A_429 = arith.select %eq3A_426, %get3A_417, %broadcast_in_dim3A_428 : vector<16xi1>, vector<16xf32>
        %swap3A_430 = arith.constant 0 : i32
        %swap3A_431 = arith.index_cast %swap3A_430 : i32 to index
        %swap3A_432 = arith.index_cast %add3A_413 : i32 to index
        %swap3A_433 = tpu.vector_load %arg7[%swap3A_431, %swap3A_432] {strides = array<i32>} : memref<2x8192xf32, #tpu.memory_space<vmem>>, vector<16xf32>,
        tpu.vector_store %arg7[%swap3A_431, %swap3A_432], %select_n3A_429 {strides = array<i32>} : memref<2x8192xf32, #tpu.memory_space<vmem>>, vector<16xf32>,
        %add3A_434 = arith.constant 208 : i32
        %add3A_435 = arith.addi %mul3A_154, %add3A_434 : i32
        %get3A_436 = arith.constant 0 : i32
        %get3A_437 = arith.index_cast %get3A_436 : i32 to index
        %get3A_438 = arith.index_cast %add3A_435 : i32 to index
        %get3A_439 = tpu.vector_load %arg5[%get3A_437, %get3A_438] {strides = array<i32>} : memref<2x8192xf32, #tpu.memory_space<vmem>>, vector<16xf32>,
        %abs3A_440 = math.absf %get3A_439 : vector<16xf32>
        %masked_sort3A_441 = arith.constant dense<true> : vector<16xi1>
        %masked_sort3A_442, %masked_sort3A_443, %masked_sort3A_444 = tpu.sort %abs3A_440, %iota3A masked %masked_sort3A_441 {descending = true} : (vector<16xf32>, vector<16xi32>, vector<16xi1>) -> (vector<16xi1>, vector<16xf32>, vector<16xi32>)
        %slice3A_445 = vector.extract_strided_slice %masked_sort3A_444 {offsets = [0], sizes = [1], strides = [1]} : vector<16xi32> to vector<1xi32>
        %squeeze3A_446 = vector.extract %slice3A_445[0] : i32 from vector<1xi32>
        %eq3A_447 = vector.broadcast %squeeze3A_446 : i32 to vector<16xi32>
        %eq3A_448 = arith.cmpi eq, %iota3A, %eq3A_447 : vector<16xi32>
        %jit3A_449 = arith.constant 0.000000e+00 : f32
        %broadcast_in_dim3A_450 = vector.broadcast %jit3A_449 : f32 to vector<16xf32>
        %select_n3A_451 = arith.select %eq3A_448, %get3A_439, %broadcast_in_dim3A_450 : vector<16xi1>, vector<16xf32>
        %swap3A_452 = arith.constant 0 : i32
        %swap3A_453 = arith.index_cast %swap3A_452 : i32 to index
        %swap3A_454 = arith.index_cast %add3A_435 : i32 to index
        %swap3A_455 = tpu.vector_load %arg7[%swap3A_453, %swap3A_454] {strides = array<i32>} : memref<2x8192xf32, #tpu.memory_space<vmem>>, vector<16xf32>,
        tpu.vector_store %arg7[%swap3A_453, %swap3A_454], %select_n3A_451 {strides = array<i32>} : memref<2x8192xf32, #tpu.memory_space<vmem>>, vector<16xf32>,
        %add3A_456 = arith.constant 224 : i32
        %add3A_457 = arith.addi %mul3A_154, %add3A_456 : i32
        %get3A_458 = arith.constant 0 : i32
        %get3A_459 = arith.index_cast %get3A_458 : i32 to index
        %get3A_460 = arith.index_cast %add3A_457 : i32 to index
        %get3A_461 = tpu.vector_load %arg5[%get3A_459, %get3A_460] {strides = array<i32>} : memref<2x8192xf32, #tpu.memory_space<vmem>>, vector<16xf32>,
        %abs3A_462 = math.absf %get3A_461 : vector<16xf32>
        %masked_sort3A_463 = arith.constant dense<true> : vector<16xi1>
        %masked_sort3A_464, %masked_sort3A_465, %masked_sort3A_466 = tpu.sort %abs3A_462, %iota3A masked %masked_sort3A_463 {descending = true} : (vector<16xf32>, vector<16xi32>, vector<16xi1>) -> (vector<16xi1>, vector<16xf32>, vector<16xi32>)
        %slice3A_467 = vector.extract_strided_slice %masked_sort3A_466 {offsets = [0], sizes = [1], strides = [1]} : vector<16xi32> to vector<1xi32>
        %squeeze3A_468 = vector.extract %slice3A_467[0] : i32 from vector<1xi32>
        %eq3A_469 = vector.broadcast %squeeze3A_468 : i32 to vector<16xi32>
        %eq3A_470 = arith.cmpi eq, %iota3A, %eq3A_469 : vector<16xi32>
        %jit3A_471 = arith.constant 0.000000e+00 : f32
        %broadcast_in_dim3A_472 = vector.broadcast %jit3A_471 : f32 to vector<16xf32>
        %select_n3A_473 = arith.select %eq3A_470, %get3A_461, %broadcast_in_dim3A_472 : vector<16xi1>, vector<16xf32>
        %swap3A_474 = arith.constant 0 : i32
        %swap3A_475 = arith.index_cast %swap3A_474 : i32 to index
        %swap3A_476 = arith.index_cast %add3A_457 : i32 to index
        %swap3A_477 = tpu.vector_load %arg7[%swap3A_475, %swap3A_476] {strides = array<i32>} : memref<2x8192xf32, #tpu.memory_space<vmem>>, vector<16xf32>,
        tpu.vector_store %arg7[%swap3A_475, %swap3A_476], %select_n3A_473 {strides = array<i32>} : memref<2x8192xf32, #tpu.memory_space<vmem>>, vector<16xf32>,
        %add3A_478 = arith.constant 240 : i32
        %add3A_479 = arith.addi %mul3A_154, %add3A_478 : i32
        %get3A_480 = arith.constant 0 : i32
        %get3A_481 = arith.index_cast %get3A_480 : i32 to index
        %get3A_482 = arith.index_cast %add3A_479 : i32 to index
        %get3A_483 = tpu.vector_load %arg5[%get3A_481, %get3A_482] {strides = array<i32>} : memref<2x8192xf32, #tpu.memory_space<vmem>>, vector<16xf32>,
        %abs3A_484 = math.absf %get3A_483 : vector<16xf32>
        %masked_sort3A_485 = arith.constant dense<true> : vector<16xi1>
        %masked_sort3A_486, %masked_sort3A_487, %masked_sort3A_488 = tpu.sort %abs3A_484, %iota3A masked %masked_sort3A_485 {descending = true} : (vector<16xf32>, vector<16xi32>, vector<16xi1>) -> (vector<16xi1>, vector<16xf32>, vector<16xi32>)
        %slice3A_489 = vector.extract_strided_slice %masked_sort3A_488 {offsets = [0], sizes = [1], strides = [1]} : vector<16xi32> to vector<1xi32>
        %squeeze3A_490 = vector.extract %slice3A_489[0] : i32 from vector<1xi32>
        %eq3A_491 = vector.broadcast %squeeze3A_490 : i32 to vector<16xi32>
        %eq3A_492 = arith.cmpi eq, %iota3A, %eq3A_491 : vector<16xi32>
        %jit3A_493 = arith.constant 0.000000e+00 : f32
        %broadcast_in_dim3A_494 = vector.broadcast %jit3A_493 : f32 to vector<16xf32>
        %select_n3A_495 = arith.select %eq3A_492, %get3A_483, %broadcast_in_dim3A_494 : vector<16xi1>, vector<16xf32>
        %swap3A_496 = arith.constant 0 : i32
        %swap3A_497 = arith.index_cast %swap3A_496 : i32 to index
        %swap3A_498 = arith.index_cast %add3A_479 : i32 to index
        %swap3A_499 = tpu.vector_load %arg7[%swap3A_497, %swap3A_498] {strides = array<i32>} : memref<2x8192xf32, #tpu.memory_space<vmem>>, vector<16xf32>,
        tpu.vector_store %arg7[%swap3A_497, %swap3A_498], %select_n3A_495 {strides = array<i32>} : memref<2x8192xf32, #tpu.memory_space<vmem>>, vector<16xf32>,
      }
      %scan3A_129 = arith.constant 32 : i32
      %scan3A_130 = arith.constant 0 : i32
      %scan3A_131 = arith.constant 0 : i32
      %scan3A_132 = arith.constant 32 : i32
      %scan3A_133 = arith.addi %scan3A_131, %scan3A_132 : i32
      %scan3A_134 = arith.constant 1 : i32
      scf.for %scan3A_152 = %scan3A_131 to %scan3A_133 step %scan3A_134  : i32 {
        %mul3A_153 = arith.constant 256 : i32
        %mul3A_154 = arith.muli %scan3A_152, %mul3A_153 : i32
        %add3A_155 = arith.constant 0 : i32
        %add3A_156 = arith.addi %mul3A_154, %add3A_155 : i32
        %get3A = arith.constant 1 : i32
        %get3A_157 = arith.index_cast %get3A : i32 to index
        %get3A_158 = arith.index_cast %add3A_156 : i32 to index
        %get3A_159 = tpu.vector_load %arg5[%get3A_157, %get3A_158] {strides = array<i32>} : memref<2x8192xf32, #tpu.memory_space<vmem>>, vector<16xf32>,
        %abs3A = math.absf %get3A_159 : vector<16xf32>
        %masked_sort3A = arith.constant dense<true> : vector<16xi1>
        %masked_sort3A_160, %masked_sort3A_161, %masked_sort3A_162 = tpu.sort %abs3A, %iota3A masked %masked_sort3A {descending = true} : (vector<16xf32>, vector<16xi32>, vector<16xi1>) -> (vector<16xi1>, vector<16xf32>, vector<16xi32>)
        %slice3A = vector.extract_strided_slice %masked_sort3A_162 {offsets = [0], sizes = [1], strides = [1]} : vector<16xi32> to vector<1xi32>
        %squeeze3A = vector.extract %slice3A[0] : i32 from vector<1xi32>
        %eq3A_163 = vector.broadcast %squeeze3A : i32 to vector<16xi32>
        %eq3A_164 = arith.cmpi eq, %iota3A, %eq3A_163 : vector<16xi32>
        %jit3A_165 = arith.constant 0.000000e+00 : f32
        %broadcast_in_dim3A = vector.broadcast %jit3A_165 : f32 to vector<16xf32>
        %select_n3A_166 = arith.select %eq3A_164, %get3A_159, %broadcast_in_dim3A : vector<16xi1>, vector<16xf32>
        %swap3A = arith.constant 1 : i32
        %swap3A_167 = arith.index_cast %swap3A : i32 to index
        %swap3A_168 = arith.index_cast %add3A_156 : i32 to index
        %swap3A_169 = tpu.vector_load %arg7[%swap3A_167, %swap3A_168] {strides = array<i32>} : memref<2x8192xf32, #tpu.memory_space<vmem>>, vector<16xf32>,
        tpu.vector_store %arg7[%swap3A_167, %swap3A_168], %select_n3A_166 {strides = array<i32>} : memref<2x8192xf32, #tpu.memory_space<vmem>>, vector<16xf32>,
        %add3A_170 = arith.constant 16 : i32
        %add3A_171 = arith.addi %mul3A_154, %add3A_170 : i32
        %get3A_172 = arith.constant 1 : i32
        %get3A_173 = arith.index_cast %get3A_172 : i32 to index
        %get3A_174 = arith.index_cast %add3A_171 : i32 to index
        %get3A_175 = tpu.vector_load %arg5[%get3A_173, %get3A_174] {strides = array<i32>} : memref<2x8192xf32, #tpu.memory_space<vmem>>, vector<16xf32>,
        %abs3A_176 = math.absf %get3A_175 : vector<16xf32>
        %masked_sort3A_177 = arith.constant dense<true> : vector<16xi1>
        %masked_sort3A_178, %masked_sort3A_179, %masked_sort3A_180 = tpu.sort %abs3A_176, %iota3A masked %masked_sort3A_177 {descending = true} : (vector<16xf32>, vector<16xi32>, vector<16xi1>) -> (vector<16xi1>, vector<16xf32>, vector<16xi32>)
        %slice3A_181 = vector.extract_strided_slice %masked_sort3A_180 {offsets = [0], sizes = [1], strides = [1]} : vector<16xi32> to vector<1xi32>
        %squeeze3A_182 = vector.extract %slice3A_181[0] : i32 from vector<1xi32>
        %eq3A_183 = vector.broadcast %squeeze3A_182 : i32 to vector<16xi32>
        %eq3A_184 = arith.cmpi eq, %iota3A, %eq3A_183 : vector<16xi32>
        %jit3A_185 = arith.constant 0.000000e+00 : f32
        %broadcast_in_dim3A_186 = vector.broadcast %jit3A_185 : f32 to vector<16xf32>
        %select_n3A_187 = arith.select %eq3A_184, %get3A_175, %broadcast_in_dim3A_186 : vector<16xi1>, vector<16xf32>
        %swap3A_188 = arith.constant 1 : i32
        %swap3A_189 = arith.index_cast %swap3A_188 : i32 to index
        %swap3A_190 = arith.index_cast %add3A_171 : i32 to index
        %swap3A_191 = tpu.vector_load %arg7[%swap3A_189, %swap3A_190] {strides = array<i32>} : memref<2x8192xf32, #tpu.memory_space<vmem>>, vector<16xf32>,
        tpu.vector_store %arg7[%swap3A_189, %swap3A_190], %select_n3A_187 {strides = array<i32>} : memref<2x8192xf32, #tpu.memory_space<vmem>>, vector<16xf32>,
        %add3A_192 = arith.constant 32 : i32
        %add3A_193 = arith.addi %mul3A_154, %add3A_192 : i32
        %get3A_194 = arith.constant 1 : i32
        %get3A_195 = arith.index_cast %get3A_194 : i32 to index
        %get3A_196 = arith.index_cast %add3A_193 : i32 to index
        %get3A_197 = tpu.vector_load %arg5[%get3A_195, %get3A_196] {strides = array<i32>} : memref<2x8192xf32, #tpu.memory_space<vmem>>, vector<16xf32>,
        %abs3A_198 = math.absf %get3A_197 : vector<16xf32>
        %masked_sort3A_199 = arith.constant dense<true> : vector<16xi1>
        %masked_sort3A_200, %masked_sort3A_201, %masked_sort3A_202 = tpu.sort %abs3A_198, %iota3A masked %masked_sort3A_199 {descending = true} : (vector<16xf32>, vector<16xi32>, vector<16xi1>) -> (vector<16xi1>, vector<16xf32>, vector<16xi32>)
        %slice3A_203 = vector.extract_strided_slice %masked_sort3A_202 {offsets = [0], sizes = [1], strides = [1]} : vector<16xi32> to vector<1xi32>
        %squeeze3A_204 = vector.extract %slice3A_203[0] : i32 from vector<1xi32>
        %eq3A_205 = vector.broadcast %squeeze3A_204 : i32 to vector<16xi32>
        %eq3A_206 = arith.cmpi eq, %iota3A, %eq3A_205 : vector<16xi32>
        %jit3A_207 = arith.constant 0.000000e+00 : f32
        %broadcast_in_dim3A_208 = vector.broadcast %jit3A_207 : f32 to vector<16xf32>
        %select_n3A_209 = arith.select %eq3A_206, %get3A_197, %broadcast_in_dim3A_208 : vector<16xi1>, vector<16xf32>
        %swap3A_210 = arith.constant 1 : i32
        %swap3A_211 = arith.index_cast %swap3A_210 : i32 to index
        %swap3A_212 = arith.index_cast %add3A_193 : i32 to index
        %swap3A_213 = tpu.vector_load %arg7[%swap3A_211, %swap3A_212] {strides = array<i32>} : memref<2x8192xf32, #tpu.memory_space<vmem>>, vector<16xf32>,
        tpu.vector_store %arg7[%swap3A_211, %swap3A_212], %select_n3A_209 {strides = array<i32>} : memref<2x8192xf32, #tpu.memory_space<vmem>>, vector<16xf32>,
        %add3A_214 = arith.constant 48 : i32
        %add3A_215 = arith.addi %mul3A_154, %add3A_214 : i32
        %get3A_216 = arith.constant 1 : i32
        %get3A_217 = arith.index_cast %get3A_216 : i32 to index
        %get3A_218 = arith.index_cast %add3A_215 : i32 to index
        %get3A_219 = tpu.vector_load %arg5[%get3A_217, %get3A_218] {strides = array<i32>} : memref<2x8192xf32, #tpu.memory_space<vmem>>, vector<16xf32>,
        %abs3A_220 = math.absf %get3A_219 : vector<16xf32>
        %masked_sort3A_221 = arith.constant dense<true> : vector<16xi1>
        %masked_sort3A_222, %masked_sort3A_223, %masked_sort3A_224 = tpu.sort %abs3A_220, %iota3A masked %masked_sort3A_221 {descending = true} : (vector<16xf32>, vector<16xi32>, vector<16xi1>) -> (vector<16xi1>, vector<16xf32>, vector<16xi32>)
        %slice3A_225 = vector.extract_strided_slice %masked_sort3A_224 {offsets = [0], sizes = [1], strides = [1]} : vector<16xi32> to vector<1xi32>
        %squeeze3A_226 = vector.extract %slice3A_225[0] : i32 from vector<1xi32>
        %eq3A_227 = vector.broadcast %squeeze3A_226 : i32 to vector<16xi32>
        %eq3A_228 = arith.cmpi eq, %iota3A, %eq3A_227 : vector<16xi32>
        %jit3A_229 = arith.constant 0.000000e+00 : f32
        %broadcast_in_dim3A_230 = vector.broadcast %jit3A_229 : f32 to vector<16xf32>
        %select_n3A_231 = arith.select %eq3A_228, %get3A_219, %broadcast_in_dim3A_230 : vector<16xi1>, vector<16xf32>
        %swap3A_232 = arith.constant 1 : i32
        %swap3A_233 = arith.index_cast %swap3A_232 : i32 to index
        %swap3A_234 = arith.index_cast %add3A_215 : i32 to index
        %swap3A_235 = tpu.vector_load %arg7[%swap3A_233, %swap3A_234] {strides = array<i32>} : memref<2x8192xf32, #tpu.memory_space<vmem>>, vector<16xf32>,
        tpu.vector_store %arg7[%swap3A_233, %swap3A_234], %select_n3A_231 {strides = array<i32>} : memref<2x8192xf32, #tpu.memory_space<vmem>>, vector<16xf32>,
        %add3A_236 = arith.constant 64 : i32
        %add3A_237 = arith.addi %mul3A_154, %add3A_236 : i32
        %get3A_238 = arith.constant 1 : i32
        %get3A_239 = arith.index_cast %get3A_238 : i32 to index
        %get3A_240 = arith.index_cast %add3A_237 : i32 to index
        %get3A_241 = tpu.vector_load %arg5[%get3A_239, %get3A_240] {strides = array<i32>} : memref<2x8192xf32, #tpu.memory_space<vmem>>, vector<16xf32>,
        %abs3A_242 = math.absf %get3A_241 : vector<16xf32>
        %masked_sort3A_243 = arith.constant dense<true> : vector<16xi1>
        %masked_sort3A_244, %masked_sort3A_245, %masked_sort3A_246 = tpu.sort %abs3A_242, %iota3A masked %masked_sort3A_243 {descending = true} : (vector<16xf32>, vector<16xi32>, vector<16xi1>) -> (vector<16xi1>, vector<16xf32>, vector<16xi32>)
        %slice3A_247 = vector.extract_strided_slice %masked_sort3A_246 {offsets = [0], sizes = [1], strides = [1]} : vector<16xi32> to vector<1xi32>
        %squeeze3A_248 = vector.extract %slice3A_247[0] : i32 from vector<1xi32>
        %eq3A_249 = vector.broadcast %squeeze3A_248 : i32 to vector<16xi32>
        %eq3A_250 = arith.cmpi eq, %iota3A, %eq3A_249 : vector<16xi32>
        %jit3A_251 = arith.constant 0.000000e+00 : f32
        %broadcast_in_dim3A_252 = vector.broadcast %jit3A_251 : f32 to vector<16xf32>
        %select_n3A_253 = arith.select %eq3A_250, %get3A_241, %broadcast_in_dim3A_252 : vector<16xi1>, vector<16xf32>
        %swap3A_254 = arith.constant 1 : i32
        %swap3A_255 = arith.index_cast %swap3A_254 : i32 to index
        %swap3A_256 = arith.index_cast %add3A_237 : i32 to index
        %swap3A_257 = tpu.vector_load %arg7[%swap3A_255, %swap3A_256] {strides = array<i32>} : memref<2x8192xf32, #tpu.memory_space<vmem>>, vector<16xf32>,
        tpu.vector_store %arg7[%swap3A_255, %swap3A_256], %select_n3A_253 {strides = array<i32>} : memref<2x8192xf32, #tpu.memory_space<vmem>>, vector<16xf32>,
        %add3A_258 = arith.constant 80 : i32
        %add3A_259 = arith.addi %mul3A_154, %add3A_258 : i32
        %get3A_260 = arith.constant 1 : i32
        %get3A_261 = arith.index_cast %get3A_260 : i32 to index
        %get3A_262 = arith.index_cast %add3A_259 : i32 to index
        %get3A_263 = tpu.vector_load %arg5[%get3A_261, %get3A_262] {strides = array<i32>} : memref<2x8192xf32, #tpu.memory_space<vmem>>, vector<16xf32>,
        %abs3A_264 = math.absf %get3A_263 : vector<16xf32>
        %masked_sort3A_265 = arith.constant dense<true> : vector<16xi1>
        %masked_sort3A_266, %masked_sort3A_267, %masked_sort3A_268 = tpu.sort %abs3A_264, %iota3A masked %masked_sort3A_265 {descending = true} : (vector<16xf32>, vector<16xi32>, vector<16xi1>) -> (vector<16xi1>, vector<16xf32>, vector<16xi32>)
        %slice3A_269 = vector.extract_strided_slice %masked_sort3A_268 {offsets = [0], sizes = [1], strides = [1]} : vector<16xi32> to vector<1xi32>
        %squeeze3A_270 = vector.extract %slice3A_269[0] : i32 from vector<1xi32>
        %eq3A_271 = vector.broadcast %squeeze3A_270 : i32 to vector<16xi32>
        %eq3A_272 = arith.cmpi eq, %iota3A, %eq3A_271 : vector<16xi32>
        %jit3A_273 = arith.constant 0.000000e+00 : f32
        %broadcast_in_dim3A_274 = vector.broadcast %jit3A_273 : f32 to vector<16xf32>
        %select_n3A_275 = arith.select %eq3A_272, %get3A_263, %broadcast_in_dim3A_274 : vector<16xi1>, vector<16xf32>
        %swap3A_276 = arith.constant 1 : i32
        %swap3A_277 = arith.index_cast %swap3A_276 : i32 to index
        %swap3A_278 = arith.index_cast %add3A_259 : i32 to index
        %swap3A_279 = tpu.vector_load %arg7[%swap3A_277, %swap3A_278] {strides = array<i32>} : memref<2x8192xf32, #tpu.memory_space<vmem>>, vector<16xf32>,
        tpu.vector_store %arg7[%swap3A_277, %swap3A_278], %select_n3A_275 {strides = array<i32>} : memref<2x8192xf32, #tpu.memory_space<vmem>>, vector<16xf32>,
        %add3A_280 = arith.constant 96 : i32
        %add3A_281 = arith.addi %mul3A_154, %add3A_280 : i32
        %get3A_282 = arith.constant 1 : i32
        %get3A_283 = arith.index_cast %get3A_282 : i32 to index
        %get3A_284 = arith.index_cast %add3A_281 : i32 to index
        %get3A_285 = tpu.vector_load %arg5[%get3A_283, %get3A_284] {strides = array<i32>} : memref<2x8192xf32, #tpu.memory_space<vmem>>, vector<16xf32>,
        %abs3A_286 = math.absf %get3A_285 : vector<16xf32>
        %masked_sort3A_287 = arith.constant dense<true> : vector<16xi1>
        %masked_sort3A_288, %masked_sort3A_289, %masked_sort3A_290 = tpu.sort %abs3A_286, %iota3A masked %masked_sort3A_287 {descending = true} : (vector<16xf32>, vector<16xi32>, vector<16xi1>) -> (vector<16xi1>, vector<16xf32>, vector<16xi32>)
        %slice3A_291 = vector.extract_strided_slice %masked_sort3A_290 {offsets = [0], sizes = [1], strides = [1]} : vector<16xi32> to vector<1xi32>
        %squeeze3A_292 = vector.extract %slice3A_291[0] : i32 from vector<1xi32>
        %eq3A_293 = vector.broadcast %squeeze3A_292 : i32 to vector<16xi32>
        %eq3A_294 = arith.cmpi eq, %iota3A, %eq3A_293 : vector<16xi32>
        %jit3A_295 = arith.constant 0.000000e+00 : f32
        %broadcast_in_dim3A_296 = vector.broadcast %jit3A_295 : f32 to vector<16xf32>
        %select_n3A_297 = arith.select %eq3A_294, %get3A_285, %broadcast_in_dim3A_296 : vector<16xi1>, vector<16xf32>
        %swap3A_298 = arith.constant 1 : i32
        %swap3A_299 = arith.index_cast %swap3A_298 : i32 to index
        %swap3A_300 = arith.index_cast %add3A_281 : i32 to index
        %swap3A_301 = tpu.vector_load %arg7[%swap3A_299, %swap3A_300] {strides = array<i32>} : memref<2x8192xf32, #tpu.memory_space<vmem>>, vector<16xf32>,
        tpu.vector_store %arg7[%swap3A_299, %swap3A_300], %select_n3A_297 {strides = array<i32>} : memref<2x8192xf32, #tpu.memory_space<vmem>>, vector<16xf32>,
        %add3A_302 = arith.constant 112 : i32
        %add3A_303 = arith.addi %mul3A_154, %add3A_302 : i32
        %get3A_304 = arith.constant 1 : i32
        %get3A_305 = arith.index_cast %get3A_304 : i32 to index
        %get3A_306 = arith.index_cast %add3A_303 : i32 to index
        %get3A_307 = tpu.vector_load %arg5[%get3A_305, %get3A_306] {strides = array<i32>} : memref<2x8192xf32, #tpu.memory_space<vmem>>, vector<16xf32>,
        %abs3A_308 = math.absf %get3A_307 : vector<16xf32>
        %masked_sort3A_309 = arith.constant dense<true> : vector<16xi1>
        %masked_sort3A_310, %masked_sort3A_311, %masked_sort3A_312 = tpu.sort %abs3A_308, %iota3A masked %masked_sort3A_309 {descending = true} : (vector<16xf32>, vector<16xi32>, vector<16xi1>) -> (vector<16xi1>, vector<16xf32>, vector<16xi32>)
        %slice3A_313 = vector.extract_strided_slice %masked_sort3A_312 {offsets = [0], sizes = [1], strides = [1]} : vector<16xi32> to vector<1xi32>
        %squeeze3A_314 = vector.extract %slice3A_313[0] : i32 from vector<1xi32>
        %eq3A_315 = vector.broadcast %squeeze3A_314 : i32 to vector<16xi32>
        %eq3A_316 = arith.cmpi eq, %iota3A, %eq3A_315 : vector<16xi32>
        %jit3A_317 = arith.constant 0.000000e+00 : f32
        %broadcast_in_dim3A_318 = vector.broadcast %jit3A_317 : f32 to vector<16xf32>
        %select_n3A_319 = arith.select %eq3A_316, %get3A_307, %broadcast_in_dim3A_318 : vector<16xi1>, vector<16xf32>
        %swap3A_320 = arith.constant 1 : i32
        %swap3A_321 = arith.index_cast %swap3A_320 : i32 to index
        %swap3A_322 = arith.index_cast %add3A_303 : i32 to index
        %swap3A_323 = tpu.vector_load %arg7[%swap3A_321, %swap3A_322] {strides = array<i32>} : memref<2x8192xf32, #tpu.memory_space<vmem>>, vector<16xf32>,
        tpu.vector_store %arg7[%swap3A_321, %swap3A_322], %select_n3A_319 {strides = array<i32>} : memref<2x8192xf32, #tpu.memory_space<vmem>>, vector<16xf32>,
        %add3A_324 = arith.constant 128 : i32
        %add3A_325 = arith.addi %mul3A_154, %add3A_324 : i32
        %get3A_326 = arith.constant 1 : i32
        %get3A_327 = arith.index_cast %get3A_326 : i32 to index
        %get3A_328 = arith.index_cast %add3A_325 : i32 to index
        %get3A_329 = tpu.vector_load %arg5[%get3A_327, %get3A_328] {strides = array<i32>} : memref<2x8192xf32, #tpu.memory_space<vmem>>, vector<16xf32>,
        %abs3A_330 = math.absf %get3A_329 : vector<16xf32>
        %masked_sort3A_331 = arith.constant dense<true> : vector<16xi1>
        %masked_sort3A_332, %masked_sort3A_333, %masked_sort3A_334 = tpu.sort %abs3A_330, %iota3A masked %masked_sort3A_331 {descending = true} : (vector<16xf32>, vector<16xi32>, vector<16xi1>) -> (vector<16xi1>, vector<16xf32>, vector<16xi32>)
        %slice3A_335 = vector.extract_strided_slice %masked_sort3A_334 {offsets = [0], sizes = [1], strides = [1]} : vector<16xi32> to vector<1xi32>
        %squeeze3A_336 = vector.extract %slice3A_335[0] : i32 from vector<1xi32>
        %eq3A_337 = vector.broadcast %squeeze3A_336 : i32 to vector<16xi32>
        %eq3A_338 = arith.cmpi eq, %iota3A, %eq3A_337 : vector<16xi32>
        %jit3A_339 = arith.constant 0.000000e+00 : f32
        %broadcast_in_dim3A_340 = vector.broadcast %jit3A_339 : f32 to vector<16xf32>
        %select_n3A_341 = arith.select %eq3A_338, %get3A_329, %broadcast_in_dim3A_340 : vector<16xi1>, vector<16xf32>
        %swap3A_342 = arith.constant 1 : i32
        %swap3A_343 = arith.index_cast %swap3A_342 : i32 to index
        %swap3A_344 = arith.index_cast %add3A_325 : i32 to index
        %swap3A_345 = tpu.vector_load %arg7[%swap3A_343, %swap3A_344] {strides = array<i32>} : memref<2x8192xf32, #tpu.memory_space<vmem>>, vector<16xf32>,
        tpu.vector_store %arg7[%swap3A_343, %swap3A_344], %select_n3A_341 {strides = array<i32>} : memref<2x8192xf32, #tpu.memory_space<vmem>>, vector<16xf32>,
        %add3A_346 = arith.constant 144 : i32
        %add3A_347 = arith.addi %mul3A_154, %add3A_346 : i32
        %get3A_348 = arith.constant 1 : i32
        %get3A_349 = arith.index_cast %get3A_348 : i32 to index
        %get3A_350 = arith.index_cast %add3A_347 : i32 to index
        %get3A_351 = tpu.vector_load %arg5[%get3A_349, %get3A_350] {strides = array<i32>} : memref<2x8192xf32, #tpu.memory_space<vmem>>, vector<16xf32>,
        %abs3A_352 = math.absf %get3A_351 : vector<16xf32>
        %masked_sort3A_353 = arith.constant dense<true> : vector<16xi1>
        %masked_sort3A_354, %masked_sort3A_355, %masked_sort3A_356 = tpu.sort %abs3A_352, %iota3A masked %masked_sort3A_353 {descending = true} : (vector<16xf32>, vector<16xi32>, vector<16xi1>) -> (vector<16xi1>, vector<16xf32>, vector<16xi32>)
        %slice3A_357 = vector.extract_strided_slice %masked_sort3A_356 {offsets = [0], sizes = [1], strides = [1]} : vector<16xi32> to vector<1xi32>
        %squeeze3A_358 = vector.extract %slice3A_357[0] : i32 from vector<1xi32>
        %eq3A_359 = vector.broadcast %squeeze3A_358 : i32 to vector<16xi32>
        %eq3A_360 = arith.cmpi eq, %iota3A, %eq3A_359 : vector<16xi32>
        %jit3A_361 = arith.constant 0.000000e+00 : f32
        %broadcast_in_dim3A_362 = vector.broadcast %jit3A_361 : f32 to vector<16xf32>
        %select_n3A_363 = arith.select %eq3A_360, %get3A_351, %broadcast_in_dim3A_362 : vector<16xi1>, vector<16xf32>
        %swap3A_364 = arith.constant 1 : i32
        %swap3A_365 = arith.index_cast %swap3A_364 : i32 to index
        %swap3A_366 = arith.index_cast %add3A_347 : i32 to index
        %swap3A_367 = tpu.vector_load %arg7[%swap3A_365, %swap3A_366] {strides = array<i32>} : memref<2x8192xf32, #tpu.memory_space<vmem>>, vector<16xf32>,
        tpu.vector_store %arg7[%swap3A_365, %swap3A_366], %select_n3A_363 {strides = array<i32>} : memref<2x8192xf32, #tpu.memory_space<vmem>>, vector<16xf32>,
        %add3A_368 = arith.constant 160 : i32
        %add3A_369 = arith.addi %mul3A_154, %add3A_368 : i32
        %get3A_370 = arith.constant 1 : i32
        %get3A_371 = arith.index_cast %get3A_370 : i32 to index
        %get3A_372 = arith.index_cast %add3A_369 : i32 to index
        %get3A_373 = tpu.vector_load %arg5[%get3A_371, %get3A_372] {strides = array<i32>} : memref<2x8192xf32, #tpu.memory_space<vmem>>, vector<16xf32>,
        %abs3A_374 = math.absf %get3A_373 : vector<16xf32>
        %masked_sort3A_375 = arith.constant dense<true> : vector<16xi1>
        %masked_sort3A_376, %masked_sort3A_377, %masked_sort3A_378 = tpu.sort %abs3A_374, %iota3A masked %masked_sort3A_375 {descending = true} : (vector<16xf32>, vector<16xi32>, vector<16xi1>) -> (vector<16xi1>, vector<16xf32>, vector<16xi32>)
        %slice3A_379 = vector.extract_strided_slice %masked_sort3A_378 {offsets = [0], sizes = [1], strides = [1]} : vector<16xi32> to vector<1xi32>
        %squeeze3A_380 = vector.extract %slice3A_379[0] : i32 from vector<1xi32>
        %eq3A_381 = vector.broadcast %squeeze3A_380 : i32 to vector<16xi32>
        %eq3A_382 = arith.cmpi eq, %iota3A, %eq3A_381 : vector<16xi32>
        %jit3A_383 = arith.constant 0.000000e+00 : f32
        %broadcast_in_dim3A_384 = vector.broadcast %jit3A_383 : f32 to vector<16xf32>
        %select_n3A_385 = arith.select %eq3A_382, %get3A_373, %broadcast_in_dim3A_384 : vector<16xi1>, vector<16xf32>
        %swap3A_386 = arith.constant 1 : i32
        %swap3A_387 = arith.index_cast %swap3A_386 : i32 to index
        %swap3A_388 = arith.index_cast %add3A_369 : i32 to index
        %swap3A_389 = tpu.vector_load %arg7[%swap3A_387, %swap3A_388] {strides = array<i32>} : memref<2x8192xf32, #tpu.memory_space<vmem>>, vector<16xf32>,
        tpu.vector_store %arg7[%swap3A_387, %swap3A_388], %select_n3A_385 {strides = array<i32>} : memref<2x8192xf32, #tpu.memory_space<vmem>>, vector<16xf32>,
        %add3A_390 = arith.constant 176 : i32
        %add3A_391 = arith.addi %mul3A_154, %add3A_390 : i32
        %get3A_392 = arith.constant 1 : i32
        %get3A_393 = arith.index_cast %get3A_392 : i32 to index
        %get3A_394 = arith.index_cast %add3A_391 : i32 to index
        %get3A_395 = tpu.vector_load %arg5[%get3A_393, %get3A_394] {strides = array<i32>} : memref<2x8192xf32, #tpu.memory_space<vmem>>, vector<16xf32>,
        %abs3A_396 = math.absf %get3A_395 : vector<16xf32>
        %masked_sort3A_397 = arith.constant dense<true> : vector<16xi1>
        %masked_sort3A_398, %masked_sort3A_399, %masked_sort3A_400 = tpu.sort %abs3A_396, %iota3A masked %masked_sort3A_397 {descending = true} : (vector<16xf32>, vector<16xi32>, vector<16xi1>) -> (vector<16xi1>, vector<16xf32>, vector<16xi32>)
        %slice3A_401 = vector.extract_strided_slice %masked_sort3A_400 {offsets = [0], sizes = [1], strides = [1]} : vector<16xi32> to vector<1xi32>
        %squeeze3A_402 = vector.extract %slice3A_401[0] : i32 from vector<1xi32>
        %eq3A_403 = vector.broadcast %squeeze3A_402 : i32 to vector<16xi32>
        %eq3A_404 = arith.cmpi eq, %iota3A, %eq3A_403 : vector<16xi32>
        %jit3A_405 = arith.constant 0.000000e+00 : f32
        %broadcast_in_dim3A_406 = vector.broadcast %jit3A_405 : f32 to vector<16xf32>
        %select_n3A_407 = arith.select %eq3A_404, %get3A_395, %broadcast_in_dim3A_406 : vector<16xi1>, vector<16xf32>
        %swap3A_408 = arith.constant 1 : i32
        %swap3A_409 = arith.index_cast %swap3A_408 : i32 to index
        %swap3A_410 = arith.index_cast %add3A_391 : i32 to index
        %swap3A_411 = tpu.vector_load %arg7[%swap3A_409, %swap3A_410] {strides = array<i32>} : memref<2x8192xf32, #tpu.memory_space<vmem>>, vector<16xf32>,
        tpu.vector_store %arg7[%swap3A_409, %swap3A_410], %select_n3A_407 {strides = array<i32>} : memref<2x8192xf32, #tpu.memory_space<vmem>>, vector<16xf32>,
        %add3A_412 = arith.constant 192 : i32
        %add3A_413 = arith.addi %mul3A_154, %add3A_412 : i32
        %get3A_414 = arith.constant 1 : i32
        %get3A_415 = arith.index_cast %get3A_414 : i32 to index
        %get3A_416 = arith.index_cast %add3A_413 : i32 to index
        %get3A_417 = tpu.vector_load %arg5[%get3A_415, %get3A_416] {strides = array<i32>} : memref<2x8192xf32, #tpu.memory_space<vmem>>, vector<16xf32>,
        %abs3A_418 = math.absf %get3A_417 : vector<16xf32>
        %masked_sort3A_419 = arith.constant dense<true> : vector<16xi1>
        %masked_sort3A_420, %masked_sort3A_421, %masked_sort3A_422 = tpu.sort %abs3A_418, %iota3A masked %masked_sort3A_419 {descending = true} : (vector<16xf32>, vector<16xi32>, vector<16xi1>) -> (vector<16xi1>, vector<16xf32>, vector<16xi32>)
        %slice3A_423 = vector.extract_strided_slice %masked_sort3A_422 {offsets = [0], sizes = [1], strides = [1]} : vector<16xi32> to vector<1xi32>
        %squeeze3A_424 = vector.extract %slice3A_423[0] : i32 from vector<1xi32>
        %eq3A_425 = vector.broadcast %squeeze3A_424 : i32 to vector<16xi32>
        %eq3A_426 = arith.cmpi eq, %iota3A, %eq3A_425 : vector<16xi32>
        %jit3A_427 = arith.constant 0.000000e+00 : f32
        %broadcast_in_dim3A_428 = vector.broadcast %jit3A_427 : f32 to vector<16xf32>
        %select_n3A_429 = arith.select %eq3A_426, %get3A_417, %broadcast_in_dim3A_428 : vector<16xi1>, vector<16xf32>
        %swap3A_430 = arith.constant 1 : i32
        %swap3A_431 = arith.index_cast %swap3A_430 : i32 to index
        %swap3A_432 = arith.index_cast %add3A_413 : i32 to index
        %swap3A_433 = tpu.vector_load %arg7[%swap3A_431, %swap3A_432] {strides = array<i32>} : memref<2x8192xf32, #tpu.memory_space<vmem>>, vector<16xf32>,
        tpu.vector_store %arg7[%swap3A_431, %swap3A_432], %select_n3A_429 {strides = array<i32>} : memref<2x8192xf32, #tpu.memory_space<vmem>>, vector<16xf32>,
        %add3A_434 = arith.constant 208 : i32
        %add3A_435 = arith.addi %mul3A_154, %add3A_434 : i32
        %get3A_436 = arith.constant 1 : i32
        %get3A_437 = arith.index_cast %get3A_436 : i32 to index
        %get3A_438 = arith.index_cast %add3A_435 : i32 to index
        %get3A_439 = tpu.vector_load %arg5[%get3A_437, %get3A_438] {strides = array<i32>} : memref<2x8192xf32, #tpu.memory_space<vmem>>, vector<16xf32>,
        %abs3A_440 = math.absf %get3A_439 : vector<16xf32>
        %masked_sort3A_441 = arith.constant dense<true> : vector<16xi1>
        %masked_sort3A_442, %masked_sort3A_443, %masked_sort3A_444 = tpu.sort %abs3A_440, %iota3A masked %masked_sort3A_441 {descending = true} : (vector<16xf32>, vector<16xi32>, vector<16xi1>) -> (vector<16xi1>, vector<16xf32>, vector<16xi32>)
        %slice3A_445 = vector.extract_strided_slice %masked_sort3A_444 {offsets = [0], sizes = [1], strides = [1]} : vector<16xi32> to vector<1xi32>
        %squeeze3A_446 = vector.extract %slice3A_445[0] : i32 from vector<1xi32>
        %eq3A_447 = vector.broadcast %squeeze3A_446 : i32 to vector<16xi32>
        %eq3A_448 = arith.cmpi eq, %iota3A, %eq3A_447 : vector<16xi32>
        %jit3A_449 = arith.constant 0.000000e+00 : f32
        %broadcast_in_dim3A_450 = vector.broadcast %jit3A_449 : f32 to vector<16xf32>
        %select_n3A_451 = arith.select %eq3A_448, %get3A_439, %broadcast_in_dim3A_450 : vector<16xi1>, vector<16xf32>
        %swap3A_452 = arith.constant 1 : i32
        %swap3A_453 = arith.index_cast %swap3A_452 : i32 to index
        %swap3A_454 = arith.index_cast %add3A_435 : i32 to index
        %swap3A_455 = tpu.vector_load %arg7[%swap3A_453, %swap3A_454] {strides = array<i32>} : memref<2x8192xf32, #tpu.memory_space<vmem>>, vector<16xf32>,
        tpu.vector_store %arg7[%swap3A_453, %swap3A_454], %select_n3A_451 {strides = array<i32>} : memref<2x8192xf32, #tpu.memory_space<vmem>>, vector<16xf32>,
        %add3A_456 = arith.constant 224 : i32
        %add3A_457 = arith.addi %mul3A_154, %add3A_456 : i32
        %get3A_458 = arith.constant 1 : i32
        %get3A_459 = arith.index_cast %get3A_458 : i32 to index
        %get3A_460 = arith.index_cast %add3A_457 : i32 to index
        %get3A_461 = tpu.vector_load %arg5[%get3A_459, %get3A_460] {strides = array<i32>} : memref<2x8192xf32, #tpu.memory_space<vmem>>, vector<16xf32>,
        %abs3A_462 = math.absf %get3A_461 : vector<16xf32>
        %masked_sort3A_463 = arith.constant dense<true> : vector<16xi1>
        %masked_sort3A_464, %masked_sort3A_465, %masked_sort3A_466 = tpu.sort %abs3A_462, %iota3A masked %masked_sort3A_463 {descending = true} : (vector<16xf32>, vector<16xi32>, vector<16xi1>) -> (vector<16xi1>, vector<16xf32>, vector<16xi32>)
        %slice3A_467 = vector.extract_strided_slice %masked_sort3A_466 {offsets = [0], sizes = [1], strides = [1]} : vector<16xi32> to vector<1xi32>
        %squeeze3A_468 = vector.extract %slice3A_467[0] : i32 from vector<1xi32>
        %eq3A_469 = vector.broadcast %squeeze3A_468 : i32 to vector<16xi32>
        %eq3A_470 = arith.cmpi eq, %iota3A, %eq3A_469 : vector<16xi32>
        %jit3A_471 = arith.constant 0.000000e+00 : f32
        %broadcast_in_dim3A_472 = vector.broadcast %jit3A_471 : f32 to vector<16xf32>
        %select_n3A_473 = arith.select %eq3A_470, %get3A_461, %broadcast_in_dim3A_472 : vector<16xi1>, vector<16xf32>
        %swap3A_474 = arith.constant 1 : i32
        %swap3A_475 = arith.index_cast %swap3A_474 : i32 to index
        %swap3A_476 = arith.index_cast %add3A_457 : i32 to index
        %swap3A_477 = tpu.vector_load %arg7[%swap3A_475, %swap3A_476] {strides = array<i32>} : memref<2x8192xf32, #tpu.memory_space<vmem>>, vector<16xf32>,
        tpu.vector_store %arg7[%swap3A_475, %swap3A_476], %select_n3A_473 {strides = array<i32>} : memref<2x8192xf32, #tpu.memory_space<vmem>>, vector<16xf32>,
        %add3A_478 = arith.constant 240 : i32
        %add3A_479 = arith.addi %mul3A_154, %add3A_478 : i32
        %get3A_480 = arith.constant 1 : i32
        %get3A_481 = arith.index_cast %get3A_480 : i32 to index
        %get3A_482 = arith.index_cast %add3A_479 : i32 to index
        %get3A_483 = tpu.vector_load %arg5[%get3A_481, %get3A_482] {strides = array<i32>} : memref<2x8192xf32, #tpu.memory_space<vmem>>, vector<16xf32>,
        %abs3A_484 = math.absf %get3A_483 : vector<16xf32>
        %masked_sort3A_485 = arith.constant dense<true> : vector<16xi1>
        %masked_sort3A_486, %masked_sort3A_487, %masked_sort3A_488 = tpu.sort %abs3A_484, %iota3A masked %masked_sort3A_485 {descending = true} : (vector<16xf32>, vector<16xi32>, vector<16xi1>) -> (vector<16xi1>, vector<16xf32>, vector<16xi32>)
        %slice3A_489 = vector.extract_strided_slice %masked_sort3A_488 {offsets = [0], sizes = [1], strides = [1]} : vector<16xi32> to vector<1xi32>
        %squeeze3A_490 = vector.extract %slice3A_489[0] : i32 from vector<1xi32>
        %eq3A_491 = vector.broadcast %squeeze3A_490 : i32 to vector<16xi32>
        %eq3A_492 = arith.cmpi eq, %iota3A, %eq3A_491 : vector<16xi32>
        %jit3A_493 = arith.constant 0.000000e+00 : f32
        %broadcast_in_dim3A_494 = vector.broadcast %jit3A_493 : f32 to vector<16xf32>
        %select_n3A_495 = arith.select %eq3A_492, %get3A_483, %broadcast_in_dim3A_494 : vector<16xi1>, vector<16xf32>
        %swap3A_496 = arith.constant 1 : i32
        %swap3A_497 = arith.index_cast %swap3A_496 : i32 to index
        %swap3A_498 = arith.index_cast %add3A_479 : i32 to index
        %swap3A_499 = tpu.vector_load %arg7[%swap3A_497, %swap3A_498] {strides = array<i32>} : memref<2x8192xf32, #tpu.memory_space<vmem>>, vector<16xf32>,
        tpu.vector_store %arg7[%swap3A_497, %swap3A_498], %select_n3A_495 {strides = array<i32>} : memref<2x8192xf32, #tpu.memory_space<vmem>>, vector<16xf32>,
      }
      %scan3A_135 = arith.constant 32 : i32
      %add3A_136 = arith.constant 1 : i32
      %add3A_137 = arith.addi %mul3A_70, %add3A_136 : i32
      %mul3A_138 = arith.constant 2 : i32
      %mul3A_139 = arith.muli %add3A_137, %mul3A_138 : i32
      %add3A_140 = arith.addi %mul3A_32, %mul3A_139 : i32
      %dma_start3A_141 = arith.constant 0 : i32
      %dma_start3A_142 = tpu.memref_slice %arg3[%select_n3A, %add3A_140, %dma_start3A_141] : memref<4x1024x8192xf32, #tpu.memory_space<hbm>> -> memref<1x2x8192xf32, #tpu.memory_space<hbm>>
      %dma_start3A_143 = tpu.memref_squeeze %dma_start3A_142 : memref<1x2x8192xf32, #tpu.memory_space<hbm>> -> memref<2x8192xf32, #tpu.memory_space<hbm>>
      %dma_start3A_144 = arith.constant 0 : i32
      %dma_start3A_145 = tpu.memref_slice %arg3[%select_n3A, %add3A_140, %dma_start3A_144] : memref<4x1024x8192xf32, #tpu.memory_space<hbm>> -> memref<1x2x8192xf32, #tpu.memory_space<hbm>>
      %dma_start3A_146 = tpu.memref_squeeze %dma_start3A_145 : memref<1x2x8192xf32, #tpu.memory_space<hbm>> -> memref<2x8192xf32, #tpu.memory_space<hbm>>
      tpu.enqueue_dma source(%arg7 : memref<2x8192xf32, #tpu.memory_space<vmem>>) target(%dma_start3A_146 : memref<2x8192xf32, #tpu.memory_space<hbm>>) target_semaphore(%arg11 : memref<!tpu.dma_semaphore, #tpu.memory_space<semaphore_mem>>)
      %lt3A_147 = arith.constant 31 : i32
      %lt3A_148 = arith.cmpi slt, %scan3A_68, %lt3A_147 : i32
      %convert_element_type3A_149 = arith.extui %lt3A_148 : i1 to i32
      %cond3A_150 = arith.constant 0 : i32
      %cond3A_151 = arith.cmpi ne, %convert_element_type3A_149, %cond3A_150 : i32
      scf.if %cond3A_151 {
        %add3A_152 = arith.constant 3 : i32
        %add3A_153 = arith.addi %mul3A_70, %add3A_152 : i32
        %mul3A_154 = arith.constant 2 : i32
        %mul3A_155 = arith.muli %add3A_153, %mul3A_154 : i32
        %add3A_156 = arith.addi %mul3A_32, %mul3A_155 : i32
        %dma_start3A_157 = arith.constant 0 : i32
        %dma_start3A_158 = tpu.memref_slice %arg2[%select_n3A, %add3A_156, %dma_start3A_157] : memref<4x1024x8192xf32, #tpu.memory_space<hbm>> -> memref<1x2x8192xf32, #tpu.memory_space<hbm>>
        %dma_start3A_159 = tpu.memref_squeeze %dma_start3A_158 : memref<1x2x8192xf32, #tpu.memory_space<hbm>> -> memref<2x8192xf32, #tpu.memory_space<hbm>>
        %dma_start3A_160 = arith.constant 0 : i32
        %dma_start3A_161 = tpu.memref_slice %arg2[%select_n3A, %add3A_156, %dma_start3A_160] : memref<4x1024x8192xf32, #tpu.memory_space<hbm>> -> memref<1x2x8192xf32, #tpu.memory_space<hbm>>
        %dma_start3A_162 = tpu.memref_squeeze %dma_start3A_161 : memref<1x2x8192xf32, #tpu.memory_space<hbm>> -> memref<2x8192xf32, #tpu.memory_space<hbm>>
        tpu.enqueue_dma source(%dma_start3A_162 : memref<2x8192xf32, #tpu.memory_space<hbm>>) target(%arg5 : memref<2x8192xf32, #tpu.memory_space<vmem>>) target_semaphore(%arg9 : memref<!tpu.dma_semaphore, #tpu.memory_space<semaphore_mem>>)
      } else {
      }
    }
    %scan3A_52 = arith.constant 32 : i32
    %add3A_53 = arith.constant 124 : i32
    %add3A_54 = arith.addi %mul3A_32, %add3A_53 : i32
    %dma_wait3A = arith.constant 0 : i32
    %dma_wait3A_55 = tpu.memref_slice %arg3[%select_n3A, %add3A_54, %dma_wait3A] : memref<4x1024x8192xf32, #tpu.memory_space<hbm>> -> memref<1x2x8192xf32, #tpu.memory_space<hbm>>
    %dma_wait3A_56 = tpu.memref_squeeze %dma_wait3A_55 : memref<1x2x8192xf32, #tpu.memory_space<hbm>> -> memref<2x8192xf32, #tpu.memory_space<hbm>>
    %dma_wait3A_57 = arith.constant 0 : i32
    %dma_wait3A_58 = tpu.memref_slice %arg3[%select_n3A, %add3A_54, %dma_wait3A_57] : memref<4x1024x8192xf32, #tpu.memory_space<hbm>> -> memref<1x2x8192xf32, #tpu.memory_space<hbm>>
    %dma_wait3A_59 = tpu.memref_squeeze %dma_wait3A_58 : memref<1x2x8192xf32, #tpu.memory_space<hbm>> -> memref<2x8192xf32, #tpu.memory_space<hbm>>
    tpu.wait_dma2 semaphore(%arg10 : memref<!tpu.dma_semaphore, #tpu.memory_space<semaphore_mem>>) src(%arg6 : memref<2x8192xf32, #tpu.memory_space<vmem>>) dst(%dma_wait3A_59 : memref<2x8192xf32, #tpu.memory_space<hbm>>)
    %add3A_60 = arith.constant 126 : i32
    %add3A_61 = arith.addi %mul3A_32, %add3A_60 : i32
    %dma_wait3A_62 = arith.constant 0 : i32
    %dma_wait3A_63 = tpu.memref_slice %arg3[%select_n3A, %add3A_61, %dma_wait3A_62] : memref<4x1024x8192xf32, #tpu.memory_space<hbm>> -> memref<1x2x8192xf32, #tpu.memory_space<hbm>>
    %dma_wait3A_64 = tpu.memref_squeeze %dma_wait3A_63 : memref<1x2x8192xf32, #tpu.memory_space<hbm>> -> memref<2x8192xf32, #tpu.memory_space<hbm>>
    %dma_wait3A_65 = arith.constant 0 : i32
    %dma_wait3A_66 = tpu.memref_slice %arg3[%select_n3A, %add3A_61, %dma_wait3A_65] : memref<4x1024x8192xf32, #tpu.memory_space<hbm>> -> memref<1x2x8192xf32, #tpu.memory_space<hbm>>
    %dma_wait3A_67 = tpu.memref_squeeze %dma_wait3A_66 : memref<1x2x8192xf32, #tpu.memory_space<hbm>> -> memref<2x8192xf32, #tpu.memory_space<hbm>>
    tpu.wait_dma2 semaphore(%arg11 : memref<!tpu.dma_semaphore, #tpu.memory_space<semaphore_mem>>) src(%arg7 : memref<2x8192xf32, #tpu.memory_space<vmem>>) dst(%dma_wait3A_67 : memref<2x8192xf32, #tpu.memory_space<hbm>>)
    return
  }
}

</mosaic_0001>

<sc_bundles>
// kernel: kernel.3.cloned.1.call-start
scs
__scs_entry_jumppad:
0x0: {  	(pc) =	sbr.rel $0x88, $3  }
0x1: {  	(tag) =	ssettag $0x0;
	lr =	simm.s32 $0x1  }
0x2: {  	[smem:$0x3FA0] =	sst lr;
	_ =	strace $0xD0000000  }
0x3: {  	_ = 	snop  }
0x4: {  	_ = 	snop  }
0x5: {  	_ = 	snop  }
0x6: {  	_ = 	snop  }
0x7: {  	_ = 	snop  }
__scs_overlays_trampoline_lowered:
0x8: {  	[smem:$0x3FAF] =	sst s0  }
0x9: {  	[smem:$0x3FB0] =	sst s1  }
0xa: {  	[smem:$0x3FB1] =	sst s2  }
0xb: {  	[smem:$0x3FB2] =	sst s3  }
0xc: {  	[smem:$0x3FB3] =	sst s4  }
0xd: {  	[smem:$0x3FB4] =	sst s5  }
0xe: {  	[smem:$0x3FB5] =	sst s6  }
0xf: {  	[smem:$0x3FB6] =	sst s7  }
0x10: {  	[smem:$0x3FB7] =	sst s8  }
0x11: {  	[smem:$0x3FB8] =	sst s9;
	s0 =	simm.s32 @!p0 $0x0  }
0x12: {  	s1 =	sld [smem:$0x3F9E];
	s0 =	simm.s32 @p0 $0x1  }
0x13: {  	[smem:$0x3FB9] =	sst s0;
	s0 =	simm.s32 @!p1 $0x0  }
0x14: {  	s2 =	sld [smem:$0x3F9D];
	s0 =	simm.s32 @p1 $0x1  }
0x15: {  	[smem:$0x3FBA] =	sst s0;
	s0 =	simm.s32 @!p2 $0x0  }
0x16: {  	s3 =	sld [smem:$0x3FDB];
	s0 =	simm.s32 @p2 $0x1  }
0x17: {  	s4 =	simm.s32 $0x1BF5;
	[smem:$0x3FBC] =	sst s0  }
0x18: {  	s0 =	sld [smem:$0x3F9F];
	_ =	swait.ge [sflag:s4], $0x0  }
0x19: {  	s7 =	sld [smem:$0x3FA0]  }
0x1a: {  	s8 =	sadd.s32 $0xFFFFE003, lr  }
0x1b: {  	s9 =	sadd.s32 $0xFFFFFEF7, lr;
	s5 =	simm.s32 $0xFFFFFFFF;
	p2 =	slt.u32 s8, $0xFFFFF086  }
0x1c: {  	p1 =	slt.u32 s9, $0xF7A;
	s5 =	simm.s32 @!p2 $0x0  }
0x1d: {  	s5 =	simm.s32 @p1 $0x1;
	p0 =	seq.s32 s7, s2  }
0x1e: {  	s7 =	smul.u32 @!p0 $0xF7A, s2;
	p2 =	seq.s32 @!p0 s5, $0x0  }
0x1f: {  	s9 =	smul.u32 $0xF7A, s1;
	s8 =	simm.s32 @!p0 $0x1BF5;
	p2 =	por !p2, p0  }
0x20: {  	[sflag:s8] =	ssyncset.s32 @!p0 $0xFFFFF086;
	s6 =	sadd.s32 @!p0 s3, s7;
	s7 =	simm.s32 @!p0 $0x108  }
0x21: {  	s3 =	sadd.s32 s3, s9;
	s6 =	sadd.s32 @!p0 $0x88, s6;
	s7 =	simm.s32 @p2 $0x1082  }
0x22: {  	[simem:s7], [sflag:s8] =	dma.local @!p0 [hbm:s6], $0xF7A  }
0x23: {  	s9 =	sor.u32 $0xD0000000, s2;
	s6 =	simm.s32 $0x108;
	_ =	swait.ge @!p0 [sflag:s8], $0x0  }
0x24: {  	s3 =	sadd.s32 $0x88, s3;
	s6 =	simm.s32 @!p1 $0x1082;
	[sflag:s4] =	ssyncset.s32 $0xFFFFF086  }
0x25: {  	[simem:s6], [sflag:s4] =	dma.local [hbm:s3], $0xF7A  }
0x26: {  	[smem:$0x3FA0] =	sst s1;
	(tag) =	ssettag s2;
	_ =	strace s9  }
0x27: {  	s1 =	sld [smem:$0x3FB0]  }
0x28: {  	s2 =	sld [smem:$0x3FB1]  }
0x29: {  	s4 =	sld [smem:$0x3FB3]  }
0x2a: {  	p0 =	seq.s32 s5, $0x0;
	s5 =	sld [smem:$0x3FB4]  }
0x2b: {  	s6 =	sld [smem:$0x3FB5]  }
0x2c: {  	s7 =	sld [smem:$0x3FB6]  }
0x2d: {  	s3 =	simm.s32 $0x108;
	s8 =	sld [smem:$0x3FB7]  }
0x2e: {  	s3 =	simm.s32 @!p0 $0x1082;
	s9 =	sld [smem:$0x3FB8]  }
0x2f: {  	lr =	sadd.s32 s0, s3;
	s0 =	sld [smem:$0x3FAF]  }
0x30: {  	s3 =	sld [smem:$0x3FB2]  }
0x31: {  	[smem:$0x3FBB] =	sst s10  }
0x32: {  	s10 =	sld [smem:$0x3FB9];
	_ =	sdelay $0x3  }
0x33: {  	p0 =	seq.s32 s10, $0x1;
	s10 =	sld [smem:$0x3FBB];
	_ =	sdelay $0x3  }
0x34: {  	[smem:$0x3FBB] =	sst s10  }
0x35: {  	s10 =	sld [smem:$0x3FBA];
	_ =	sdelay $0x3  }
0x36: {  	p1 =	seq.s32 s10, $0x1;
	s10 =	sld [smem:$0x3FBB];
	_ =	sdelay $0x3  }
0x37: {  	[smem:$0x3FBB] =	sst s10  }
0x38: {  	s10 =	sld [smem:$0x3FBC]  }
0x39: {  	_ = 	snop;
	(pc) =	sbr.ind lr, $3  }
0x3a: {  	_ = 	snop  }
0x3b: {  	_ = 	snop  }
0x3c: {  	p2 =	seq.s32 s10, $0x1;
	s10 =	sld [smem:$0x3FBB]  }
0x3d: {  	_ =	shalt  }
0x3e: {  	_ =	shalt  }
0x3f: {  	_ =	shalt  }
0x40: {  	_ =	shalt  }
0x41: {  	_ =	shalt  }
0x42: {  	_ =	shalt  }
0x43: {  	_ =	shalt  }
0x44: {  	_ =	shalt  }
0x45: {  	_ =	shalt  }
0x46: {  	_ =	shalt  }
0x47: {  	_ =	shalt  }
0x48: {  	_ =	shalt  }
0x49: {  	_ =	shalt  }
0x4a: {  	_ =	shalt  }
0x4b: {  	_ =	shalt  }
0x4c: {  	_ =	shalt  }
0x4d: {  	_ =	shalt  }
0x4e: {  	_ =	shalt  }
0x4f: {  	_ =	shalt  }
0x50: {  	_ =	shalt  }
0x51: {  	_ =	shalt  }
0x52: {  	_ =	shalt  }
0x53: {  	_ =	shalt  }
0x54: {  	_ =	shalt  }
0x55: {  	_ =	shalt  }
0x56: {  	_ =	shalt  }
0x57: {  	_ =	shalt  }
0x58: {  	_ =	shalt  }
0x59: {  	_ =	shalt  }
0x5a: {  	_ =	shalt  }
0x5b: {  	_ =	shalt  }
0x5c: {  	_ =	shalt  }
0x5d: {  	_ =	shalt  }
0x5e: {  	_ =	shalt  }
0x5f: {  	_ =	shalt  }
0x60: {  	_ =	shalt  }
0x61: {  	_ =	shalt  }
0x62: {  	_ =	shalt  }
0x63: {  	_ =	shalt  }
0x64: {  	_ =	shalt  }
0x65: {  	_ =	shalt  }
0x66: {  	_ =	shalt  }
0x67: {  	_ =	shalt  }
0x68: {  	_ =	shalt  }
0x69: {  	_ =	shalt  }
0x6a: {  	_ =	shalt  }
0x6b: {  	_ =	shalt  }
0x6c: {  	_ =	shalt  }
0x6d: {  	_ =	shalt  }
0x6e: {  	_ =	shalt  }
0x6f: {  	_ =	shalt  }
0x70: {  	_ =	shalt  }
0x71: {  	_ =	shalt  }
0x72: {  	_ =	shalt  }
0x73: {  	_ =	shalt  }
0x74: {  	_ =	shalt  }
0x75: {  	_ =	shalt  }
0x76: {  	_ =	shalt  }
0x77: {  	_ =	shalt  }
0x78: {  	_ =	shalt  }
0x79: {  	_ =	shalt  }
0x7a: {  	_ =	shalt  }
0x7b: {  	_ =	shalt  }
0x7c: {  	_ =	shalt  }
0x7d: {  	_ =	shalt  }
0x7e: {  	_ =	shalt  }
0x7f: {  	_ =	shalt  }
0x80: {  	_ =	shalt  }
0x81: {  	_ =	shalt  }
0x82: {  	_ =	shalt  }
0x83: {  	_ =	shalt  }
0x84: {  	_ =	shalt  }
0x85: {  	_ =	shalt  }
0x86: {  	_ =	shalt  }
0x87: {  	_ =	shalt  }
.Lfunc_end0:
.L_simem_size_0:
called_computation_lowered:
.L_overlay_start_0:
0x88: {  	s2 =	sld [smem:$0x3FD9]  }
0x89: {  	s3 =	sld [smem:$0x3FFE];
	_ =	sdelay $0x1  }
0x8a: {  	s1 =	srdreg.scid  }
0x8b: {  	s0 =	sand.u32 $0x1, s1  }
0x8c: {  	s18 =	sshll.u32 s0, $0xA;
	s2 =	sadd.s32 s3, s2  }
0x8d: {  	s2 =	sadd.s32 s2, s18  }
0x8e: {  	[smem:$0x3FC7] =	sst s2  }
0x8f: {  	_ = 	snop  }
0x90: {  	s2 =	sld [smem:$0x3FC9]  }
0x91: {  	s19 =	sld [smem:$0x3FD0];
	(tm) =	ssettm $0x1  }
0x92: {  	s4 =	sld [smem:$0x3FFB];
	_ =	sdelay $0x3  }
0x93: {  	_ =	strace s4  }
0x94: {  	s4 =	sld [smem:$0x3FFC];
	_ =	sdelay $0x3  }
0x95: {  	_ =	strace s4  }
0x96: {  	s4 =	sld [smem:$0x3FFD];
	_ =	sdelay $0x3  }
0x97: {  	_ =	strace s4  }
0x98: {  	_ =	strace $0x8FFFFFFF  }
0x99: {  	s20 =	sld [smem:$0x3FDB];
	_ =	sdelay $0x1  }
0x9a: {  	s5 =	simm.s32 $_scs_section_size  }
0x9b: {  	s6 =	simm.s32 $_size__tile_overlayer_lowered;
	s7 =	simm.s32 $_tile_overlayer_lowered  }
0x9c: {  	s23 =	simm.s32 $0x1BFF;
	s22 =	sshll.u32 s7, $0x1;
	s4 =	sadd.s32 s5, s20  }
0x9d: {  	s8 =	simm.s32 $0x0;
	s21 =	sshll.u32 s6, $0x1;
	s6 =	sadd.s32 s22, s4  }
0x9e: {  	[timem:s8], [sflag:s23] =	dma.local [hbm:s6], s21  }
0x9f: {  	_ =	swait.ge [sflag:s23], s21  }
0xa0: {  	s5 =	ssub.s32 $0x0, s21;
	[sflag:s23] =	ssyncset.done $0x0  }
0xa1: {  	[sflag:s23] =	ssyncadd.s32 s5;
	_ =	sdelay $0x1  }
0xa2: {  	s24 =	simm.s32 $0x1B8B  }
0xa3: {  	_ =	swait.ge [sflag:s24], $0x1  }
0xa4: {  	[sflag:s24] =	ssyncset.done $0x0  }
0xa5: {  	s25 =	simm.s32 $0x1B8E;
	[sflag:s24] =	ssyncadd.s32 $0xFFFFFFFF  }
0xa6: {  	s26 =	simm.s32 $execute0_lowered;
	[smem:$0x3FD2] =	sst s25  }
0xa7: {  	s5 =	sshll.u32 s26, $0x1;
	_ =	strace $0x80000046;
	[dreg:$0x1] =	wrdreg $0xFFFFFFFF  }
0xa8: {  	s28 =	simm.s32 $_size_execute0_lowered;
	s4 =	sadd.s32 s4, s5;
	[dreg:$0x0] =	wrdreg $0x0  }
0xa9: {  	s5 =	sshll.u32 s28, $0x1;
	[dreg:$0x2] =	wrdreg s4  }
0xaa: {  	[dreg:$0x3] =	wrdreg s5  }
0xab: {  	[dreg:$0x4] =	wrdreg $0xC0  }
0xac: {  	_ =	task [dreg:s8], $0x5FFFF  }
0xad: {  	[dreg:$0x1] =	wrdreg $0xFFFFFFFF  }
0xae: {  	[dreg:$0x0] =	wrdreg $0x60  }
0xaf: {  	[dreg:$0x2] =	wrdreg s2  }
0xb0: {  	[dreg:$0x3] =	wrdreg s19  }
0xb1: {  	[dreg:$0x4] =	wrdreg $0x9  }
0xb2: {  	_ =	task.clear_ibuf [dreg:s8], $0x5FFFF;
	_ =	strace $0x90000046  }
0xb3: {  	s29 =	simm.s32 $0x9;
	_ =	strace $0x80000048  }
0xb4: {  	_ =	swait.ge [sflag:s29], $0x1  }
0xb5: {  	[sflag:s29] =	ssyncadd.s32 $0xFFFFFFFF  }
0xb6: {  	_ =	strace $0x90000048  }
0xb7: {  	_ =	sfence  }
0xb8: {  	s30 =	sld [smem:$0x0];
	_ =	sdelay $0x2  }
0xb9: {  	s31 =	sshll.u32 s1, $0xD;
	s1 =	sshrl.u32 s1, $0x2  }
0xba: {  	s3 =	sand.u32 $0x4000, s31;
	s1 =	sadd.s32 s1, s30  }
0xbb: {  	s0 =	sor.u32 s3, s0;
	s1 =	sshll.u32 s1, $0x11  }
0xbc: {  	s0 =	sor.u32 s1, s0  }
0xbd: {  	s0 =	sadd.s32 $0x8F2B, s0  }
0xbe: {  	[sflag:s0] =	ssyncadd.remote.s32 $0x1  }
0xbf: {  	_ =	sfence.sel $0xFFFF  }
0xc0: {  	[dreg:$0x0] =	wrdreg $0xFFFFFFFF;
	(pc) =	sbr.abs _section_cstart, $3  }
0xc1: {  	[dreg:$0x1] =	wrdreg $0xFFFFFFFF  }
0xc2: {  	_ =	task.clear_ibuf [dreg:s8], $0x2FFFF;
	_ =	strace $0x9FFFFFFF  }
0xc3: {  	(tm) =	ssettm $0x7FFFFFFF  }
tec
execute0_lowered:
.L_overlay_start_1:
0x0: {  	(tag) =	ssettag $0x1  }
0x1: {  	s0 =	stileid.u32;
	s2 =	rddreg [dreg:$0x0]  }
0x2: {  	s1 =	srdreg.scid;
	s3 =	rddreg [dreg:$0x1];
	s12 =	simm.s32 $0x400  }
0x3: {  	s13 =	simm.s32 $0x4000;
	s14 =	simm.s32 $0x1;
	s15 =	simm.s32 $0x8000  }
0x4: {  	s16 =	simm.s32 $0x2;
	s17 =	simm.s32 $0xC000;
	s18 =	simm.s32 $0x3  }
0x5: {  	s19 =	simm.s32 $0x4;
	s20 =	simm.s32 $0x0;
	s4 =	sshll.u32 s0, $0x1  }
0x6: {  	s6 =	sand.u32 $0x1, s1;
	s5 =	sshll.u32 s0, $0x15;
	s4 =	sand.u32 $0x6, s4  }
0x7: {  	s1 =	rddreg [dreg:$0x2];
	s5 =	sand.u32 $0x1800000, s5;
	s7 =	sor.u32 s6, s4  }
.Ltmp0:
0x8: {  	s9 =	ssub.s32 $0x2, s6;
	s8 =	sshll.u32 s7, $0x14;
	(pc) =	sbr.rel .LBB2_1-.Ltmp0, $4  }
0x9: {  	s4 =	simm.s32 $0x0;
	s31 =	sshrl.u32 s9, $0x1;
	s6 =	sor.u32 s5, s8  }
0xa: {  	[smem:$0x7FF] =	sst s4;
	s11 =	ssub.s32 s9, s31;
	s10 =	sshrl.u32 s6, $0x3  }
0xb: {  	s7 =	sshll.u32 s7, $0x7;
	_ =	strace $0x80000047;
	s8 =	sadd.s32 s2, s10  }
0xc: {  	v0 =	vlaneseq.u32;
	s10 =	smax.u32 s11, $0x1;
	s11 =	simm.s32 $0x100;
	s9 =	sadd.s32 $0x20, s8  }
.LBB2_12:
0xd: {  	s20 =	sadd.s32 $0x1, s20  }
0xe: {  	_ =	swait.ge [sflag:s18], $0x4000;
	p0 =	sne.s32 s20, s10  }
.Ltmp1:
0xf: {  	[sflag:s18] =	ssyncset.done $0x0;
	(pc) =	sbr.rel @!p0 .LBB2_13-.Ltmp1, $4  }
0x10: {  	[sflag:s18] =	ssyncadd.s32 $0xFFFFC000  }
0x11: {  	_ =	swait.ge [sflag:s19], $0x4000  }
0x12: {  	[sflag:s19] =	ssyncset.done $0x0  }
0x13: {  	[sflag:s19] =	ssyncadd.s32 $0xFFFFC000  }
.LBB2_1:
0x14: {  	[tilespmem:s4], [sflag:$0x1] =	stream.strided.gather [hbm4b:s8+s11], $0x4000, s12, s11, $0x38;
	[tilespmem:$0x10000] =	vst v63  }
0x15: {  	s21 =	simm.s32 $0x0  }
0x16: {  	[tilespmem:s13], [sflag:$0x2] =	stream.strided.gather [hbm4b:s9+s11], $0x4000, s12, s11, $0x38;
	[tilespmem:$0x10000] =	vst v63  }
.LBB2_2:
0x17: {  	p0 =	seq.s32 s21, $0x0  }
0x18: {  	s22 =	simm.s32 @!p0 $0x3  }
0x19: {  	_ =	swait.ge @!p0 [sflag:s22], $0x4000  }
0x1a: {  	[sflag:s22] =	ssyncset.done @!p0 $0x0  }
0x1b: {  	[sflag:s22] =	ssyncadd.s32 @!p0 $0xFFFFC000  }
0x1c: {  	_ =	swait.ge [sflag:s14], $0x4000  }
0x1d: {  	[sflag:s14] =	ssyncset.done $0x0  }
0x1e: {  	s23 =	simm.s32 $0x0;
	[sflag:s14] =	ssyncadd.s32 $0xFFFFC000  }
0x1f: {  	v13 =	vld [tilespmem:s23+$0x170]  }
0x20: {  	v17 =	vld [tilespmem:s23+$0x130]  }
0x21: {  	v19 =	vld [tilespmem:s23+$0x60]  }
0x22: {  	v3 =	vld [tilespmem:s23+$0x140];
	_ =	sdelay $0x1  }
0x23: {  	v1 =	vand.u32 $0x7FFFFFFF, v13  }
0x24: {  	v2 =	vand.u32 $0x7FFFFFFF, v17;
	(xrf1) =	vsort.dscd.msk.f32 $0xffff, v1, v0  }
0x25: {  	v26 =	vld [tilespmem:s23+$0x120];
	v1 =	vand.u32 $0x7FFFFFFF, v19;
	(xrf1) =	vsort.dscd.msk.f32 $0xffff, v2, v0  }
0x26: {  	v22 =	vld [tilespmem:s23+$0x150];
	v2 =	vand.u32 $0x7FFFFFFF, v3;
	(xrf1) =	vsort.dscd.msk.f32 $0xffff, v1, v0  }
0x27: {  	v20 =	vld [tilespmem:s23+$0x160];
	(xrf1) =	vsort.dscd.msk.f32 $0xffff, v2, v0  }
0x28: {  	v25 =	vld [tilespmem:s23+$0x70]  }
0x29: {  	v10 =	vld [tilespmem:s23+$0x40]  }
0x2a: {  	v31 =	vld [tilespmem:s23+$0x50];
	v1 =	vand.u32 $0x7FFFFFFF, v26  }
0x2b: {  	v33 =	vld [tilespmem:s23+$0x20];
	v2 =	vand.u32 $0x7FFFFFFF, v22;
	(xrf1) =	vsort.dscd.msk.f32 $0xffff, v1, v0  }
0x2c: {  	v4 =	vld [tilespmem:s23+$0x100];
	v1 =	vand.u32 $0x7FFFFFFF, v20;
	(xrf1) =	vsort.dscd.msk.f32 $0xffff, v2, v0  }
0x2d: {  	v2 =	vand.u32 $0x7FFFFFFF, v25;
	(xrf1) =	vsort.dscd.msk.f32 $0xffff, v1, v0  }
0x2e: {  	v24 =	vld [tilespmem:s23+$0x110];
	v1 =	vand.u32 $0x7FFFFFFF, v10;
	(xrf1) =	vsort.dscd.msk.f32 $0xffff, v2, v0  }
0x2f: {  	v8 =	vld [tilespmem:s23+$0x0];
	v2 =	vand.u32 $0x7FFFFFFF, v31;
	(xrf1) =	vsort.dscd.msk.f32 $0xffff, v1, v0  }
0x30: {  	v16 =	vld [tilespmem:s23+$0x10];
	v5 =	vand.u32 $0x7FFFFFFF, v33;
	(xrf1) =	vsort.dscd.msk.f32 $0xffff, v2, v0  }
0x31: {  	s24 =	simm.s32 $0x200;
	v15 =	vld [tilespmem:s23+$0x30];
	(xrf1) =	vsort.dscd.msk.f32 $0xffff, v5, v0;
	v5 =	vand.u32 $0x7FFFFFFF, v4  }
0x32: {  	v9 =	vld [tilespmem:s24+$0x170];
	_, v18, _ =	vpop (xrf1)  }
0x33: {  	v12 =	vld [tilespmem:s24+$0x130];
	_, v21, _ =	vpop (xrf1)  }
0x34: {  	v11 =	vld [tilespmem:s24+$0x150];
	_, v23, _ =	vpop (xrf1);
	v21 =	vbroadcast v21, $0x0  }
0x35: {  	v14 =	vld [tilespmem:s24+$0x140];
	v6 =	vand.u32 $0x7FFFFFFF, v16;
	(xrf1) =	vsort.dscd.msk.f32 $0xffff, v5, v0;
	_, v5, _ =	vpop (xrf1);
	v23 =	vbroadcast v23, $0x0  }
0x36: {  	v7 =	vld [tilespmem:s24+$0x0];
	(xrf1) =	vsort.dscd.msk.f32 $0xffff, v6, v0;
	v6 =	vand.u32 $0x7FFFFFFF, v8;
	v5 =	vbroadcast v5, $0x0  }
0x37: {  	v28 =	vand.u32 $0x7FFFFFFF, v15;
	v1 =	vld [tilespmem:s24+$0x110];
	v18 =	vbroadcast v18, $0x0;
	(xrf1) =	vsort.dscd.msk.f32 $0xffff, v6, v0  }
0x38: {  	v27 =	vand.u32 $0x7FFFFFFF, v24;
	v2 =	vld [tilespmem:s24+$0x160];
	(xrf1) =	vsort.dscd.msk.f32 $0xffff, v28, v0;
	vm0 =	veq.s32 v5, v0  }
0x39: {  	v6 =	vld [tilespmem:s24+$0x60];
	vm1 =	veq.s32 v18, v0;
	(xrf1) =	vsort.dscd.msk.f32 $0xffff, v27, v0;
	v27 =	vnsel vm0, $0x0, v3;
	vm0 =	veq.s32 v21, v0;
	_, v21, _ =	vpop (xrf1)  }
0x3a: {  	v28 =	vand.u32 $0x7FFFFFFF, v9;
	v5 =	vld [tilespmem:s24+$0x100];
	v17 =	vnsel vm0, $0x0, v17;
	vm0 =	veq.s32 v23, v0;
	_, v23, _ =	vpop (xrf1)  }
0x3b: {  	(xrf1) =	vsort.dscd.msk.f32 $0xffff, v28, v0;
	v3 =	vld [tilespmem:s24+$0x50];
	[tilespmem:s23+$0x8140] =	vst v27;
	v30 =	vbroadcast v21, $0x0;
	_, v21, _ =	vpop (xrf1);
	v28 =	vbroadcast v23, $0x0  }
0x3c: {  	v27 =	vnsel vm1, $0x0, v13;
	v18 =	vld [tilespmem:s24+$0x120];
	v34 =	vbroadcast v21, $0x0  }
0x3d: {  	v29 =	vnsel vm0, $0x0, v19;
	v13 =	vld [tilespmem:s24+$0x40];
	[tilespmem:s23+$0x8170] =	vst v27;
	v27 =	vand.u32 $0x7FFFFFFF, v12;
	vm0 =	veq.s32 v28, v0  }
0x3e: {  	(xrf1) =	vsort.dscd.msk.f32 $0xffff, v27, v0;
	v37 =	vnsel vm0, $0x0, v22;
	vm0 =	veq.s32 v34, v0  }
0x3f: {  	_, v23, _ =	vpop (xrf1);
	v21 =	vld [tilespmem:s24+$0x70];
	[tilespmem:s23+$0x8130] =	vst v17;
	vm1 =	veq.s32 v30, v0;
	v20 =	vnsel vm0, $0x0, v20  }
0x40: {  	v32 =	vand.u32 $0x7FFFFFFF, v14;
	v55 =	vand.u32 $0x7FFFFFFF, v11;
	_, v35, _ =	vpop (xrf1);
	v17 =	vld [tilespmem:s24+$0x10];
	v26 =	vnsel vm1, $0x0, v26  }
0x41: {  	v19 =	vand.u32 $0x7FFFFFFF, v1;
	v27 =	vand.u32 $0x7FFFFFFF, v6;
	v30 =	vand.u32 $0x7FFFFFFF, v2;
	_, v54, _ =	vpop (xrf1);
	v22 =	vld [tilespmem:s24+$0x20];
	[tilespmem:s23+$0x8120] =	vst v26  }
0x42: {  	v36 =	vbroadcast v23, $0x0;
	(xrf1) =	vsort.dscd.msk.f32 $0xffff, v27, v0;
	v27 =	vand.u32 $0x7FFFFFFF, v7;
	[tilespmem:s23+$0x8060] =	vst v29;
	_, v28, _ =	vpop (xrf1)  }
0x43: {  	v23 =	vbroadcast v35, $0x0;
	(xrf1) =	vsort.dscd.msk.f32 $0xffff, v32, v0;
	v58 =	vand.u32 $0x7FFFFFFF, v3;
	[tilespmem:s23+$0x8160] =	vst v20;
	_, v20, _ =	vpop (xrf1)  }
0x44: {  	vm1 =	veq.s32 v36, v0;
	[tilespmem:s23+$0x8150] =	vst v37;
	v60 =	vbroadcast v54, $0x0;
	v39 =	vand.u32 $0x7FFFFFFF, v18;
	_, v26, _ =	vpop (xrf1)  }
0x45: {  	v57 =	vand.u32 $0x7FFFFFFF, v13;
	v63 =	vnsel vm1, $0x0, v25;
	v38 =	vbroadcast v28, $0x0;
	(xrf1) =	vsort.dscd.msk.f32 $0xffff, v39, v0;
	_, v56, _ =	vpop (xrf1)  }
0x46: {  	vm2 =	veq.s32 v60, v0;
	(xrf1) =	vsort.dscd.msk.f32 $0xffff, v55, v0;
	v28 =	vbroadcast v20, $0x0;
	v20 =	vld [tilespmem:s24+$0x30];
	v26 =	vbroadcast v26, $0x0;
	_, v61, _ =	vpop (xrf1)  }
0x47: {  	v59 =	vand.u32 $0x7FFFFFFF, v21;
	v29 =	vand.u32 $0x7FFFFFFF, v17;
	v31 =	vnsel vm2, $0x0, v31;
	(xrf1) =	vsort.dscd.msk.f32 $0xffff, v30, v0;
	_, v62, _ =	vpop (xrf1)  }
0x48: {  	vm3 =	veq.s32 v38, v0;
	(xrf1) =	vsort.dscd.msk.f32 $0xffff, v59, v0;
	vm0 =	veq.s32 v26, v0;
	v26 =	vbroadcast v62, $0x0  }
0x49: {  	v40 =	vand.u32 $0x7FFFFFFF, v22;
	v25 =	vnsel vm3, $0x0, v33;
	[tilespmem:s23+$0x8070] =	vst v63;
	(xrf1) =	vsort.dscd.msk.f32 $0xffff, v57, v0  }
0x4a: {  	s28 =	simm.s32 $0x1000;
	[tilespmem:s23+$0x8050] =	vst v31;
	v32 =	vbroadcast v56, $0x0;
	(xrf1) =	vsort.dscd.msk.f32 $0xffff, v58, v0;
	vm1 =	veq.s32 v26, v0  }
0x4b: {  	s26 =	simm.s32 $0x0;
	s25 =	simm.s32 $0x200;
	s22 =	sshll.u32 s21, $0x2;
	v30 =	vbroadcast v61, $0x0;
	_, v34, _ =	vpop (xrf1);
	v33 =	vand.u32 $0x7FFFFFFF, v20;
	(xrf1) =	vsort.dscd.msk.f32 $0xffff, v40, v0;
	v31 =	vnsel vm1, $0x0, v24  }
.LBB2_3:
0x4c: {  	_, v36, _ =	vpop (xrf1);
	vm1 =	veq.s32 v32, v0  }
0x4d: {  	s29 =	sshra.s32 s28, $0x2;
	p0 =	sne.s32 s28, $0xF800;
	s28 =	sadd.s32 $0x800, s28;
	v35 =	vand.u32 $0x7FFFFFFF, v5;
	[tilespmem:s26+$0x8020] =	vst v25;
	vm2 =	veq.s32 v30, v0;
	v24 =	vmovc v1;
	v26 =	vmovc v21;
	v25 =	vmov v22  }
0x4e: {  	v21 =	vld [tilespmem:s29+$0x170];
	v22 =	vbroadcast v36, $0x0;
	(xrf1) =	vsort.dscd.msk.f32 $0xffff, v35, v0;
	v30 =	vnsel vm1, $0x0, v8;
	v32 =	vnsel vm2, $0x0, v15;
	v8 =	vmovc v7  }
0x4f: {  	v7 =	vbroadcast v34, $0x0;
	vm1 =	veq.s32 v23, v0;
	vm2 =	veq.s32 v28, v0;
	v1 =	vld [tilespmem:s29+$0x110];
	(xrf1) =	vsort.dscd.msk.f32 $0xffff, v29, v0  }
0x50: {  	v16 =	vnsel vm0, $0x0, v16;
	v23 =	vld [tilespmem:s29+$0x130];
	vm3 =	veq.s32 v22, v0;
	(xrf1) =	vsort.dscd.msk.f32 $0xffff, v27, v0;
	_, v15, _ =	vpop (xrf1);
	v22 =	vnsel vm1, $0x0, v10  }
0x51: {  	v28 =	vnsel vm2, $0x0, v4;
	v4 =	vmovc v5;
	vm0 =	veq.s32 v7, v0;
	v10 =	vmovc v13;
	v27 =	vld [tilespmem:s29+$0x160];
	v36 =	vbroadcast v15, $0x0;
	[tilespmem:s26+$0x8010] =	vst v16  }
0x52: {  	v34 =	vnsel vm3, $0x0, v12;
	v35 =	vnsel vm0, $0x0, v9;
	v29 =	vld [tilespmem:s29+$0x150];
	(xrf1) =	vsort.dscd.msk.f32 $0xffff, v33, v0;
	_, v5, _ =	vpop (xrf1);
	[tilespmem:s26+$0x8000] =	vst v30  }
0x53: {  	v30 =	vld [tilespmem:s29+$0x140];
	vm0 =	veq.s32 v36, v0;
	v5 =	vbroadcast v5, $0x0;
	(xrf1) =	vsort.dscd.msk.f32 $0xffff, v19, v0;
	[tilespmem:s26+$0x8110] =	vst v31;
	v9 =	vmovc v21  }
0x54: {  	v16 =	vmov v17;
	v15 =	vmov v20;
	v7 =	vld [tilespmem:s29+$0x0];
	v31 =	vnsel vm0, $0x0, v6;
	_, v12, _ =	vpop (xrf1);
	[tilespmem:s26+$0x8040] =	vst v22  }
0x55: {  	v36 =	vand.u32 $0x7FFFFFFF, v9;
	v6 =	vld [tilespmem:s29+$0x60];
	v20 =	vbroadcast v12, $0x0;
	vm0 =	veq.s32 v5, v0;
	_, v17, _ =	vpop (xrf1);
	[tilespmem:s26+$0x8100] =	vst v28  }
0x56: {  	v19 =	vand.u32 $0x7FFFFFFF, v1;
	v12 =	vmov v23;
	v5 =	vld [tilespmem:s29+$0x100];
	v14 =	vnsel vm0, $0x0, v14;
	_, v21, _ =	vpop (xrf1);
	[tilespmem:s26+$0x8030] =	vst v32;
	s26 =	smov.u32 s25;
	s25 =	smov.u32 s29  }
0x57: {  	v22 =	vand.u32 $0x7FFFFFFF, v12;
	v37 =	vbroadcast v17, $0x0;
	v33 =	vld [tilespmem:s25+$0x50];
	(xrf1) =	vsort.dscd.msk.f32 $0xffff, v36, v0;
	[tilespmem:s26+$0x8140] =	vst v14;
	_, v13, _ =	vpop (xrf1)  }
0x58: {  	v17 =	vbroadcast v21, $0x0;
	v36 =	vld [tilespmem:s25+$0x120];
	v28 =	vand.u32 $0x7FFFFFFF, v30;
	(xrf1) =	vsort.dscd.msk.f32 $0xffff, v22, v0;
	v32 =	vbroadcast v13, $0x0;
	_, v21, _ =	vpop (xrf1)  }
0x59: {  	vm0 =	veq.s32 v37, v0;
	v13 =	vld [tilespmem:s25+$0x40];
	v23 =	vbroadcast v21, $0x0;
	[tilespmem:s26+$0x8170] =	vst v35;
	_, v35, _ =	vpop (xrf1);
	v14 =	vmov v30  }
0x5a: {  	v11 =	vnsel vm0, $0x0, v11;
	vm0 =	veq.s32 v17, v0;
	v22 =	vand.u32 $0x7FFFFFFF, v6;
	v21 =	vld [tilespmem:s25+$0x70];
	[tilespmem:s26+$0x8130] =	vst v34;
	_, v30, _ =	vpop (xrf1)  }
0x5b: {  	vm1 =	veq.s32 v20, v0;
	v34 =	vand.u32 $0x7FFFFFFF, v29;
	v39 =	vnsel vm0, $0x0, v2;
	v2 =	vmovc v27;
	v17 =	vld [tilespmem:s25+$0x10];
	(xrf1) =	vsort.dscd.msk.f32 $0xffff, v22, v0  }
0x5c: {  	v40 =	vnsel vm1, $0x0, v18;
	v37 =	vand.u32 $0x7FFFFFFF, v2;
	v38 =	vbroadcast v30, $0x0;
	v22 =	vld [tilespmem:s25+$0x20];
	[tilespmem:s26+$0x8160] =	vst v39;
	_, v20, _ =	vpop (xrf1)  }
0x5d: {  	v27 =	vand.u32 $0x7FFFFFFF, v7;
	v41 =	vand.u32 $0x7FFFFFFF, v36;
	(xrf1) =	vsort.dscd.msk.f32 $0xffff, v28, v0;
	[tilespmem:s26+$0x8120] =	vst v40;
	_, v18, _ =	vpop (xrf1)  }
0x5e: {  	vm1 =	veq.s32 v32, v0;
	v28 =	vbroadcast v20, $0x0;
	v18 =	vbroadcast v18, $0x0;
	[tilespmem:s26+$0x8150] =	vst v11;
	_, v32, _ =	vpop (xrf1)  }
0x5f: {  	v40 =	vand.u32 $0x7FFFFFFF, v33;
	v39 =	vand.u32 $0x7FFFFFFF, v13;
	v11 =	vmovc v29;
	(xrf1) =	vsort.dscd.msk.f32 $0xffff, v41, v0;
	[tilespmem:s26+$0x8060] =	vst v31  }
0x60: {  	v31 =	vand.u32 $0x7FFFFFFF, v21;
	v32 =	vbroadcast v32, $0x0;
	v20 =	vld [tilespmem:s25+$0x30];
	(xrf1) =	vsort.dscd.msk.f32 $0xffff, v34, v0;
	v34 =	vbroadcast v35, $0x0;
	_, v30, _ =	vpop (xrf1)  }
.Ltmp2:
0x61: {  	v29 =	vand.u32 $0x7FFFFFFF, v17;
	v35 =	vand.u32 $0x7FFFFFFF, v22;
	(xrf1) =	vsort.dscd.msk.f32 $0xffff, v37, v0;
	v30 =	vbroadcast v30, $0x0;
	_, v37, _ =	vpop (xrf1);
	(pc) =	sbr.rel @p0 .LBB2_3-.Ltmp2, $4  }
0x62: {  	vm0 =	veq.s32 v18, v0;
	(xrf1) =	vsort.dscd.msk.f32 $0xffff, v31, v0;
	vm2 =	veq.s32 v34, v0;
	v37 =	vbroadcast v37, $0x0  }
0x63: {  	v26 =	vnsel vm1, $0x0, v26;
	vm3 =	veq.s32 v38, v0;
	(xrf1) =	vsort.dscd.msk.f32 $0xffff, v39, v0;
	v31 =	vnsel vm2, $0x0, v3;
	v3 =	vmovc v33  }
0x64: {  	v25 =	vnsel vm3, $0x0, v25;
	v18 =	vmovc v36;
	(xrf1) =	vsort.dscd.msk.f32 $0xffff, v40, v0;
	[tilespmem:s26+$0x8070] =	vst v26;
	vm1 =	veq.s32 v37, v0  }
0x65: {  	v33 =	vand.u32 $0x7FFFFFFF, v20;
	(xrf1) =	vsort.dscd.msk.f32 $0xffff, v35, v0;
	_, v34, _ =	vpop (xrf1);
	[tilespmem:s26+$0x8050] =	vst v31;
	v31 =	vnsel vm1, $0x0, v24  }
0x66: {  	v24 =	vand.u32 $0x7FFFFFFF, v5  }
0x67: {  	(xrf1) =	vsort.dscd.msk.f32 $0xffff, v24, v0  }
0x68: {  	vm1 =	veq.s32 v32, v0;
	v16 =	vnsel vm0, $0x0, v16;
	(xrf1) =	vsort.dscd.msk.f32 $0xffff, v29, v0  }
0x69: {  	vm0 =	veq.s32 v23, v0;
	v8 =	vnsel vm1, $0x0, v8;
	(xrf1) =	vsort.dscd.msk.f32 $0xffff, v27, v0  }
0x6a: {  	vm1 =	veq.s32 v28, v0;
	[tilespmem:s26+$0x8000] =	vst v8;
	v8 =	vnsel vm0, $0x0, v10;
	(xrf1) =	vsort.dscd.msk.f32 $0xffff, v33, v0;
	_, v24, _ =	vpop (xrf1)  }
0x6b: {  	v4 =	vnsel vm1, $0x0, v4;
	(xrf1) =	vsort.dscd.msk.f32 $0xffff, v19, v0;
	_, v19, _ =	vpop (xrf1)  }
0x6c: {  	[tilespmem:s26+$0x8010] =	vst v16;
	_, v16, _ =	vpop (xrf1)  }
0x6d: {  	v10 =	vbroadcast v16, $0x0;
	_, v16, _ =	vpop (xrf1)  }
0x6e: {  	v23 =	vbroadcast v34, $0x0;
	vm0 =	veq.s32 v30, v0;
	[tilespmem:s26+$0x8040] =	vst v8;
	_, v8, _ =	vpop (xrf1)  }
0x6f: {  	v15 =	vnsel vm0, $0x0, v15;
	[tilespmem:s26+$0x8100] =	vst v4;
	v24 =	vbroadcast v24, $0x0;
	vm0 =	veq.s32 v10, v0;
	_, v4, _ =	vpop (xrf1)  }
0x70: {  	vm1 =	veq.s32 v23, v0;
	v10 =	vnsel vm0, $0x0, v14;
	v4 =	vbroadcast v4, $0x0  }
0x71: {  	v9 =	vnsel vm1, $0x0, v9;
	[tilespmem:s26+$0x8030] =	vst v15;
	v15 =	vbroadcast v16, $0x0;
	vm0 =	veq.s32 v24, v0  }
0x72: {  	[tilespmem:s26+$0x8020] =	vst v25;
	v8 =	vbroadcast v8, $0x0;
	v12 =	vnsel vm0, $0x0, v12;
	vm0 =	veq.s32 v4, v0  }
0x73: {  	[tilespmem:s26+$0x8110] =	vst v31;
	_, v14, _ =	vpop (xrf1);
	vm1 =	veq.s32 v15, v0;
	v4 =	vbroadcast v19, $0x0;
	v2 =	vnsel vm0, $0x0, v2  }
0x74: {  	[tilespmem:s25+$0x8140] =	vst v10;
	vm0 =	veq.s32 v8, v0;
	v8 =	vnsel vm1, $0x0, v18;
	_, v10, _ =	vpop (xrf1)  }
0x75: {  	[tilespmem:s25+$0x8170] =	vst v9;
	vm1 =	veq.s32 v4, v0;
	v4 =	vnsel vm0, $0x0, v11;
	_, v9, _ =	vpop (xrf1)  }
0x76: {  	[tilespmem:s25+$0x8130] =	vst v12;
	v6 =	vnsel vm1, $0x0, v6;
	_, v12, _ =	vpop (xrf1)  }
0x77: {  	v14 =	vbroadcast v14, $0x0;
	[tilespmem:s25+$0x8160] =	vst v2;
	_, v2, _ =	vpop (xrf1)  }
0x78: {  	[tilespmem:s25+$0x8120] =	vst v8;
	v9 =	vbroadcast v9, $0x0;
	_, v8, _ =	vpop (xrf1)  }
0x79: {  	vm0 =	veq.s32 v14, v0;
	[tilespmem:s25+$0x8150] =	vst v4;
	v11 =	vbroadcast v12, $0x0;
	_, v4, _ =	vpop (xrf1)  }
0x7a: {  	[tilespmem:s25+$0x8060] =	vst v6;
	vm1 =	veq.s32 v9, v0;
	v9 =	vnsel vm0, $0x0, v21;
	v8 =	vbroadcast v8, $0x0;
	_, v6, _ =	vpop (xrf1)  }
0x7b: {  	vm0 =	veq.s32 v11, v0;
	v3 =	vnsel vm1, $0x0, v3;
	[tilespmem:s25+$0x8070] =	vst v9;
	v4 =	vbroadcast v4, $0x0;
	_, v12, _ =	vpop (xrf1)  }
0x7c: {  	v9 =	vnsel vm0, $0x0, v22;
	[tilespmem:s25+$0x8050] =	vst v3;
	vm1 =	veq.s32 v8, v0;
	v8 =	vbroadcast v12, $0x0  }
0x7d: {  	v3 =	vbroadcast v10, $0x0;
	[tilespmem:s25+$0x8020] =	vst v9;
	vm0 =	veq.s32 v4, v0;
	v4 =	vnsel vm1, $0x0, v17  }
0x7e: {  	v2 =	vbroadcast v2, $0x0;
	v7 =	vnsel vm0, $0x0, v7;
	[tilespmem:s25+$0x8010] =	vst v4;
	vm1 =	veq.s32 v8, v0  }
0x7f: {  	v4 =	vbroadcast v6, $0x0;
	vm0 =	veq.s32 v3, v0;
	[tilespmem:s25+$0x8000] =	vst v7;
	v1 =	vnsel vm1, $0x0, v1  }
0x80: {  	vm1 =	veq.s32 v2, v0;
	v2 =	vnsel vm0, $0x0, v13;
	[tilespmem:s25+$0x8110] =	vst v1  }
0x81: {  	vm0 =	veq.s32 v4, v0;
	v1 =	vnsel vm1, $0x0, v5;
	[tilespmem:s25+$0x8040] =	vst v2  }
0x82: {  	v2 =	vnsel vm0, $0x0, v20;
	[tilespmem:s25+$0x8100] =	vst v1  }
0x83: {  	[tilespmem:s25+$0x8030] =	vst v2  }
0x84: {  	v13 =	vld [tilespmem:s23+$0x1F0]  }
0x85: {  	v17 =	vld [tilespmem:s23+$0x1B0]  }
0x86: {  	v19 =	vld [tilespmem:s23+$0xE0]  }
0x87: {  	v4 =	vld [tilespmem:s23+$0x1C0];
	_ =	sdelay $0x1  }
0x88: {  	v1 =	vand.u32 $0x7FFFFFFF, v13  }
0x89: {  	v20 =	vld [tilespmem:s23+$0x1E0];
	v2 =	vand.u32 $0x7FFFFFFF, v17;
	(xrf1) =	vsort.dscd.msk.f32 $0xffff, v1, v0  }
0x8a: {  	v25 =	vld [tilespmem:s23+$0x1A0];
	v1 =	vand.u32 $0x7FFFFFFF, v19;
	(xrf1) =	vsort.dscd.msk.f32 $0xffff, v2, v0  }
0x8b: {  	v22 =	vld [tilespmem:s23+$0x1D0];
	v2 =	vand.u32 $0x7FFFFFFF, v4;
	(xrf1) =	vsort.dscd.msk.f32 $0xffff, v1, v0  }
0x8c: {  	v26 =	vld [tilespmem:s23+$0xF0];
	(xrf1) =	vsort.dscd.msk.f32 $0xffff, v2, v0  }
0x8d: {  	v10 =	vld [tilespmem:s23+$0xC0]  }
0x8e: {  	v31 =	vld [tilespmem:s23+$0xD0]  }
0x8f: {  	v1 =	vand.u32 $0x7FFFFFFF, v25  }
0x90: {  	v52 =	vld [tilespmem:s23+$0xA0];
	v2 =	vand.u32 $0x7FFFFFFF, v22;
	(xrf1) =	vsort.dscd.msk.f32 $0xffff, v1, v0  }
0x91: {  	v5 =	vld [tilespmem:s23+$0x180];
	v1 =	vand.u32 $0x7FFFFFFF, v20;
	(xrf1) =	vsort.dscd.msk.f32 $0xffff, v2, v0  }
0x92: {  	v16 =	vld [tilespmem:s23+$0x90];
	v2 =	vand.u32 $0x7FFFFFFF, v26;
	(xrf1) =	vsort.dscd.msk.f32 $0xffff, v1, v0  }
0x93: {  	v8 =	vld [tilespmem:s23+$0x80];
	v1 =	vand.u32 $0x7FFFFFFF, v10;
	(xrf1) =	vsort.dscd.msk.f32 $0xffff, v2, v0;
	v2 =	vand.u32 $0x7FFFFFFF, v31  }
0x94: {  	(xrf1) =	vsort.dscd.msk.f32 $0xffff, v1, v0  }
0x95: {  	v24 =	vld [tilespmem:s23+$0x190];
	v3 =	vand.u32 $0x7FFFFFFF, v52;
	(xrf1) =	vsort.dscd.msk.f32 $0xffff, v2, v0  }
0x96: {  	v15 =	vld [tilespmem:s23+$0xB0];
	v6 =	vand.u32 $0x7FFFFFFF, v5;
	(xrf1) =	vsort.dscd.msk.f32 $0xffff, v3, v0  }
0x97: {  	v9 =	vld [tilespmem:s24+$0x1F0];
	v7 =	vand.u32 $0x7FFFFFFF, v16;
	(xrf1) =	vsort.dscd.msk.f32 $0xffff, v6, v0;
	_, v2, _ =	vpop (xrf1)  }
0x98: {  	v12 =	vld [tilespmem:s24+$0x1B0];
	v23 =	vand.u32 $0x7FFFFFFF, v8;
	_, v18, _ =	vpop (xrf1);
	(xrf1) =	vsort.dscd.msk.f32 $0xffff, v7, v0  }
0x99: {  	v11 =	vld [tilespmem:s24+$0x1D0];
	_, v21, _ =	vpop (xrf1);
	(xrf1) =	vsort.dscd.msk.f32 $0xffff, v23, v0;
	v23 =	vbroadcast v2, $0x0  }
0x9a: {  	v14 =	vld [tilespmem:s24+$0x1C0];
	_, v6, _ =	vpop (xrf1);
	v21 =	vbroadcast v21, $0x0  }
0x9b: {  	v1 =	vld [tilespmem:s24+$0x190];
	v27 =	vbroadcast v6, $0x0  }
0x9c: {  	v29 =	vand.u32 $0x7FFFFFFF, v15;
	v3 =	vld [tilespmem:s24+$0x1E0];
	v18 =	vbroadcast v18, $0x0  }
0x9d: {  	v28 =	vand.u32 $0x7FFFFFFF, v24;
	v7 =	vld [tilespmem:s24+$0x80];
	(xrf1) =	vsort.dscd.msk.f32 $0xffff, v29, v0;
	vm0 =	veq.s32 v27, v0  }
0x9e: {  	v2 =	vld [tilespmem:s24+$0x180];
	(xrf1) =	vsort.dscd.msk.f32 $0xffff, v28, v0;
	vm1 =	veq.s32 v23, v0;
	v27 =	vnsel vm0, $0x0, v4;
	vm0 =	veq.s32 v18, v0;
	_, v23, _ =	vpop (xrf1)  }
0x9f: {  	v6 =	vld [tilespmem:s24+$0xE0];
	v28 =	vand.u32 $0x7FFFFFFF, v9;
	v17 =	vnsel vm0, $0x0, v17;
	vm0 =	veq.s32 v21, v0;
	_, v21, _ =	vpop (xrf1)  }
0xa0: {  	v4 =	vld [tilespmem:s24+$0xD0];
	[tilespmem:s23+$0x81C0] =	vst v27;
	v30 =	vbroadcast v23, $0x0;
	_, v23, _ =	vpop (xrf1);
	(xrf1) =	vsort.dscd.msk.f32 $0xffff, v28, v0;
	v28 =	vbroadcast v21, $0x0  }
0xa1: {  	v27 =	vnsel vm1, $0x0, v13;
	v18 =	vld [tilespmem:s24+$0x1A0];
	v35 =	vbroadcast v23, $0x0  }
0xa2: {  	v29 =	vnsel vm0, $0x0, v19;
	v13 =	vld [tilespmem:s24+$0xC0];
	[tilespmem:s23+$0x81F0] =	vst v27;
	v27 =	vand.u32 $0x7FFFFFFF, v12;
	vm0 =	veq.s32 v28, v0  }
0xa3: {  	(xrf1) =	vsort.dscd.msk.f32 $0xffff, v27, v0;
	v37 =	vnsel vm0, $0x0, v22;
	vm0 =	veq.s32 v35, v0  }
0xa4: {  	_, v53, _ =	vpop (xrf1);
	v21 =	vld [tilespmem:s24+$0xF0];
	[tilespmem:s23+$0x81B0] =	vst v17;
	vm1 =	veq.s32 v30, v0;
	v20 =	vnsel vm0, $0x0, v20  }
0xa5: {  	v54 =	vand.u32 $0x7FFFFFFF, v14;
	v55 =	vand.u32 $0x7FFFFFFF, v11;
	_, v23, _ =	vpop (xrf1);
	v17 =	vld [tilespmem:s24+$0x90];
	v25 =	vnsel vm1, $0x0, v25  }
0xa6: {  	v19 =	vand.u32 $0x7FFFFFFF, v1;
	v27 =	vand.u32 $0x7FFFFFFF, v6;
	v30 =	vand.u32 $0x7FFFFFFF, v3;
	_, v36, _ =	vpop (xrf1);
	v22 =	vld [tilespmem:s24+$0xA0];
	[tilespmem:s23+$0x81A0] =	vst v25  }
0xa7: {  	v32 =	vbroadcast v53, $0x0;
	(xrf1) =	vsort.dscd.msk.f32 $0xffff, v27, v0;
	v27 =	vand.u32 $0x7FFFFFFF, v7;
	[tilespmem:s23+$0x80E0] =	vst v29;
	_, v28, _ =	vpop (xrf1)  }
0xa8: {  	v23 =	vbroadcast v23, $0x0;
	(xrf1) =	vsort.dscd.msk.f32 $0xffff, v54, v0;
	v58 =	vand.u32 $0x7FFFFFFF, v4;
	[tilespmem:s23+$0x81E0] =	vst v20;
	_, v20, _ =	vpop (xrf1)  }
0xa9: {  	vm1 =	veq.s32 v32, v0;
	[tilespmem:s23+$0x81D0] =	vst v37;
	v60 =	vbroadcast v36, $0x0;
	v39 =	vand.u32 $0x7FFFFFFF, v18;
	_, v25, _ =	vpop (xrf1)  }
0xaa: {  	v57 =	vand.u32 $0x7FFFFFFF, v13;
	v26 =	vnsel vm1, $0x0, v26;
	v38 =	vbroadcast v28, $0x0;
	(xrf1) =	vsort.dscd.msk.f32 $0xffff, v39, v0;
	_, v56, _ =	vpop (xrf1)  }
0xab: {  	v59 =	vand.u32 $0x7FFFFFFF, v21;
	vm2 =	veq.s32 v60, v0;
	(xrf1) =	vsort.dscd.msk.f32 $0xffff, v55, v0;
	v28 =	vbroadcast v20, $0x0;
	v20 =	vld [tilespmem:s24+$0xB0];
	_, v61, _ =	vpop (xrf1)  }
0xac: {  	v29 =	vand.u32 $0x7FFFFFFF, v17;
	v31 =	vnsel vm2, $0x0, v31;
	v40 =	vand.u32 $0x7FFFFFFF, v22;
	(xrf1) =	vsort.dscd.msk.f32 $0xffff, v30, v0;
	_, v62, _ =	vpop (xrf1)  }
0xad: {  	[tilespmem:s23+$0x80F0] =	vst v26;
	v25 =	vbroadcast v25, $0x0;
	(xrf1) =	vsort.dscd.msk.f32 $0xffff, v59, v0;
	v63 =	vbroadcast v62, $0x0  }
0xae: {  	vm3 =	veq.s32 v38, v0;
	[tilespmem:s23+$0x80D0] =	vst v31;
	v32 =	vbroadcast v56, $0x0;
	(xrf1) =	vsort.dscd.msk.f32 $0xffff, v57, v0  }
0xaf: {  	v30 =	vbroadcast v61, $0x0;
	vm0 =	veq.s32 v25, v0;
	(xrf1) =	vsort.dscd.msk.f32 $0xffff, v58, v0;
	vm1 =	veq.s32 v63, v0  }
0xb0: {  	s25 =	simm.s32 $0x1000;
	v25 =	vnsel vm3, $0x0, v52;
	v33 =	vand.u32 $0x7FFFFFFF, v20;
	(xrf1) =	vsort.dscd.msk.f32 $0xffff, v40, v0;
	_, v34, _ =	vpop (xrf1);
	v31 =	vnsel vm1, $0x0, v24  }
.LBB2_5:
0xb1: {  	_, v36, _ =	vpop (xrf1);
	vm1 =	veq.s32 v32, v0  }
0xb2: {  	s26 =	sshra.s32 s25, $0x2;
	p0 =	sne.s32 s25, $0xF800;
	s25 =	sadd.s32 $0x800, s25;
	v35 =	vand.u32 $0x7FFFFFFF, v2;
	[tilespmem:s23+$0x80A0] =	vst v25;
	vm2 =	veq.s32 v30, v0;
	v24 =	vmovc v1;
	v26 =	vmovc v21;
	v25 =	vmov v22  }
0xb3: {  	v21 =	vld [tilespmem:s26+$0x1F0];
	v22 =	vbroadcast v36, $0x0;
	(xrf1) =	vsort.dscd.msk.f32 $0xffff, v35, v0;
	v30 =	vnsel vm1, $0x0, v8;
	v32 =	vnsel vm2, $0x0, v15;
	v8 =	vmovc v7  }
0xb4: {  	v7 =	vbroadcast v34, $0x0;
	vm1 =	veq.s32 v23, v0;
	vm2 =	veq.s32 v28, v0;
	v1 =	vld [tilespmem:s26+$0x190];
	(xrf1) =	vsort.dscd.msk.f32 $0xffff, v29, v0  }
0xb5: {  	v16 =	vnsel vm0, $0x0, v16;
	v23 =	vld [tilespmem:s26+$0x1B0];
	vm3 =	veq.s32 v22, v0;
	(xrf1) =	vsort.dscd.msk.f32 $0xffff, v27, v0;
	_, v15, _ =	vpop (xrf1);
	v22 =	vnsel vm1, $0x0, v10  }
0xb6: {  	v28 =	vnsel vm2, $0x0, v5;
	v5 =	vmovc v2;
	vm0 =	veq.s32 v7, v0;
	v10 =	vmovc v13;
	v27 =	vld [tilespmem:s26+$0x1E0];
	v36 =	vbroadcast v15, $0x0;
	[tilespmem:s23+$0x8090] =	vst v16  }
0xb7: {  	v34 =	vnsel vm3, $0x0, v12;
	v35 =	vnsel vm0, $0x0, v9;
	v29 =	vld [tilespmem:s26+$0x1D0];
	(xrf1) =	vsort.dscd.msk.f32 $0xffff, v33, v0;
	_, v2, _ =	vpop (xrf1);
	[tilespmem:s23+$0x8080] =	vst v30  }
0xb8: {  	v30 =	vld [tilespmem:s26+$0x1C0];
	vm0 =	veq.s32 v36, v0;
	v2 =	vbroadcast v2, $0x0;
	(xrf1) =	vsort.dscd.msk.f32 $0xffff, v19, v0;
	[tilespmem:s23+$0x8190] =	vst v31;
	v9 =	vmovc v21  }
0xb9: {  	v16 =	vmov v17;
	v15 =	vmov v20;
	v7 =	vld [tilespmem:s26+$0x80];
	v31 =	vnsel vm0, $0x0, v6;
	_, v12, _ =	vpop (xrf1);
	[tilespmem:s23+$0x80C0] =	vst v22  }
0xba: {  	v36 =	vand.u32 $0x7FFFFFFF, v9;
	v6 =	vld [tilespmem:s26+$0xE0];
	v20 =	vbroadcast v12, $0x0;
	vm0 =	veq.s32 v2, v0;
	_, v17, _ =	vpop (xrf1);
	[tilespmem:s23+$0x8180] =	vst v28  }
0xbb: {  	v19 =	vand.u32 $0x7FFFFFFF, v1;
	v12 =	vmov v23;
	v2 =	vld [tilespmem:s26+$0x180];
	v14 =	vnsel vm0, $0x0, v14;
	_, v21, _ =	vpop (xrf1);
	[tilespmem:s23+$0x80B0] =	vst v32;
	s23 =	smov.u32 s24;
	s24 =	smov.u32 s26  }
0xbc: {  	v22 =	vand.u32 $0x7FFFFFFF, v12;
	v37 =	vbroadcast v17, $0x0;
	v33 =	vld [tilespmem:s24+$0xD0];
	(xrf1) =	vsort.dscd.msk.f32 $0xffff, v36, v0;
	[tilespmem:s23+$0x81C0] =	vst v14;
	_, v13, _ =	vpop (xrf1)  }
0xbd: {  	v17 =	vbroadcast v21, $0x0;
	v36 =	vld [tilespmem:s24+$0x1A0];
	v28 =	vand.u32 $0x7FFFFFFF, v30;
	(xrf1) =	vsort.dscd.msk.f32 $0xffff, v22, v0;
	v32 =	vbroadcast v13, $0x0;
	_, v21, _ =	vpop (xrf1)  }
0xbe: {  	vm0 =	veq.s32 v37, v0;
	v13 =	vld [tilespmem:s24+$0xC0];
	v23 =	vbroadcast v21, $0x0;
	[tilespmem:s23+$0x81F0] =	vst v35;
	_, v35, _ =	vpop (xrf1);
	v14 =	vmov v30  }
0xbf: {  	v11 =	vnsel vm0, $0x0, v11;
	vm0 =	veq.s32 v17, v0;
	v22 =	vand.u32 $0x7FFFFFFF, v6;
	v21 =	vld [tilespmem:s24+$0xF0];
	[tilespmem:s23+$0x81B0] =	vst v34;
	_, v30, _ =	vpop (xrf1)  }
0xc0: {  	vm1 =	veq.s32 v20, v0;
	v34 =	vand.u32 $0x7FFFFFFF, v29;
	v39 =	vnsel vm0, $0x0, v3;
	v3 =	vmovc v27;
	v17 =	vld [tilespmem:s24+$0x90];
	(xrf1) =	vsort.dscd.msk.f32 $0xffff, v22, v0  }
0xc1: {  	v40 =	vnsel vm1, $0x0, v18;
	v37 =	vand.u32 $0x7FFFFFFF, v3;
	v38 =	vbroadcast v30, $0x0;
	v22 =	vld [tilespmem:s24+$0xA0];
	[tilespmem:s23+$0x81E0] =	vst v39;
	_, v20, _ =	vpop (xrf1)  }
0xc2: {  	v27 =	vand.u32 $0x7FFFFFFF, v7;
	v41 =	vand.u32 $0x7FFFFFFF, v36;
	(xrf1) =	vsort.dscd.msk.f32 $0xffff, v28, v0;
	[tilespmem:s23+$0x81A0] =	vst v40;
	_, v18, _ =	vpop (xrf1)  }
0xc3: {  	vm1 =	veq.s32 v32, v0;
	v28 =	vbroadcast v20, $0x0;
	v18 =	vbroadcast v18, $0x0;
	[tilespmem:s23+$0x81D0] =	vst v11;
	_, v32, _ =	vpop (xrf1)  }
0xc4: {  	v40 =	vand.u32 $0x7FFFFFFF, v33;
	v39 =	vand.u32 $0x7FFFFFFF, v13;
	v11 =	vmovc v29;
	(xrf1) =	vsort.dscd.msk.f32 $0xffff, v41, v0;
	[tilespmem:s23+$0x80E0] =	vst v31  }
0xc5: {  	v31 =	vand.u32 $0x7FFFFFFF, v21;
	v32 =	vbroadcast v32, $0x0;
	v20 =	vld [tilespmem:s24+$0xB0];
	(xrf1) =	vsort.dscd.msk.f32 $0xffff, v34, v0;
	v34 =	vbroadcast v35, $0x0;
	_, v30, _ =	vpop (xrf1)  }
.Ltmp3:
0xc6: {  	v29 =	vand.u32 $0x7FFFFFFF, v17;
	v35 =	vand.u32 $0x7FFFFFFF, v22;
	(xrf1) =	vsort.dscd.msk.f32 $0xffff, v37, v0;
	v30 =	vbroadcast v30, $0x0;
	_, v37, _ =	vpop (xrf1);
	(pc) =	sbr.rel @p0 .LBB2_5-.Ltmp3, $4  }
0xc7: {  	vm0 =	veq.s32 v18, v0;
	(xrf1) =	vsort.dscd.msk.f32 $0xffff, v31, v0;
	vm2 =	veq.s32 v34, v0;
	v37 =	vbroadcast v37, $0x0  }
0xc8: {  	v26 =	vnsel vm1, $0x0, v26;
	vm3 =	veq.s32 v38, v0;
	(xrf1) =	vsort.dscd.msk.f32 $0xffff, v39, v0;
	v31 =	vnsel vm2, $0x0, v4;
	v4 =	vmovc v33  }
0xc9: {  	v25 =	vnsel vm3, $0x0, v25;
	v18 =	vmovc v36;
	(xrf1) =	vsort.dscd.msk.f32 $0xffff, v40, v0;
	[tilespmem:s23+$0x80F0] =	vst v26;
	vm1 =	veq.s32 v37, v0  }
0xca: {  	v33 =	vand.u32 $0x7FFFFFFF, v20;
	(xrf1) =	vsort.dscd.msk.f32 $0xffff, v35, v0;
	_, v34, _ =	vpop (xrf1);
	[tilespmem:s23+$0x80D0] =	vst v31;
	v31 =	vnsel vm1, $0x0, v24  }
0xcb: {  	v24 =	vand.u32 $0x7FFFFFFF, v2  }
0xcc: {  	(xrf1) =	vsort.dscd.msk.f32 $0xffff, v24, v0  }
0xcd: {  	vm1 =	veq.s32 v32, v0;
	v16 =	vnsel vm0, $0x0, v16;
	(xrf1) =	vsort.dscd.msk.f32 $0xffff, v29, v0  }
0xce: {  	vm0 =	veq.s32 v23, v0;
	v8 =	vnsel vm1, $0x0, v8;
	(xrf1) =	vsort.dscd.msk.f32 $0xffff, v27, v0  }
0xcf: {  	vm1 =	veq.s32 v28, v0;
	[tilespmem:s23+$0x8080] =	vst v8;
	v8 =	vnsel vm0, $0x0, v10;
	(xrf1) =	vsort.dscd.msk.f32 $0xffff, v33, v0;
	_, v24, _ =	vpop (xrf1)  }
0xd0: {  	v5 =	vnsel vm1, $0x0, v5;
	(xrf1) =	vsort.dscd.msk.f32 $0xffff, v19, v0;
	_, v19, _ =	vpop (xrf1)  }
0xd1: {  	[tilespmem:s23+$0x8090] =	vst v16;
	_, v16, _ =	vpop (xrf1)  }
0xd2: {  	v10 =	vbroadcast v16, $0x0;
	_, v16, _ =	vpop (xrf1)  }
0xd3: {  	v23 =	vbroadcast v34, $0x0;
	vm0 =	veq.s32 v30, v0;
	[tilespmem:s23+$0x80C0] =	vst v8;
	_, v8, _ =	vpop (xrf1)  }
0xd4: {  	v15 =	vnsel vm0, $0x0, v15;
	[tilespmem:s23+$0x8180] =	vst v5;
	v24 =	vbroadcast v24, $0x0;
	vm0 =	veq.s32 v10, v0;
	_, v5, _ =	vpop (xrf1)  }
0xd5: {  	vm1 =	veq.s32 v23, v0;
	v10 =	vnsel vm0, $0x0, v14;
	v5 =	vbroadcast v5, $0x0  }
0xd6: {  	v9 =	vnsel vm1, $0x0, v9;
	[tilespmem:s23+$0x80B0] =	vst v15;
	v15 =	vbroadcast v16, $0x0;
	vm0 =	veq.s32 v24, v0  }
0xd7: {  	[tilespmem:s23+$0x80A0] =	vst v25;
	v8 =	vbroadcast v8, $0x0;
	v12 =	vnsel vm0, $0x0, v12;
	vm0 =	veq.s32 v5, v0  }
0xd8: {  	[tilespmem:s23+$0x8190] =	vst v31;
	_, v14, _ =	vpop (xrf1);
	vm1 =	veq.s32 v15, v0;
	v5 =	vbroadcast v19, $0x0;
	v3 =	vnsel vm0, $0x0, v3  }
0xd9: {  	[tilespmem:s24+$0x81C0] =	vst v10;
	vm0 =	veq.s32 v8, v0;
	v8 =	vnsel vm1, $0x0, v18;
	_, v10, _ =	vpop (xrf1)  }
0xda: {  	[tilespmem:s24+$0x81F0] =	vst v9;
	vm1 =	veq.s32 v5, v0;
	v5 =	vnsel vm0, $0x0, v11;
	_, v9, _ =	vpop (xrf1)  }
0xdb: {  	[tilespmem:s24+$0x81B0] =	vst v12;
	v6 =	vnsel vm1, $0x0, v6;
	_, v12, _ =	vpop (xrf1)  }
0xdc: {  	v14 =	vbroadcast v14, $0x0;
	[tilespmem:s24+$0x81E0] =	vst v3;
	_, v3, _ =	vpop (xrf1)  }
0xdd: {  	[tilespmem:s24+$0x81A0] =	vst v8;
	v9 =	vbroadcast v9, $0x0;
	_, v8, _ =	vpop (xrf1)  }
0xde: {  	vm0 =	veq.s32 v14, v0;
	[tilespmem:s24+$0x81D0] =	vst v5;
	v11 =	vbroadcast v12, $0x0;
	_, v5, _ =	vpop (xrf1)  }
0xdf: {  	[tilespmem:s24+$0x80E0] =	vst v6;
	vm1 =	veq.s32 v9, v0;
	v9 =	vnsel vm0, $0x0, v21;
	v8 =	vbroadcast v8, $0x0;
	_, v6, _ =	vpop (xrf1)  }
0xe0: {  	vm0 =	veq.s32 v11, v0;
	v4 =	vnsel vm1, $0x0, v4;
	[tilespmem:s24+$0x80F0] =	vst v9;
	v5 =	vbroadcast v5, $0x0;
	_, v12, _ =	vpop (xrf1)  }
0xe1: {  	v9 =	vnsel vm0, $0x0, v22;
	[tilespmem:s24+$0x80D0] =	vst v4;
	vm1 =	veq.s32 v8, v0;
	v8 =	vbroadcast v12, $0x0  }
0xe2: {  	v4 =	vbroadcast v10, $0x0;
	[tilespmem:s24+$0x80A0] =	vst v9;
	vm0 =	veq.s32 v5, v0;
	v5 =	vnsel vm1, $0x0, v17  }
0xe3: {  	s26 =	sshll.u32 s21, $0xF;
	v3 =	vbroadcast v3, $0x0;
	v7 =	vnsel vm0, $0x0, v7;
	[tilespmem:s24+$0x8090] =	vst v5;
	vm1 =	veq.s32 v8, v0  }
0xe4: {  	s30 =	sshll.u32 s21, $0x9;
	s25 =	sand.u32 $0xF0000, s26;
	v5 =	vbroadcast v6, $0x0;
	vm0 =	veq.s32 v4, v0;
	[tilespmem:s24+$0x8080] =	vst v7;
	v1 =	vnsel vm1, $0x0, v1  }
0xe5: {  	s25 =	sor.u32 s6, s25;
	s23 =	sand.u32 $0x200, s30;
	vm1 =	veq.s32 v3, v0;
	v3 =	vnsel vm0, $0x0, v13;
	[tilespmem:s24+$0x8190] =	vst v1  }
0xe6: {  	s25 =	sor.u32 s23, s25;
	vm0 =	veq.s32 v5, v0;
	v1 =	vnsel vm1, $0x0, v2;
	[tilespmem:s24+$0x80C0] =	vst v3  }
0xe7: {  	p0 =	seq.s32 s21, $0x1F;
	s25 =	sshrl.u32 s25, $0x3;
	v2 =	vnsel vm0, $0x0, v20;
	[tilespmem:s24+$0x8180] =	vst v1  }
0xe8: {  	s31 =	sadd.s32 s3, s25;
	[tilespmem:s24+$0x80B0] =	vst v2;
	s24 =	sadd.s32 @!p0 $0x4, s22  }
0xe9: {  	[hbm4b:s31+s11] =	stream.strided.scatter [tilespmem:s15], [sflag:$0x3], $0x4000, s12, s11, $0x38;
	[tilespmem:$0x10000] =	vst v63  }
0xea: {  	s25 =	sadd.s32 @!p0 s7, s24  }
0xeb: {  	s25 =	sshll.u32 @!p0 s25, $0xD  }
0xec: {  	s24 =	sshll.u32 @!p0 s24, $0x7;
	s25 =	sand.u32 @!p0 $0xFF0000, s25  }
0xed: {  	s24 =	sand.u32 @!p0 $0x200, s24;
	s25 =	sadd.s32 @!p0 s5, s25  }
0xee: {  	p1 =	seq.s32 @!p0 s21, $0x0;
	s24 =	sor.u32 @!p0 s24, s25  }
0xef: {  	s26 =	simm.s32 @!p0 $0x400;
	s28 =	simm.s32 @!p0 $0x0;
	s24 =	sshrl.u32 @!p0 s24, $0x3  }
0xf0: {  	p1 =	por p0, !p1;
	s25 =	simm.s32 @!p0 $0x100;
	s24 =	sadd.s32 @!p0 s2, s24  }
0xf1: {  	[tilespmem:s28], [sflag:$0x1] =	stream.strided.gather @!p0 [hbm4b:s24+s25], $0x4000, s26, s25, $0x38;
	[tilespmem:$0x10000] =	vst v63  }
0xf2: {  	_ =	swait.ge @p1 [sflag:s19], $0x4000  }
0xf3: {  	[sflag:s19] =	ssyncset.done @p1 $0x0  }
0xf4: {  	[sflag:s19] =	ssyncadd.s32 @p1 $0xFFFFC000  }
0xf5: {  	_ =	swait.ge [sflag:s16], $0x4000  }
0xf6: {  	[sflag:s16] =	ssyncset.done $0x0  }
0xf7: {  	s25 =	simm.s32 $0x0;
	[sflag:s16] =	ssyncadd.s32 $0xFFFFC000  }
0xf8: {  	v13 =	vld [tilespmem:s25+$0x4170]  }
0xf9: {  	v17 =	vld [tilespmem:s25+$0x4130]  }
0xfa: {  	v19 =	vld [tilespmem:s25+$0x4060]  }
0xfb: {  	v3 =	vld [tilespmem:s25+$0x4140];
	_ =	sdelay $0x1  }
0xfc: {  	v1 =	vand.u32 $0x7FFFFFFF, v13  }
0xfd: {  	v2 =	vand.u32 $0x7FFFFFFF, v17;
	(xrf1) =	vsort.dscd.msk.f32 $0xffff, v1, v0  }
0xfe: {  	v26 =	vld [tilespmem:s25+$0x4120];
	v1 =	vand.u32 $0x7FFFFFFF, v19;
	(xrf1) =	vsort.dscd.msk.f32 $0xffff, v2, v0  }
0xff: {  	v22 =	vld [tilespmem:s25+$0x4150];
	v2 =	vand.u32 $0x7FFFFFFF, v3;
	(xrf1) =	vsort.dscd.msk.f32 $0xffff, v1, v0  }
0x100: {  	v20 =	vld [tilespmem:s25+$0x4160];
	(xrf1) =	vsort.dscd.msk.f32 $0xffff, v2, v0  }
0x101: {  	v25 =	vld [tilespmem:s25+$0x4070]  }
0x102: {  	v10 =	vld [tilespmem:s25+$0x4040]  }
0x103: {  	v31 =	vld [tilespmem:s25+$0x4050];
	v1 =	vand.u32 $0x7FFFFFFF, v26  }
0x104: {  	v51 =	vld [tilespmem:s25+$0x4020];
	v2 =	vand.u32 $0x7FFFFFFF, v22;
	(xrf1) =	vsort.dscd.msk.f32 $0xffff, v1, v0  }
0x105: {  	v4 =	vld [tilespmem:s25+$0x4100];
	v1 =	vand.u32 $0x7FFFFFFF, v20;
	(xrf1) =	vsort.dscd.msk.f32 $0xffff, v2, v0  }
0x106: {  	v2 =	vand.u32 $0x7FFFFFFF, v25;
	(xrf1) =	vsort.dscd.msk.f32 $0xffff, v1, v0  }
0x107: {  	v24 =	vld [tilespmem:s25+$0x4110];
	v1 =	vand.u32 $0x7FFFFFFF, v10;
	(xrf1) =	vsort.dscd.msk.f32 $0xffff, v2, v0  }
0x108: {  	v8 =	vld [tilespmem:s25+$0x4000];
	v2 =	vand.u32 $0x7FFFFFFF, v31;
	(xrf1) =	vsort.dscd.msk.f32 $0xffff, v1, v0  }
0x109: {  	v16 =	vld [tilespmem:s25+$0x4010];
	v5 =	vand.u32 $0x7FFFFFFF, v51;
	(xrf1) =	vsort.dscd.msk.f32 $0xffff, v2, v0  }
0x10a: {  	s24 =	simm.s32 $0x200;
	v15 =	vld [tilespmem:s25+$0x4030];
	(xrf1) =	vsort.dscd.msk.f32 $0xffff, v5, v0;
	v5 =	vand.u32 $0x7FFFFFFF, v4  }
0x10b: {  	v9 =	vld [tilespmem:s24+$0x4170];
	_, v18, _ =	vpop (xrf1)  }
0x10c: {  	v12 =	vld [tilespmem:s24+$0x4130];
	_, v21, _ =	vpop (xrf1)  }
0x10d: {  	v11 =	vld [tilespmem:s24+$0x4150];
	_, v23, _ =	vpop (xrf1);
	v21 =	vbroadcast v21, $0x0  }
0x10e: {  	v14 =	vld [tilespmem:s24+$0x4140];
	v6 =	vand.u32 $0x7FFFFFFF, v16;
	(xrf1) =	vsort.dscd.msk.f32 $0xffff, v5, v0;
	_, v5, _ =	vpop (xrf1);
	v23 =	vbroadcast v23, $0x0  }
0x10f: {  	v7 =	vld [tilespmem:s24+$0x4000];
	(xrf1) =	vsort.dscd.msk.f32 $0xffff, v6, v0;
	v6 =	vand.u32 $0x7FFFFFFF, v8;
	v5 =	vbroadcast v5, $0x0  }
0x110: {  	v28 =	vand.u32 $0x7FFFFFFF, v15;
	v1 =	vld [tilespmem:s24+$0x4110];
	v18 =	vbroadcast v18, $0x0;
	(xrf1) =	vsort.dscd.msk.f32 $0xffff, v6, v0  }
0x111: {  	v27 =	vand.u32 $0x7FFFFFFF, v24;
	v2 =	vld [tilespmem:s24+$0x4160];
	(xrf1) =	vsort.dscd.msk.f32 $0xffff, v28, v0;
	vm0 =	veq.s32 v5, v0  }
0x112: {  	v6 =	vld [tilespmem:s24+$0x4060];
	vm1 =	veq.s32 v18, v0;
	(xrf1) =	vsort.dscd.msk.f32 $0xffff, v27, v0;
	v27 =	vnsel vm0, $0x0, v3;
	vm0 =	veq.s32 v21, v0;
	_, v21, _ =	vpop (xrf1)  }
0x113: {  	v28 =	vand.u32 $0x7FFFFFFF, v9;
	v5 =	vld [tilespmem:s24+$0x4100];
	v17 =	vnsel vm0, $0x0, v17;
	vm0 =	veq.s32 v23, v0;
	_, v23, _ =	vpop (xrf1)  }
0x114: {  	v3 =	vld [tilespmem:s24+$0x4050];
	[tilespmem:s25+$0xC140] =	vst v27;
	v30 =	vbroadcast v21, $0x0;
	_, v21, _ =	vpop (xrf1);
	(xrf1) =	vsort.dscd.msk.f32 $0xffff, v28, v0;
	v28 =	vbroadcast v23, $0x0  }
0x115: {  	v27 =	vnsel vm1, $0x0, v13;
	v18 =	vld [tilespmem:s24+$0x4120];
	v53 =	vbroadcast v21, $0x0  }
0x116: {  	v29 =	vnsel vm0, $0x0, v19;
	v13 =	vld [tilespmem:s24+$0x4040];
	[tilespmem:s25+$0xC170] =	vst v27;
	v27 =	vand.u32 $0x7FFFFFFF, v12;
	vm0 =	veq.s32 v28, v0  }
0x117: {  	(xrf1) =	vsort.dscd.msk.f32 $0xffff, v27, v0;
	v37 =	vnsel vm0, $0x0, v22;
	vm0 =	veq.s32 v53, v0  }
0x118: {  	_, v23, _ =	vpop (xrf1);
	v21 =	vld [tilespmem:s24+$0x4070];
	[tilespmem:s25+$0xC130] =	vst v17;
	vm1 =	veq.s32 v30, v0;
	v20 =	vnsel vm0, $0x0, v20  }
0x119: {  	v52 =	vand.u32 $0x7FFFFFFF, v14;
	v55 =	vand.u32 $0x7FFFFFFF, v11;
	_, v35, _ =	vpop (xrf1);
	v17 =	vld [tilespmem:s24+$0x4010];
	v26 =	vnsel vm1, $0x0, v26  }
0x11a: {  	v19 =	vand.u32 $0x7FFFFFFF, v1;
	v27 =	vand.u32 $0x7FFFFFFF, v6;
	v30 =	vand.u32 $0x7FFFFFFF, v2;
	_, v54, _ =	vpop (xrf1);
	v22 =	vld [tilespmem:s24+$0x4020];
	[tilespmem:s25+$0xC120] =	vst v26  }
0x11b: {  	v36 =	vbroadcast v23, $0x0;
	(xrf1) =	vsort.dscd.msk.f32 $0xffff, v27, v0;
	v27 =	vand.u32 $0x7FFFFFFF, v7;
	[tilespmem:s25+$0xC060] =	vst v29;
	_, v28, _ =	vpop (xrf1)  }
0x11c: {  	v23 =	vbroadcast v35, $0x0;
	(xrf1) =	vsort.dscd.msk.f32 $0xffff, v52, v0;
	v58 =	vand.u32 $0x7FFFFFFF, v3;
	[tilespmem:s25+$0xC160] =	vst v20;
	_, v20, _ =	vpop (xrf1)  }
0x11d: {  	vm1 =	veq.s32 v36, v0;
	[tilespmem:s25+$0xC150] =	vst v37;
	v60 =	vbroadcast v54, $0x0;
	v39 =	vand.u32 $0x7FFFFFFF, v18;
	_, v26, _ =	vpop (xrf1)  }
0x11e: {  	v57 =	vand.u32 $0x7FFFFFFF, v13;
	v63 =	vnsel vm1, $0x0, v25;
	v38 =	vbroadcast v28, $0x0;
	(xrf1) =	vsort.dscd.msk.f32 $0xffff, v39, v0;
	_, v56, _ =	vpop (xrf1)  }
0x11f: {  	vm2 =	veq.s32 v60, v0;
	(xrf1) =	vsort.dscd.msk.f32 $0xffff, v55, v0;
	v28 =	vbroadcast v20, $0x0;
	v20 =	vld [tilespmem:s24+$0x4030];
	v26 =	vbroadcast v26, $0x0;
	_, v61, _ =	vpop (xrf1)  }
0x120: {  	v59 =	vand.u32 $0x7FFFFFFF, v21;
	v29 =	vand.u32 $0x7FFFFFFF, v17;
	v31 =	vnsel vm2, $0x0, v31;
	(xrf1) =	vsort.dscd.msk.f32 $0xffff, v30, v0;
	_, v62, _ =	vpop (xrf1)  }
0x121: {  	vm3 =	veq.s32 v38, v0;
	(xrf1) =	vsort.dscd.msk.f32 $0xffff, v59, v0;
	vm0 =	veq.s32 v26, v0;
	v26 =	vbroadcast v62, $0x0  }
0x122: {  	v40 =	vand.u32 $0x7FFFFFFF, v22;
	v25 =	vnsel vm3, $0x0, v51;
	[tilespmem:s25+$0xC070] =	vst v63;
	(xrf1) =	vsort.dscd.msk.f32 $0xffff, v57, v0  }
0x123: {  	[tilespmem:s25+$0xC050] =	vst v31;
	v32 =	vbroadcast v56, $0x0;
	(xrf1) =	vsort.dscd.msk.f32 $0xffff, v58, v0;
	vm1 =	veq.s32 v26, v0  }
0x124: {  	s29 =	simm.s32 $0x1000;
	s28 =	simm.s32 $0x0;
	s26 =	simm.s32 $0x200;
	v30 =	vbroadcast v61, $0x0;
	v33 =	vand.u32 $0x7FFFFFFF, v20;
	(xrf1) =	vsort.dscd.msk.f32 $0xffff, v40, v0;
	_, v34, _ =	vpop (xrf1);
	v31 =	vnsel vm1, $0x0, v24  }
.LBB2_7:
0x125: {  	_, v36, _ =	vpop (xrf1);
	vm1 =	veq.s32 v32, v0  }
0x126: {  	s30 =	sshra.s32 s29, $0x2;
	p1 =	sne.s32 s29, $0xF800;
	s29 =	sadd.s32 $0x800, s29;
	v35 =	vand.u32 $0x7FFFFFFF, v5;
	[tilespmem:s28+$0xC020] =	vst v25;
	vm2 =	veq.s32 v30, v0;
	v24 =	vmovc v1;
	v26 =	vmovc v21;
	v25 =	vmov v22  }
0x127: {  	v21 =	vld [tilespmem:s30+$0x4170];
	v22 =	vbroadcast v36, $0x0;
	(xrf1) =	vsort.dscd.msk.f32 $0xffff, v35, v0;
	v30 =	vnsel vm1, $0x0, v8;
	v32 =	vnsel vm2, $0x0, v15;
	v8 =	vmovc v7  }
0x128: {  	v7 =	vbroadcast v34, $0x0;
	vm1 =	veq.s32 v23, v0;
	vm2 =	veq.s32 v28, v0;
	v1 =	vld [tilespmem:s30+$0x4110];
	(xrf1) =	vsort.dscd.msk.f32 $0xffff, v29, v0  }
0x129: {  	v16 =	vnsel vm0, $0x0, v16;
	v23 =	vld [tilespmem:s30+$0x4130];
	vm3 =	veq.s32 v22, v0;
	(xrf1) =	vsort.dscd.msk.f32 $0xffff, v27, v0;
	_, v15, _ =	vpop (xrf1);
	v22 =	vnsel vm1, $0x0, v10  }
0x12a: {  	v28 =	vnsel vm2, $0x0, v4;
	v4 =	vmovc v5;
	vm0 =	veq.s32 v7, v0;
	v10 =	vmovc v13;
	v27 =	vld [tilespmem:s30+$0x4160];
	v36 =	vbroadcast v15, $0x0;
	[tilespmem:s28+$0xC010] =	vst v16  }
0x12b: {  	v34 =	vnsel vm3, $0x0, v12;
	v35 =	vnsel vm0, $0x0, v9;
	v29 =	vld [tilespmem:s30+$0x4150];
	(xrf1) =	vsort.dscd.msk.f32 $0xffff, v33, v0;
	_, v5, _ =	vpop (xrf1);
	[tilespmem:s28+$0xC000] =	vst v30  }
0x12c: {  	v30 =	vld [tilespmem:s30+$0x4140];
	vm0 =	veq.s32 v36, v0;
	v5 =	vbroadcast v5, $0x0;
	(xrf1) =	vsort.dscd.msk.f32 $0xffff, v19, v0;
	[tilespmem:s28+$0xC110] =	vst v31;
	v9 =	vmovc v21  }
0x12d: {  	v16 =	vmov v17;
	v15 =	vmov v20;
	v7 =	vld [tilespmem:s30+$0x4000];
	v31 =	vnsel vm0, $0x0, v6;
	_, v12, _ =	vpop (xrf1);
	[tilespmem:s28+$0xC040] =	vst v22  }
0x12e: {  	v36 =	vand.u32 $0x7FFFFFFF, v9;
	v6 =	vld [tilespmem:s30+$0x4060];
	v20 =	vbroadcast v12, $0x0;
	vm0 =	veq.s32 v5, v0;
	_, v17, _ =	vpop (xrf1);
	[tilespmem:s28+$0xC100] =	vst v28  }
0x12f: {  	v19 =	vand.u32 $0x7FFFFFFF, v1;
	v12 =	vmov v23;
	v5 =	vld [tilespmem:s30+$0x4100];
	v14 =	vnsel vm0, $0x0, v14;
	_, v21, _ =	vpop (xrf1);
	[tilespmem:s28+$0xC030] =	vst v32;
	s28 =	smov.u32 s26;
	s26 =	smov.u32 s30  }
0x130: {  	v22 =	vand.u32 $0x7FFFFFFF, v12;
	v37 =	vbroadcast v17, $0x0;
	v33 =	vld [tilespmem:s26+$0x4050];
	(xrf1) =	vsort.dscd.msk.f32 $0xffff, v36, v0;
	[tilespmem:s28+$0xC140] =	vst v14;
	_, v13, _ =	vpop (xrf1)  }
0x131: {  	v17 =	vbroadcast v21, $0x0;
	v36 =	vld [tilespmem:s26+$0x4120];
	v28 =	vand.u32 $0x7FFFFFFF, v30;
	(xrf1) =	vsort.dscd.msk.f32 $0xffff, v22, v0;
	v32 =	vbroadcast v13, $0x0;
	_, v21, _ =	vpop (xrf1)  }
0x132: {  	vm0 =	veq.s32 v37, v0;
	v13 =	vld [tilespmem:s26+$0x4040];
	v23 =	vbroadcast v21, $0x0;
	[tilespmem:s28+$0xC170] =	vst v35;
	_, v35, _ =	vpop (xrf1);
	v14 =	vmov v30  }
0x133: {  	v11 =	vnsel vm0, $0x0, v11;
	vm0 =	veq.s32 v17, v0;
	v22 =	vand.u32 $0x7FFFFFFF, v6;
	v21 =	vld [tilespmem:s26+$0x4070];
	[tilespmem:s28+$0xC130] =	vst v34;
	_, v30, _ =	vpop (xrf1)  }
0x134: {  	vm1 =	veq.s32 v20, v0;
	v34 =	vand.u32 $0x7FFFFFFF, v29;
	v39 =	vnsel vm0, $0x0, v2;
	v2 =	vmovc v27;
	v17 =	vld [tilespmem:s26+$0x4010];
	(xrf1) =	vsort.dscd.msk.f32 $0xffff, v22, v0  }
0x135: {  	v40 =	vnsel vm1, $0x0, v18;
	v37 =	vand.u32 $0x7FFFFFFF, v2;
	v38 =	vbroadcast v30, $0x0;
	v22 =	vld [tilespmem:s26+$0x4020];
	[tilespmem:s28+$0xC160] =	vst v39;
	_, v20, _ =	vpop (xrf1)  }
0x136: {  	v27 =	vand.u32 $0x7FFFFFFF, v7;
	v41 =	vand.u32 $0x7FFFFFFF, v36;
	(xrf1) =	vsort.dscd.msk.f32 $0xffff, v28, v0;
	[tilespmem:s28+$0xC120] =	vst v40;
	_, v18, _ =	vpop (xrf1)  }
0x137: {  	vm1 =	veq.s32 v32, v0;
	v28 =	vbroadcast v20, $0x0;
	v18 =	vbroadcast v18, $0x0;
	[tilespmem:s28+$0xC150] =	vst v11;
	_, v32, _ =	vpop (xrf1)  }
0x138: {  	v40 =	vand.u32 $0x7FFFFFFF, v33;
	v39 =	vand.u32 $0x7FFFFFFF, v13;
	v11 =	vmovc v29;
	(xrf1) =	vsort.dscd.msk.f32 $0xffff, v41, v0;
	[tilespmem:s28+$0xC060] =	vst v31  }
0x139: {  	v31 =	vand.u32 $0x7FFFFFFF, v21;
	v32 =	vbroadcast v32, $0x0;
	v20 =	vld [tilespmem:s26+$0x4030];
	(xrf1) =	vsort.dscd.msk.f32 $0xffff, v34, v0;
	v34 =	vbroadcast v35, $0x0;
	_, v30, _ =	vpop (xrf1)  }
.Ltmp4:
0x13a: {  	v29 =	vand.u32 $0x7FFFFFFF, v17;
	v35 =	vand.u32 $0x7FFFFFFF, v22;
	(xrf1) =	vsort.dscd.msk.f32 $0xffff, v37, v0;
	v30 =	vbroadcast v30, $0x0;
	_, v37, _ =	vpop (xrf1);
	(pc) =	sbr.rel @p1 .LBB2_7-.Ltmp4, $4  }
0x13b: {  	vm0 =	veq.s32 v18, v0;
	(xrf1) =	vsort.dscd.msk.f32 $0xffff, v31, v0;
	vm2 =	veq.s32 v34, v0;
	v37 =	vbroadcast v37, $0x0  }
0x13c: {  	v26 =	vnsel vm1, $0x0, v26;
	vm3 =	veq.s32 v38, v0;
	(xrf1) =	vsort.dscd.msk.f32 $0xffff, v39, v0;
	v31 =	vnsel vm2, $0x0, v3;
	v3 =	vmovc v33  }
0x13d: {  	v25 =	vnsel vm3, $0x0, v25;
	v18 =	vmovc v36;
	(xrf1) =	vsort.dscd.msk.f32 $0xffff, v40, v0;
	[tilespmem:s28+$0xC070] =	vst v26;
	vm1 =	veq.s32 v37, v0  }
0x13e: {  	v33 =	vand.u32 $0x7FFFFFFF, v20;
	(xrf1) =	vsort.dscd.msk.f32 $0xffff, v35, v0;
	_, v34, _ =	vpop (xrf1);
	[tilespmem:s28+$0xC050] =	vst v31;
	v31 =	vnsel vm1, $0x0, v24  }
0x13f: {  	v24 =	vand.u32 $0x7FFFFFFF, v5  }
0x140: {  	(xrf1) =	vsort.dscd.msk.f32 $0xffff, v24, v0  }
0x141: {  	vm1 =	veq.s32 v32, v0;
	v16 =	vnsel vm0, $0x0, v16;
	(xrf1) =	vsort.dscd.msk.f32 $0xffff, v29, v0  }
0x142: {  	vm0 =	veq.s32 v23, v0;
	v8 =	vnsel vm1, $0x0, v8;
	(xrf1) =	vsort.dscd.msk.f32 $0xffff, v27, v0  }
0x143: {  	vm1 =	veq.s32 v28, v0;
	[tilespmem:s28+$0xC000] =	vst v8;
	v8 =	vnsel vm0, $0x0, v10;
	(xrf1) =	vsort.dscd.msk.f32 $0xffff, v33, v0;
	_, v24, _ =	vpop (xrf1)  }
0x144: {  	v4 =	vnsel vm1, $0x0, v4;
	(xrf1) =	vsort.dscd.msk.f32 $0xffff, v19, v0;
	_, v19, _ =	vpop (xrf1)  }
0x145: {  	[tilespmem:s28+$0xC010] =	vst v16;
	_, v16, _ =	vpop (xrf1)  }
0x146: {  	v10 =	vbroadcast v16, $0x0;
	_, v16, _ =	vpop (xrf1)  }
0x147: {  	v23 =	vbroadcast v34, $0x0;
	vm0 =	veq.s32 v30, v0;
	[tilespmem:s28+$0xC040] =	vst v8;
	_, v8, _ =	vpop (xrf1)  }
0x148: {  	v15 =	vnsel vm0, $0x0, v15;
	[tilespmem:s28+$0xC100] =	vst v4;
	v24 =	vbroadcast v24, $0x0;
	vm0 =	veq.s32 v10, v0;
	_, v4, _ =	vpop (xrf1)  }
0x149: {  	vm1 =	veq.s32 v23, v0;
	v10 =	vnsel vm0, $0x0, v14;
	v4 =	vbroadcast v4, $0x0  }
0x14a: {  	v9 =	vnsel vm1, $0x0, v9;
	[tilespmem:s28+$0xC030] =	vst v15;
	v15 =	vbroadcast v16, $0x0;
	vm0 =	veq.s32 v24, v0  }
0x14b: {  	[tilespmem:s28+$0xC020] =	vst v25;
	v8 =	vbroadcast v8, $0x0;
	v12 =	vnsel vm0, $0x0, v12;
	vm0 =	veq.s32 v4, v0  }
0x14c: {  	[tilespmem:s28+$0xC110] =	vst v31;
	_, v14, _ =	vpop (xrf1);
	vm1 =	veq.s32 v15, v0;
	v4 =	vbroadcast v19, $0x0;
	v2 =	vnsel vm0, $0x0, v2  }
0x14d: {  	[tilespmem:s26+$0xC140] =	vst v10;
	vm0 =	veq.s32 v8, v0;
	v8 =	vnsel vm1, $0x0, v18;
	_, v10, _ =	vpop (xrf1)  }
0x14e: {  	[tilespmem:s26+$0xC170] =	vst v9;
	vm1 =	veq.s32 v4, v0;
	v4 =	vnsel vm0, $0x0, v11;
	_, v9, _ =	vpop (xrf1)  }
0x14f: {  	[tilespmem:s26+$0xC130] =	vst v12;
	v6 =	vnsel vm1, $0x0, v6;
	_, v12, _ =	vpop (xrf1)  }
0x150: {  	v14 =	vbroadcast v14, $0x0;
	[tilespmem:s26+$0xC160] =	vst v2;
	_, v2, _ =	vpop (xrf1)  }
0x151: {  	[tilespmem:s26+$0xC120] =	vst v8;
	v9 =	vbroadcast v9, $0x0;
	_, v8, _ =	vpop (xrf1)  }
0x152: {  	vm0 =	veq.s32 v14, v0;
	[tilespmem:s26+$0xC150] =	vst v4;
	v11 =	vbroadcast v12, $0x0;
	_, v4, _ =	vpop (xrf1)  }
0x153: {  	[tilespmem:s26+$0xC060] =	vst v6;
	vm1 =	veq.s32 v9, v0;
	v9 =	vnsel vm0, $0x0, v21;
	v8 =	vbroadcast v8, $0x0;
	_, v6, _ =	vpop (xrf1)  }
0x154: {  	vm0 =	veq.s32 v11, v0;
	v3 =	vnsel vm1, $0x0, v3;
	[tilespmem:s26+$0xC070] =	vst v9;
	v4 =	vbroadcast v4, $0x0;
	_, v12, _ =	vpop (xrf1)  }
0x155: {  	v9 =	vnsel vm0, $0x0, v22;
	[tilespmem:s26+$0xC050] =	vst v3;
	vm1 =	veq.s32 v8, v0;
	v8 =	vbroadcast v12, $0x0  }
0x156: {  	v3 =	vbroadcast v10, $0x0;
	[tilespmem:s26+$0xC020] =	vst v9;
	vm0 =	veq.s32 v4, v0;
	v4 =	vnsel vm1, $0x0, v17  }
0x157: {  	v2 =	vbroadcast v2, $0x0;
	v7 =	vnsel vm0, $0x0, v7;
	[tilespmem:s26+$0xC010] =	vst v4;
	vm1 =	veq.s32 v8, v0  }
0x158: {  	v4 =	vbroadcast v6, $0x0;
	vm0 =	veq.s32 v3, v0;
	[tilespmem:s26+$0xC000] =	vst v7;
	v1 =	vnsel vm1, $0x0, v1  }
0x159: {  	vm1 =	veq.s32 v2, v0;
	v2 =	vnsel vm0, $0x0, v13;
	[tilespmem:s26+$0xC110] =	vst v1  }
0x15a: {  	vm0 =	veq.s32 v4, v0;
	v1 =	vnsel vm1, $0x0, v5;
	[tilespmem:s26+$0xC040] =	vst v2  }
0x15b: {  	v2 =	vnsel vm0, $0x0, v20;
	[tilespmem:s26+$0xC100] =	vst v1  }
0x15c: {  	[tilespmem:s26+$0xC030] =	vst v2  }
0x15d: {  	v13 =	vld [tilespmem:s25+$0x41F0]  }
0x15e: {  	v17 =	vld [tilespmem:s25+$0x41B0]  }
0x15f: {  	v19 =	vld [tilespmem:s25+$0x40E0]  }
0x160: {  	v4 =	vld [tilespmem:s25+$0x41C0];
	_ =	sdelay $0x1  }
0x161: {  	v1 =	vand.u32 $0x7FFFFFFF, v13  }
0x162: {  	v2 =	vand.u32 $0x7FFFFFFF, v17;
	(xrf1) =	vsort.dscd.msk.f32 $0xffff, v1, v0  }
0x163: {  	v25 =	vld [tilespmem:s25+$0x41A0];
	v1 =	vand.u32 $0x7FFFFFFF, v19;
	(xrf1) =	vsort.dscd.msk.f32 $0xffff, v2, v0  }
0x164: {  	v22 =	vld [tilespmem:s25+$0x41D0];
	v2 =	vand.u32 $0x7FFFFFFF, v4;
	(xrf1) =	vsort.dscd.msk.f32 $0xffff, v1, v0  }
0x165: {  	v20 =	vld [tilespmem:s25+$0x41E0];
	(xrf1) =	vsort.dscd.msk.f32 $0xffff, v2, v0  }
0x166: {  	v26 =	vld [tilespmem:s25+$0x40F0]  }
0x167: {  	v31 =	vld [tilespmem:s25+$0x40D0]  }
0x168: {  	v1 =	vand.u32 $0x7FFFFFFF, v25  }
0x169: {  	v10 =	vld [tilespmem:s25+$0x40C0];
	v2 =	vand.u32 $0x7FFFFFFF, v22;
	(xrf1) =	vsort.dscd.msk.f32 $0xffff, v1, v0  }
0x16a: {  	v5 =	vld [tilespmem:s25+$0x4180];
	v1 =	vand.u32 $0x7FFFFFFF, v20;
	(xrf1) =	vsort.dscd.msk.f32 $0xffff, v2, v0  }
0x16b: {  	v54 =	vld [tilespmem:s25+$0x40A0];
	v2 =	vand.u32 $0x7FFFFFFF, v26;
	(xrf1) =	vsort.dscd.msk.f32 $0xffff, v1, v0  }
0x16c: {  	v24 =	vld [tilespmem:s25+$0x4190];
	(xrf1) =	vsort.dscd.msk.f32 $0xffff, v2, v0;
	v2 =	vand.u32 $0x7FFFFFFF, v31  }
0x16d: {  	v8 =	vld [tilespmem:s25+$0x4080]  }
0x16e: {  	v16 =	vld [tilespmem:s25+$0x4090];
	v1 =	vand.u32 $0x7FFFFFFF, v10  }
0x16f: {  	v15 =	vld [tilespmem:s25+$0x40B0];
	v6 =	vand.u32 $0x7FFFFFFF, v5;
	(xrf1) =	vsort.dscd.msk.f32 $0xffff, v1, v0  }
0x170: {  	v9 =	vld [tilespmem:s24+$0x41F0];
	v3 =	vand.u32 $0x7FFFFFFF, v54;
	(xrf1) =	vsort.dscd.msk.f32 $0xffff, v2, v0;
	_, v2, _ =	vpop (xrf1)  }
0x171: {  	v12 =	vld [tilespmem:s24+$0x41B0];
	(xrf1) =	vsort.dscd.msk.f32 $0xffff, v3, v0;
	_, v18, _ =	vpop (xrf1)  }
0x172: {  	v11 =	vld [tilespmem:s24+$0x41D0];
	_, v21, _ =	vpop (xrf1)  }
0x173: {  	v14 =	vld [tilespmem:s24+$0x41C0];
	v7 =	vand.u32 $0x7FFFFFFF, v16;
	v27 =	vand.u32 $0x7FFFFFFF, v24;
	(xrf1) =	vsort.dscd.msk.f32 $0xffff, v6, v0;
	_, v6, _ =	vpop (xrf1);
	v21 =	vbroadcast v21, $0x0  }
0x174: {  	v1 =	vld [tilespmem:s24+$0x4190];
	(xrf1) =	vsort.dscd.msk.f32 $0xffff, v7, v0;
	v7 =	vand.u32 $0x7FFFFFFF, v8;
	v23 =	vbroadcast v6, $0x0  }
0x175: {  	v28 =	vand.u32 $0x7FFFFFFF, v15;
	v3 =	vld [tilespmem:s24+$0x41E0];
	v29 =	vbroadcast v2, $0x0;
	(xrf1) =	vsort.dscd.msk.f32 $0xffff, v7, v0;
	v18 =	vbroadcast v18, $0x0  }
0x176: {  	v2 =	vld [tilespmem:s24+$0x4180];
	(xrf1) =	vsort.dscd.msk.f32 $0xffff, v28, v0;
	vm0 =	veq.s32 v23, v0  }
0x177: {  	v7 =	vld [tilespmem:s24+$0x40E0];
	vm1 =	veq.s32 v29, v0;
	(xrf1) =	vsort.dscd.msk.f32 $0xffff, v27, v0;
	_, v27, _ =	vpop (xrf1);
	v23 =	vnsel vm0, $0x0, v4;
	vm0 =	veq.s32 v18, v0  }
0x178: {  	v28 =	vand.u32 $0x7FFFFFFF, v9;
	v6 =	vld [tilespmem:s24+$0x4080];
	v17 =	vnsel vm0, $0x0, v17;
	vm0 =	veq.s32 v21, v0;
	_, v21, _ =	vpop (xrf1)  }
0x179: {  	v4 =	vld [tilespmem:s24+$0x40D0];
	[tilespmem:s25+$0xC1C0] =	vst v23;
	v23 =	vnsel vm1, $0x0, v13;
	_, v30, _ =	vpop (xrf1);
	(xrf1) =	vsort.dscd.msk.f32 $0xffff, v28, v0;
	v28 =	vbroadcast v21, $0x0  }
0x17a: {  	v56 =	vand.u32 $0x7FFFFFFF, v12;
	v30 =	vbroadcast v30, $0x0  }
0x17b: {  	v27 =	vbroadcast v27, $0x0;
	v18 =	vld [tilespmem:s24+$0x41A0];
	v29 =	vnsel vm0, $0x0, v19;
	vm0 =	veq.s32 v28, v0  }
0x17c: {  	v13 =	vld [tilespmem:s24+$0x40C0];
	[tilespmem:s25+$0xC1F0] =	vst v23;
	_, v55, _ =	vpop (xrf1);
	(xrf1) =	vsort.dscd.msk.f32 $0xffff, v56, v0;
	v36 =	vnsel vm0, $0x0, v22;
	vm0 =	veq.s32 v30, v0  }
0x17d: {  	vm1 =	veq.s32 v27, v0;
	v21 =	vld [tilespmem:s24+$0x40F0];
	[tilespmem:s25+$0xC1B0] =	vst v17;
	_, v23, _ =	vpop (xrf1);
	v20 =	vnsel vm0, $0x0, v20  }
0x17e: {  	v35 =	vand.u32 $0x7FFFFFFF, v14;
	v37 =	vand.u32 $0x7FFFFFFF, v11;
	v25 =	vnsel vm1, $0x0, v25;
	v17 =	vld [tilespmem:s24+$0x4090];
	_, v57, _ =	vpop (xrf1)  }
0x17f: {  	v38 =	vand.u32 $0x7FFFFFFF, v3;
	v32 =	vbroadcast v55, $0x0;
	v28 =	vand.u32 $0x7FFFFFFF, v7;
	v22 =	vld [tilespmem:s24+$0x40A0];
	[tilespmem:s25+$0xC1A0] =	vst v25;
	_, v30, _ =	vpop (xrf1)  }
0x180: {  	(xrf1) =	vsort.dscd.msk.f32 $0xffff, v28, v0;
	[tilespmem:s25+$0xC0E0] =	vst v29;
	v39 =	vbroadcast v30, $0x0;
	v30 =	vand.u32 $0x7FFFFFFF, v18  }
0x181: {  	v19 =	vand.u32 $0x7FFFFFFF, v1;
	v27 =	vand.u32 $0x7FFFFFFF, v6;
	v60 =	vand.u32 $0x7FFFFFFF, v4;
	[tilespmem:s25+$0xC1E0] =	vst v20;
	_, v20, _ =	vpop (xrf1)  }
0x182: {  	v23 =	vbroadcast v23, $0x0;
	(xrf1) =	vsort.dscd.msk.f32 $0xffff, v35, v0;
	vm1 =	veq.s32 v32, v0;
	v34 =	vbroadcast v57, $0x0;
	_, v25, _ =	vpop (xrf1)  }
0x183: {  	[tilespmem:s25+$0xC1D0] =	vst v36;
	v59 =	vand.u32 $0x7FFFFFFF, v13;
	v26 =	vnsel vm1, $0x0, v26;
	(xrf1) =	vsort.dscd.msk.f32 $0xffff, v30, v0;
	_, v58, _ =	vpop (xrf1)  }
0x184: {  	v40 =	vand.u32 $0x7FFFFFFF, v21;
	vm2 =	veq.s32 v34, v0;
	v28 =	vbroadcast v20, $0x0;
	v20 =	vld [tilespmem:s24+$0x40B0];
	(xrf1) =	vsort.dscd.msk.f32 $0xffff, v37, v0;
	_, v30, _ =	vpop (xrf1)  }
0x185: {  	v29 =	vand.u32 $0x7FFFFFFF, v17;
	v61 =	vand.u32 $0x7FFFFFFF, v22;
	v31 =	vnsel vm2, $0x0, v31;
	(xrf1) =	vsort.dscd.msk.f32 $0xffff, v38, v0;
	_, v62, _ =	vpop (xrf1)  }
0x186: {  	[tilespmem:s25+$0xC0F0] =	vst v26;
	v25 =	vbroadcast v25, $0x0;
	(xrf1) =	vsort.dscd.msk.f32 $0xffff, v40, v0;
	v63 =	vbroadcast v62, $0x0  }
0x187: {  	vm3 =	veq.s32 v39, v0;
	[tilespmem:s25+$0xC0D0] =	vst v31;
	v32 =	vbroadcast v58, $0x0;
	(xrf1) =	vsort.dscd.msk.f32 $0xffff, v59, v0  }
0x188: {  	v30 =	vbroadcast v30, $0x0;
	vm0 =	veq.s32 v25, v0;
	(xrf1) =	vsort.dscd.msk.f32 $0xffff, v60, v0;
	vm1 =	veq.s32 v63, v0  }
0x189: {  	s26 =	simm.s32 $0x1000;
	v25 =	vnsel vm3, $0x0, v54;
	v33 =	vand.u32 $0x7FFFFFFF, v20;
	(xrf1) =	vsort.dscd.msk.f32 $0xffff, v61, v0;
	_, v34, _ =	vpop (xrf1);
	v31 =	vnsel vm1, $0x0, v24  }
.LBB2_9:
0x18a: {  	_, v36, _ =	vpop (xrf1);
	vm1 =	veq.s32 v32, v0  }
0x18b: {  	s28 =	sshra.s32 s26, $0x2;
	p1 =	sne.s32 s26, $0xF800;
	s26 =	sadd.s32 $0x800, s26;
	v35 =	vand.u32 $0x7FFFFFFF, v2;
	[tilespmem:s25+$0xC0A0] =	vst v25;
	vm2 =	veq.s32 v30, v0;
	v24 =	vmovc v1;
	v26 =	vmovc v21;
	v25 =	vmov v22  }
0x18c: {  	v21 =	vld [tilespmem:s28+$0x41F0];
	v22 =	vbroadcast v36, $0x0;
	(xrf1) =	vsort.dscd.msk.f32 $0xffff, v35, v0;
	v30 =	vnsel vm1, $0x0, v8;
	v32 =	vnsel vm2, $0x0, v15;
	v8 =	vmovc v6  }
0x18d: {  	v6 =	vbroadcast v34, $0x0;
	vm1 =	veq.s32 v23, v0;
	vm2 =	veq.s32 v28, v0;
	v1 =	vld [tilespmem:s28+$0x4190];
	(xrf1) =	vsort.dscd.msk.f32 $0xffff, v29, v0  }
0x18e: {  	v16 =	vnsel vm0, $0x0, v16;
	v23 =	vld [tilespmem:s28+$0x41B0];
	vm3 =	veq.s32 v22, v0;
	(xrf1) =	vsort.dscd.msk.f32 $0xffff, v27, v0;
	_, v15, _ =	vpop (xrf1);
	v22 =	vnsel vm1, $0x0, v10  }
0x18f: {  	v28 =	vnsel vm2, $0x0, v5;
	v5 =	vmovc v2;
	vm0 =	veq.s32 v6, v0;
	v10 =	vmovc v13;
	v27 =	vld [tilespmem:s28+$0x41E0];
	v36 =	vbroadcast v15, $0x0;
	[tilespmem:s25+$0xC090] =	vst v16  }
0x190: {  	v34 =	vnsel vm3, $0x0, v12;
	v35 =	vnsel vm0, $0x0, v9;
	v29 =	vld [tilespmem:s28+$0x41D0];
	(xrf1) =	vsort.dscd.msk.f32 $0xffff, v33, v0;
	_, v2, _ =	vpop (xrf1);
	[tilespmem:s25+$0xC080] =	vst v30  }
0x191: {  	v30 =	vld [tilespmem:s28+$0x41C0];
	vm0 =	veq.s32 v36, v0;
	v2 =	vbroadcast v2, $0x0;
	(xrf1) =	vsort.dscd.msk.f32 $0xffff, v19, v0;
	[tilespmem:s25+$0xC190] =	vst v31;
	v9 =	vmovc v21  }
0x192: {  	v16 =	vmov v17;
	v15 =	vmov v20;
	v6 =	vld [tilespmem:s28+$0x4080];
	v31 =	vnsel vm0, $0x0, v7;
	_, v12, _ =	vpop (xrf1);
	[tilespmem:s25+$0xC0C0] =	vst v22  }
0x193: {  	v36 =	vand.u32 $0x7FFFFFFF, v9;
	v7 =	vld [tilespmem:s28+$0x40E0];
	v20 =	vbroadcast v12, $0x0;
	vm0 =	veq.s32 v2, v0;
	_, v17, _ =	vpop (xrf1);
	[tilespmem:s25+$0xC180] =	vst v28  }
0x194: {  	v19 =	vand.u32 $0x7FFFFFFF, v1;
	v12 =	vmov v23;
	v2 =	vld [tilespmem:s28+$0x4180];
	v14 =	vnsel vm0, $0x0, v14;
	_, v21, _ =	vpop (xrf1);
	[tilespmem:s25+$0xC0B0] =	vst v32;
	s25 =	smov.u32 s24;
	s24 =	smov.u32 s28  }
0x195: {  	v22 =	vand.u32 $0x7FFFFFFF, v12;
	v37 =	vbroadcast v17, $0x0;
	v33 =	vld [tilespmem:s24+$0x40D0];
	(xrf1) =	vsort.dscd.msk.f32 $0xffff, v36, v0;
	[tilespmem:s25+$0xC1C0] =	vst v14;
	_, v13, _ =	vpop (xrf1)  }
0x196: {  	v17 =	vbroadcast v21, $0x0;
	v36 =	vld [tilespmem:s24+$0x41A0];
	v28 =	vand.u32 $0x7FFFFFFF, v30;
	(xrf1) =	vsort.dscd.msk.f32 $0xffff, v22, v0;
	v32 =	vbroadcast v13, $0x0;
	_, v21, _ =	vpop (xrf1)  }
0x197: {  	vm0 =	veq.s32 v37, v0;
	v13 =	vld [tilespmem:s24+$0x40C0];
	v23 =	vbroadcast v21, $0x0;
	[tilespmem:s25+$0xC1F0] =	vst v35;
	_, v35, _ =	vpop (xrf1);
	v14 =	vmov v30  }
0x198: {  	v11 =	vnsel vm0, $0x0, v11;
	vm0 =	veq.s32 v17, v0;
	v22 =	vand.u32 $0x7FFFFFFF, v7;
	v21 =	vld [tilespmem:s24+$0x40F0];
	[tilespmem:s25+$0xC1B0] =	vst v34;
	_, v30, _ =	vpop (xrf1)  }
0x199: {  	vm1 =	veq.s32 v20, v0;
	v34 =	vand.u32 $0x7FFFFFFF, v29;
	v39 =	vnsel vm0, $0x0, v3;
	v3 =	vmovc v27;
	v17 =	vld [tilespmem:s24+$0x4090];
	(xrf1) =	vsort.dscd.msk.f32 $0xffff, v22, v0  }
0x19a: {  	v40 =	vnsel vm1, $0x0, v18;
	v37 =	vand.u32 $0x7FFFFFFF, v3;
	v38 =	vbroadcast v30, $0x0;
	v22 =	vld [tilespmem:s24+$0x40A0];
	[tilespmem:s25+$0xC1E0] =	vst v39;
	_, v20, _ =	vpop (xrf1)  }
0x19b: {  	v27 =	vand.u32 $0x7FFFFFFF, v6;
	v41 =	vand.u32 $0x7FFFFFFF, v36;
	(xrf1) =	vsort.dscd.msk.f32 $0xffff, v28, v0;
	[tilespmem:s25+$0xC1A0] =	vst v40;
	_, v18, _ =	vpop (xrf1)  }
0x19c: {  	vm1 =	veq.s32 v32, v0;
	v28 =	vbroadcast v20, $0x0;
	v18 =	vbroadcast v18, $0x0;
	[tilespmem:s25+$0xC1D0] =	vst v11;
	_, v32, _ =	vpop (xrf1)  }
0x19d: {  	v40 =	vand.u32 $0x7FFFFFFF, v33;
	v39 =	vand.u32 $0x7FFFFFFF, v13;
	v11 =	vmovc v29;
	(xrf1) =	vsort.dscd.msk.f32 $0xffff, v41, v0;
	[tilespmem:s25+$0xC0E0] =	vst v31  }
0x19e: {  	v31 =	vand.u32 $0x7FFFFFFF, v21;
	v32 =	vbroadcast v32, $0x0;
	v20 =	vld [tilespmem:s24+$0x40B0];
	(xrf1) =	vsort.dscd.msk.f32 $0xffff, v34, v0;
	v34 =	vbroadcast v35, $0x0;
	_, v30, _ =	vpop (xrf1)  }
.Ltmp5:
0x19f: {  	v29 =	vand.u32 $0x7FFFFFFF, v17;
	v35 =	vand.u32 $0x7FFFFFFF, v22;
	(xrf1) =	vsort.dscd.msk.f32 $0xffff, v37, v0;
	v30 =	vbroadcast v30, $0x0;
	_, v37, _ =	vpop (xrf1);
	(pc) =	sbr.rel @p1 .LBB2_9-.Ltmp5, $4  }
0x1a0: {  	vm0 =	veq.s32 v18, v0;
	(xrf1) =	vsort.dscd.msk.f32 $0xffff, v31, v0;
	vm2 =	veq.s32 v34, v0;
	v37 =	vbroadcast v37, $0x0  }
0x1a1: {  	v26 =	vnsel vm1, $0x0, v26;
	vm3 =	veq.s32 v38, v0;
	(xrf1) =	vsort.dscd.msk.f32 $0xffff, v39, v0;
	v31 =	vnsel vm2, $0x0, v4;
	v4 =	vmovc v33  }
0x1a2: {  	v25 =	vnsel vm3, $0x0, v25;
	v18 =	vmovc v36;
	(xrf1) =	vsort.dscd.msk.f32 $0xffff, v40, v0;
	[tilespmem:s25+$0xC0F0] =	vst v26;
	vm1 =	veq.s32 v37, v0  }
0x1a3: {  	v33 =	vand.u32 $0x7FFFFFFF, v20;
	(xrf1) =	vsort.dscd.msk.f32 $0xffff, v35, v0;
	_, v34, _ =	vpop (xrf1);
	[tilespmem:s25+$0xC0D0] =	vst v31;
	v31 =	vnsel vm1, $0x0, v24  }
0x1a4: {  	_ =	sdelay $0x1  }
0x1a5: {  	v24 =	vand.u32 $0x7FFFFFFF, v2  }
0x1a6: {  	(xrf1) =	vsort.dscd.msk.f32 $0xffff, v24, v0  }
0x1a7: {  	_, v36, _ =	vpop (xrf1);
	(xrf1) =	vsort.dscd.msk.f32 $0xffff, v29, v0  }
0x1a8: {  	(xrf1) =	vsort.dscd.msk.f32 $0xffff, v27, v0;
	_, v37, _ =	vpop (xrf1)  }
0x1a9: {  	vm1 =	veq.s32 v32, v0;
	[tilespmem:s25+$0xC0A0] =	vst v25;
	v16 =	vnsel vm0, $0x0, v16;
	(xrf1) =	vsort.dscd.msk.f32 $0xffff, v33, v0;
	_, v38, _ =	vpop (xrf1)  }
0x1aa: {  	vm9 =	veq.s32 v23, v0;
	vm10 =	veq.s32 v28, v0;
	[tilespmem:s25+$0xC190] =	vst v31;
	(xrf1) =	vsort.dscd.msk.f32 $0xffff, v19, v0;
	_, v41, _ =	vpop (xrf1)  }
0x1ab: {  	vm11 =	veq.s32 v30, v0;
	v42 =	vbroadcast v34, $0x0;
	v8 =	vnsel vm1, $0x0, v8;
	[tilespmem:s25+$0xC090] =	vst v16;
	_, v43, _ =	vpop (xrf1)  }
0x1ac: {  	v39 =	vnsel vm9, $0x0, v10;
	v5 =	vnsel vm10, $0x0, v5;
	v24 =	vbroadcast v36, $0x0;
	[tilespmem:s25+$0xC080] =	vst v8;
	_, v44, _ =	vpop (xrf1)  }
0x1ad: {  	v15 =	vnsel vm11, $0x0, v15;
	[tilespmem:s25+$0xC180] =	vst v5;
	vm13 =	veq.s32 v42, v0;
	v5 =	vbroadcast v44, $0x0  }
0x1ae: {  	[tilespmem:s25+$0xC0C0] =	vst v39;
	vm14 =	veq.s32 v24, v0;
	v9 =	vnsel vm13, $0x0, v9;
	v49 =	vbroadcast v37, $0x0  }
0x1af: {  	[tilespmem:s25+$0xC0B0] =	vst v15;
	v12 =	vnsel vm14, $0x0, v12;
	v40 =	vbroadcast v38, $0x0;
	vm15 =	veq.s32 v5, v0  }
0x1b0: {  	[tilespmem:s24+$0xC1F0] =	vst v9;
	vm6 =	veq.s32 v49, v0;
	v46 =	vbroadcast v41, $0x0;
	_, v45, _ =	vpop (xrf1);
	v3 =	vnsel vm15, $0x0, v3  }
0x1b1: {  	[tilespmem:s24+$0xC1B0] =	vst v12;
	v7 =	vnsel vm6, $0x0, v7;
	vm12 =	veq.s32 v40, v0;
	v8 =	vbroadcast v43, $0x0;
	_, v47, _ =	vpop (xrf1)  }
0x1b2: {  	[tilespmem:s24+$0xC0E0] =	vst v7;
	v10 =	vnsel vm12, $0x0, v14;
	vm4 =	veq.s32 v46, v0;
	v14 =	vbroadcast v45, $0x0;
	_, v48, _ =	vpop (xrf1)  }
0x1b3: {  	[tilespmem:s24+$0xC1C0] =	vst v10;
	vm5 =	veq.s32 v8, v0;
	v51 =	vnsel vm4, $0x0, v18;
	_, v50, _ =	vpop (xrf1)  }
0x1b4: {  	v61 =	vbroadcast v47, $0x0;
	v9 =	vbroadcast v48, $0x0;
	vm7 =	veq.s32 v14, v0;
	[tilespmem:s24+$0xC1E0] =	vst v3;
	_, v3, _ =	vpop (xrf1)  }
0x1b5: {  	v52 =	vnsel vm5, $0x0, v11;
	[tilespmem:s24+$0xC1A0] =	vst v51;
	v54 =	vbroadcast v50, $0x0;
	v57 =	vnsel vm7, $0x0, v21;
	_, v53, _ =	vpop (xrf1)  }
0x1b6: {  	[tilespmem:s24+$0xC1D0] =	vst v52;
	vm13 =	veq.s32 v61, v0;
	vm8 =	veq.s32 v9, v0;
	v3 =	vbroadcast v3, $0x0;
	_, v55, _ =	vpop (xrf1)  }
0x1b7: {  	[tilespmem:s24+$0xC0F0] =	vst v57;
	vm9 =	veq.s32 v54, v0;
	v4 =	vnsel vm8, $0x0, v4;
	v8 =	vbroadcast v53, $0x0;
	_, v56, _ =	vpop (xrf1)  }
0x1b8: {  	s31 =	sadd.s32 s7, s22;
	v60 =	vnsel vm9, $0x0, v22;
	[tilespmem:s24+$0xC0D0] =	vst v4;
	v5 =	vbroadcast v55, $0x0;
	vm14 =	veq.s32 v3, v0;
	_, v58, _ =	vpop (xrf1)  }
0x1b9: {  	s25 =	sshll.u32 s31, $0xD;
	[tilespmem:s24+$0xC0A0] =	vst v60;
	v3 =	vnsel vm13, $0x0, v13;
	vm10 =	veq.s32 v8, v0;
	v59 =	vbroadcast v58, $0x0  }
0x1ba: {  	s25 =	sand.u32 $0x7F0000, s25;
	[tilespmem:s24+$0xC0C0] =	vst v3;
	vm11 =	veq.s32 v5, v0;
	v62 =	vnsel vm10, $0x0, v17  }
0x1bb: {  	s23 =	sor.u32 s25, s23;
	v63 =	vbroadcast v56, $0x0;
	v6 =	vnsel vm11, $0x0, v6;
	[tilespmem:s24+$0xC090] =	vst v62;
	vm12 =	veq.s32 v59, v0  }
.Ltmp6:
0x1bc: {  	s23 =	sor.u32 s5, s23;
	[tilespmem:s24+$0xC080] =	vst v6;
	v1 =	vnsel vm12, $0x0, v1;
	(pc) =	sbr.rel @p0 .LBB2_12-.Ltmp6, $4  }
0x1bd: {  	s23 =	sshrl.u32 s23, $0x3;
	vm15 =	veq.s32 v63, v0;
	[tilespmem:s24+$0xC190] =	vst v1;
	v1 =	vnsel vm14, $0x0, v2  }
0x1be: {  	s23 =	sadd.s32 s23, s3;
	v2 =	vnsel vm15, $0x0, v20;
	[tilespmem:s24+$0xC180] =	vst v1  }
0x1bf: {  	s23 =	sadd.s32 $0x20, s23;
	[tilespmem:s24+$0xC0B0] =	vst v2  }
0x1c0: {  	[hbm4b:s23+s11] =	stream.strided.scatter [tilespmem:s17], [sflag:$0x4], $0x4000, s12, s11, $0x38;
	[tilespmem:$0x10000] =	vst v63  }
0x1c1: {  	s22 =	sadd.s32 $0x6, s22  }
0x1c2: {  	s23 =	sadd.s32 s7, s22  }
0x1c3: {  	s23 =	sshll.u32 s23, $0xD  }
0x1c4: {  	s22 =	sshll.u32 s22, $0x7;
	s23 =	sand.u32 $0xFF0000, s23  }
.Ltmp7:
0x1c5: {  	s22 =	sand.u32 $0x300, s22;
	s23 =	sadd.s32 s5, s23;
	(pc) =	sbr.rel .LBB2_2-.Ltmp7, $4  }
0x1c6: {  	s22 =	sor.u32 s22, s23  }
0x1c7: {  	s22 =	sshrl.u32 s22, $0x3  }
0x1c8: {  	s21 =	sadd.s32 $0x1, s21;
	s22 =	sadd.s32 s2, s22  }
0x1c9: {  	[tilespmem:s13], [sflag:$0x2] =	stream.strided.gather [hbm4b:s22+s11], $0x4000, s12, s11, $0x38;
	[tilespmem:$0x10000] =	vst v63  }
.LBB2_13:
0x1ca: {  	_ =	sfence.sel $0x180000  }
0x1cb: {  	[bflag:$0x0] =	sbarrier.arrive $0xFFFF  }
0x1cc: {  	p0 =	sne.s32 s0, $0x0;
	_ =	strace $0x90000047  }
0x1cd: {  	s0 =	sadd.s32 @!p0 $0x100000, s1;
	[bflag:$0x2] =	sbarrier.arrive $0xFFFF  }
0x1ce: {  	[sflag:s0] =	ssyncadd.tile.s32 @!p0 $0x1;
	_ =	shalt  }
.Lfunc_end2:
_tile_overlayer_lowered:
.L_overlay_start_2:
0x1cf: {  	(tag) =	ssettag $0x2  }
0x1d0: {  	s0 =	rddreg [dreg:$0x0];
	s2 =	stileid.u32  }
0x1d1: {  	s1 =	rddreg [dreg:$0x1];
	p0 =	sne.s32 s2, $0x0  }
0x1d2: {  	s3 =	rddreg [dreg:$0x2];
	[bflag:$0x3] =	sbarrier.arrive $0xFFFF;
	s2 =	simm.s32 @!p0 $0x1C05  }
0x1d3: {  	[timem:s3], [sflag:s2] =	dma.local @!p0 [hbm:s0], s1  }
0x1d4: {  	s0 =	simm.s32 @!p0 $0x5  }
0x1d5: {  	_ =	swait.ge @!p0 [sflag:s0], s1  }
0x1d6: {  	s1 =	ssub.s32 @!p0 $0x0, s1;
	[sflag:s0] =	ssyncset.done @!p0 $0x0  }
0x1d7: {  	[sflag:s0] =	ssyncadd.s32 @!p0 s1  }
0x1d8: {  	[bflag:$0x3] =	sbarrier.arrive $0xFFFF  }
0x1d9: {  	_ =	shalt  }

</sc_bundles>
